<compile_context>
chip_gen: v7x
topology: tpu7x:2x2x1
jax: 0.10.2.dev20260603
libtpu: 0.0.44.dev20260713+nightly
codegen_flags: <defaults>
</compile_context>

<pallas_src>
import functools

import jax
import jax.numpy as jnp
from jax import lax
from jax.experimental import pallas as pl
from jax.experimental.pallas import tpu as pltpu
from jax.experimental.pallas import tpu_sc as plsc

VOCAB = 1000000
EMBED_DIM = 32
BATCH = 16384
NUM_FIELDS = 26
TOTAL = BATCH * NUM_FIELDS

NUM_WORKERS = 32
PER_WORKER = TOTAL // NUM_WORKERS

NUM_TC = VOCAB // 128
TILES_MAIN = NUM_TC // NUM_WORKERS
TILES_EXTRA = NUM_TC - TILES_MAIN * NUM_WORKERS

CHUNK = 1024
NUM_CHUNKS = PER_WORKER // CHUNK
BLOCKS_PER_CHUNK = CHUNK // 128
NUM_BLOCKS = PER_WORKER // 128

NBUF = 4


def _splat(v):
    return jnp.full((16,), v, jnp.int32)


def _iota16():
    return lax.iota(jnp.int32, 16)


@jax.jit
def _convert(w2, x_t, w2c):
    mesh = plsc.VectorSubcoreMesh(core_axis_name="c", subcore_axis_name="s")

    @functools.partial(
        pl.kernel,
        mesh=mesh,
        out_type=(
            jax.ShapeDtypeStruct((VOCAB * EMBED_DIM // 128, 128), jnp.float32),
            jax.ShapeDtypeStruct((TOTAL,), jnp.int32),
        ),
        scratch_types=[
            pltpu.VMEM((NBUF * EMBED_DIM, 128), jnp.float32),
            pltpu.VMEM((NBUF * EMBED_DIM, 132), jnp.float32),
            pltpu.VMEM((NUM_FIELDS, BATCH // NUM_WORKERS), jnp.int32),
            pltpu.SemaphoreType.DMA((NBUF,)),
            pltpu.SemaphoreType.DMA((NBUF,)),
            pltpu.SemaphoreType.DMA,
        ],
        compiler_params=pltpu.CompilerParams(
            use_tc_tiling_on_sc=True, needs_layout_passes=False
        ),
    )
    def conv(w2_hbm, xt_hbm, w2c_hbm, wl_hbm, idxf_hbm, in_v, st_v, ix_v,
             gsem, osem, isem):
        wid = lax.axis_index("s") * 2 + lax.axis_index("c")

        def tc_of(i):
            return wid + NUM_WORKERS * i

        def in_copy(i, slot):
            return pltpu.make_async_copy(
                w2_hbm.at[:, pl.ds(tc_of(i) * 128, 128)],
                in_v.at[pl.ds(slot * EMBED_DIM, EMBED_DIM)],
                gsem.at[slot],
            )

        def out_copy(i, slot):
            return pltpu.make_async_copy(
                st_v.at[pl.ds(slot * EMBED_DIM, EMBED_DIM), pl.ds(0, 128)],
                wl_hbm.at[pl.ds(tc_of(i) * EMBED_DIM, EMBED_DIM)],
                osem.at[slot],
            )

        iota = _iota16()
        irow = lax.shift_right_logical(iota, 2)
        icol = lax.bitwise_and(iota, 3) * EMBED_DIM

        def transpose(in_row0, st_row0):
            rbase = irow + st_row0

            @plsc.parallel_loop(0, EMBED_DIM, step=1, unroll=8)
            def _eloop(e):
                colv = icol + e
                for g in range(8):
                    a = in_v[in_row0 + e, pl.ds(g * 16, 16)]
                    plsc.store_scatter(st_v, [rbase + g * 4, colv], a)

        for j in range(3):
            in_copy(j, j).start()

        bcols = BATCH // NUM_WORKERS
        b0 = wid * bcols
        pltpu.sync_copy(xt_hbm.at[:, pl.ds(b0, bcols)], ix_v)
        for f in range(NUM_FIELDS):
            pltpu.async_copy(
                ix_v.at[f], idxf_hbm.at[pl.ds(f * BATCH + b0, bcols)], isem
            )
        for f in range(NUM_FIELDS):
            pltpu.make_async_copy(
                ix_v.at[f], idxf_hbm.at[pl.ds(f * BATCH + b0, bcols)], isem
            ).wait()

        def step(i, _):
            sl = lax.rem(i, NBUF)
            in_copy(i, sl).wait()

            @pl.when(i + 3 < TILES_MAIN)
            def _():
                in_copy(i + 3, lax.rem(i + 3, NBUF)).start()

            @pl.when(i >= NBUF)
            def _():
                out_copy(i - NBUF, sl).wait()

            transpose(sl * EMBED_DIM, sl * EMBED_DIM)
            out_copy(i, sl).start()
            return _

        lax.fori_loop(0, TILES_MAIN, step, None)

        for j in range(NBUF):
            out_copy(TILES_MAIN - NBUF + j, j).wait()

        @pl.when(wid < TILES_EXTRA)
        def _():
            tc = TILES_MAIN * NUM_WORKERS + wid
            pltpu.sync_copy(
                w2_hbm.at[:, pl.ds(tc * 128, 128)],
                in_v.at[pl.ds(0, EMBED_DIM)],
            )
            transpose(0, 0)
            pltpu.sync_copy(
                st_v.at[pl.ds(0, EMBED_DIM), pl.ds(0, 128)],
                wl_hbm.at[pl.ds(tc * EMBED_DIM, EMBED_DIM)],
            )

        @pl.when(wid == NUM_WORKERS - 1)
        def _():
            pltpu.sync_copy(w2c_hbm, in_v.at[pl.ds(0, EMBED_DIM)])
            transpose(0, 0)
            pltpu.sync_copy(
                st_v.at[pl.ds(16, 16), pl.ds(0, 128)],
                wl_hbm.at[pl.ds(VOCAB * EMBED_DIM // 128 - 16, 16)],
            )

    return conv(w2, x_t, w2c)


@jax.jit
def _gather(idx_f, table):
    mesh = plsc.VectorSubcoreMesh(core_axis_name="c", subcore_axis_name="s")

    @functools.partial(
        pl.kernel,
        mesh=mesh,
        out_type=jax.ShapeDtypeStruct(
            (NUM_FIELDS, 4, BATCH // 128, 8, 128), jnp.float32
        ),
        scratch_types=[
            pltpu.VMEM((PER_WORKER,), jnp.int32),
            pltpu.VMEM((2 * CHUNK, EMBED_DIM), jnp.float32),
            pltpu.VMEM((NBUF * EMBED_DIM, 129), jnp.float32),
            pltpu.SemaphoreType.DMA((2,)),
            pltpu.SemaphoreType.DMA((NBUF,)),
        ],
        compiler_params=pltpu.CompilerParams(
            use_tc_tiling_on_sc=False, needs_layout_passes=False
        ),
    )
    def gath(idx_hbm, tab_hbm, o5_hbm, idx_v, rows_v, st_v, gsem, osem):
        wid = lax.axis_index("s") * 2 + lax.axis_index("c")
        base = wid * PER_WORKER
        pltpu.sync_copy(idx_hbm.at[pl.ds(base, PER_WORKER)], idx_v)

        iota = _iota16()

        def gather_copy(k, slot):
            return pltpu.make_async_copy(
                tab_hbm.at[idx_v.at[pl.ds(k * CHUNK, CHUNK)]],
                rows_v.at[pl.ds(slot * CHUNK, CHUNK)],
                gsem.at[slot],
            )

        gather_copy(0, 0).start()

        def block_step(gb, _):
            k = gb // BLOCKS_PER_CHUNK
            b = lax.rem(gb, BLOCKS_PER_CHUNK)
            slot = lax.rem(k, 2)
            jb = lax.rem(gb, NBUF)

            @pl.when(b == 0)
            def _():
                gather_copy(k, slot).wait()

                @pl.when(k + 1 < NUM_CHUNKS)
                def _():
                    gather_copy(k + 1, 1 - slot).start()

            @pl.when(gb >= NBUF)
            def _():
                for tr in range(4):
                    pltpu.make_async_copy(
                        st_v.at[pl.ds(jb * EMBED_DIM + tr * 8, 8), pl.ds(0, 128)],
                        o5_hbm.at[0, tr, 0],
                        osem.at[jb],
                    ).wait()

            pos_b = base + gb * 128
            f = pos_b // BATCH
            bc = lax.rem(pos_b, BATCH) // 128

            row0 = slot * CHUNK + b * 128
            jrow0 = iota + jb * EMBED_DIM
            jrow1 = jrow0 + 16

            @plsc.parallel_loop(0, 128, step=1, unroll=8)
            def _vloop(v):
                src_r = row0 + v
                a = rows_v[src_r, pl.ds(0, 16)]
                c = rows_v[src_r, pl.ds(16, 16)]
                colv = _splat(v)
                plsc.store_scatter(st_v, [jrow0, colv], a)
                plsc.store_scatter(st_v, [jrow1, colv], c)

            for tr in range(4):
                pltpu.async_copy(
                    st_v.at[pl.ds(jb * EMBED_DIM + tr * 8, 8), pl.ds(0, 128)],
                    o5_hbm.at[f, tr, bc],
                    osem.at[jb],
                )
            return _

        lax.fori_loop(0, NUM_BLOCKS, block_step, None)

        for jb in range(NBUF):
            for tr in range(4):
                pltpu.make_async_copy(
                    st_v.at[pl.ds(jb * EMBED_DIM + tr * 8, 8), pl.ds(0, 128)],
                    o5_hbm.at[0, tr, 0],
                    osem.at[jb],
                ).wait()

    return gath(idx_f, table)


def kernel(x, weight):
    w2 = weight.T
    x_t = x.T
    w2c = w2[:, VOCAB - 128:]
    wl, idx_f = _convert(w2, x_t, w2c)
    table = wl.reshape(VOCAB, EMBED_DIM)
    o5 = _gather(idx_f, table)
    return o5.transpose((2, 4, 0, 1, 3)).reshape(BATCH, NUM_FIELDS, EMBED_DIM)

# --- scband reference (transcript-rebuilt; emitter-appended) ---
"""Pipeline reference for scband-features-embedding-31894427140265 (READ-ONLY COPY).

The authoritative reference and input builder live on the scoring server;
editing this copy changes nothing except your own understanding.
"""

import jax, jax.numpy as jnp
import numpy as np

VOCAB = 1000000
EMBED_DIM = 32
BATCH = 16384
NUM_FIELDS = 26

def setup_inputs(seed: int = 0) -> dict:
    key = jax.random.key(seed)
    k_idx, k_w = jax.random.split(key)
    x = jax.random.randint(k_idx, (BATCH, NUM_FIELDS), 0, VOCAB, dtype=jnp.int64 if jax.config.jax_enable_x64 else jnp.int32)
    # xavier_uniform init for embedding weight of shape (VOCAB, EMBED_DIM)
    fan_in, fan_out = VOCAB, EMBED_DIM
    limit = float(np.sqrt(6.0 / (fan_in + fan_out)))
    weight = jax.random.uniform(k_w, (VOCAB, EMBED_DIM), minval=-limit, maxval=limit, dtype=jnp.float32)
    return {"x": x, "weight": weight}

def reference(x, weight):
    # torch.nn.Embedding lookup: out[b, f, :] = weight[x[b, f], :]
    return jnp.take(weight, x, axis=0)

if __name__ == "__main__":
    import jax
    _d = setup_inputs()
    print(jax.jit(kernel)(*tuple(_d.values())))

</pallas_src>

<mosaic_0001>
#map = affine_map<(d0, d1) -> (0, 0)>
#map1 = affine_map<(d0, d1) -> (0)>
module attributes {stable_mosaic.version = 14 : i64} {
  func.func @conv(%arg0: i32, %arg1: i32, %arg2: memref<32x1000000xf32, #tpu.memory_space<hbm>>, %arg3: memref<26x16384xi32, #tpu.memory_space<hbm>>, %arg4: memref<32x128xf32, #tpu.memory_space<hbm>>, %arg5: memref<250000x128xf32, #tpu.memory_space<hbm>>, %arg6: memref<425984xi32, #tpu.memory_space<hbm>>, %arg7: memref<128x128xf32, #tpu.memory_space<vmem>>, %arg8: memref<128x132xf32, #tpu.memory_space<vmem>>, %arg9: memref<26x512xi32, #tpu.memory_space<vmem>>, %arg10: memref<4x!tpu.dma_semaphore, #tpu.memory_space<semaphore_mem>>, %arg11: memref<4x!tpu.dma_semaphore, #tpu.memory_space<semaphore_mem>>, %arg12: memref<!tpu.dma_semaphore, #tpu.memory_space<semaphore_mem>>) attributes {dimension_semantics = [#tpu.dimension_semantics<core_parallel>, #tpu.dimension_semantics<subcore_parallel>], iteration_bounds = array<i64: 2, 16>, scalar_prefetch = 0 : i64, scratch_operands = 6 : i64, tpu.core_type = #tpu.core_type<sc_vector_subcore>, window_params = [{transform_indices = #map}, {transform_indices = #map}, {transform_indices = #map}, {transform_indices = #map}, {transform_indices = #map1}]} {
    %mul3A = arith.constant 2 : i32
    %mul3A_0 = arith.muli %arg1, %mul3A : i32
    %add3A = arith.addi %mul3A_0, %arg0 : i32
    %iota3A = tpu.iota {dimensions = array<i32: 0>} : vector<16xi32>
    %shift_right_logical3A = arith.constant 2 : i32
    %shift_right_logical3A_1 = vector.broadcast %shift_right_logical3A : i32 to vector<16xi32>
    %shift_right_logical3A_2 = arith.shrui %iota3A, %shift_right_logical3A_1 : vector<16xi32>
    %and3A = arith.constant 3 : i32
    %and3A_3 = vector.broadcast %and3A : i32 to vector<16xi32>
    %and3A_4 = arith.andi %iota3A, %and3A_3 : vector<16xi32>
    %mul3A_5 = arith.constant 32 : i32
    %mul3A_6 = vector.broadcast %mul3A_5 : i32 to vector<16xi32>
    %mul3A_7 = arith.muli %and3A_4, %mul3A_6 : vector<16xi32>
    %add3A_8 = arith.constant 0 : i32
    %add3A_9 = arith.addi %add3A, %add3A_8 : i32
    %mul3A_10 = arith.constant 128 : i32
    %mul3A_11 = arith.muli %add3A_9, %mul3A_10 : i32
    %dma_start3A = arith.constant 0 : i32
    %dma_start3A_12 = arith.constant 0 : i32
    %dma_start3A_13 = arith.constant 0 : i32
    %dma_start3A_14 = tpu.memref_slice %arg7[%dma_start3A_12, %dma_start3A_13] : memref<128x128xf32, #tpu.memory_space<vmem>> -> memref<32x128xf32, #tpu.memory_space<vmem>>
    %dma_start3A_15 = arith.constant 0 : i32
    %dma_start3A_16 = tpu.memref_slice %arg2[%dma_start3A_15, %mul3A_11] : memref<32x1000000xf32, #tpu.memory_space<hbm>> -> memref<32x128xf32, #tpu.memory_space<hbm>>
    %dma_start3A_17 = tpu.memref_slice %arg10[%dma_start3A] : memref<4x!tpu.dma_semaphore, #tpu.memory_space<semaphore_mem>> -> memref<1x!tpu.dma_semaphore, #tpu.memory_space<semaphore_mem>>
    %dma_start3A_18 = tpu.memref_squeeze %dma_start3A_17 : memref<1x!tpu.dma_semaphore, #tpu.memory_space<semaphore_mem>> -> memref<!tpu.dma_semaphore, #tpu.memory_space<semaphore_mem>>
    %dma_start3A_19 = arith.constant 0 : i32
    %dma_start3A_20 = arith.constant 0 : i32
    %dma_start3A_21 = tpu.memref_slice %arg7[%dma_start3A_19, %dma_start3A_20] : memref<128x128xf32, #tpu.memory_space<vmem>> -> memref<32x128xf32, #tpu.memory_space<vmem>>
    %dma_start3A_22 = arith.constant 0 : i32
    %dma_start3A_23 = tpu.memref_slice %arg2[%dma_start3A_22, %mul3A_11] : memref<32x1000000xf32, #tpu.memory_space<hbm>> -> memref<32x128xf32, #tpu.memory_space<hbm>>
    tpu.enqueue_dma source(%dma_start3A_23 : memref<32x128xf32, #tpu.memory_space<hbm>>) target(%dma_start3A_21 : memref<32x128xf32, #tpu.memory_space<vmem>>) target_semaphore(%dma_start3A_18 : memref<!tpu.dma_semaphore, #tpu.memory_space<semaphore_mem>>)
    %add3A_24 = arith.constant 32 : i32
    %add3A_25 = arith.addi %add3A, %add3A_24 : i32
    %mul3A_26 = arith.constant 128 : i32
    %mul3A_27 = arith.muli %add3A_25, %mul3A_26 : i32
    %dma_start3A_28 = arith.constant 1 : i32
    %dma_start3A_29 = arith.constant 32 : i32
    %dma_start3A_30 = arith.constant 0 : i32
    %dma_start3A_31 = tpu.memref_slice %arg7[%dma_start3A_29, %dma_start3A_30] : memref<128x128xf32, #tpu.memory_space<vmem>> -> memref<32x128xf32, #tpu.memory_space<vmem>>
    %dma_start3A_32 = arith.constant 0 : i32
    %dma_start3A_33 = tpu.memref_slice %arg2[%dma_start3A_32, %mul3A_27] : memref<32x1000000xf32, #tpu.memory_space<hbm>> -> memref<32x128xf32, #tpu.memory_space<hbm>>
    %dma_start3A_34 = tpu.memref_slice %arg10[%dma_start3A_28] : memref<4x!tpu.dma_semaphore, #tpu.memory_space<semaphore_mem>> -> memref<1x!tpu.dma_semaphore, #tpu.memory_space<semaphore_mem>>
    %dma_start3A_35 = tpu.memref_squeeze %dma_start3A_34 : memref<1x!tpu.dma_semaphore, #tpu.memory_space<semaphore_mem>> -> memref<!tpu.dma_semaphore, #tpu.memory_space<semaphore_mem>>
    %dma_start3A_36 = arith.constant 32 : i32
    %dma_start3A_37 = arith.constant 0 : i32
    %dma_start3A_38 = tpu.memref_slice %arg7[%dma_start3A_36, %dma_start3A_37] : memref<128x128xf32, #tpu.memory_space<vmem>> -> memref<32x128xf32, #tpu.memory_space<vmem>>
    %dma_start3A_39 = arith.constant 0 : i32
    %dma_start3A_40 = tpu.memref_slice %arg2[%dma_start3A_39, %mul3A_27] : memref<32x1000000xf32, #tpu.memory_space<hbm>> -> memref<32x128xf32, #tpu.memory_space<hbm>>
    tpu.enqueue_dma source(%dma_start3A_40 : memref<32x128xf32, #tpu.memory_space<hbm>>) target(%dma_start3A_38 : memref<32x128xf32, #tpu.memory_space<vmem>>) target_semaphore(%dma_start3A_35 : memref<!tpu.dma_semaphore, #tpu.memory_space<semaphore_mem>>)
    %add3A_41 = arith.constant 64 : i32
    %add3A_42 = arith.addi %add3A, %add3A_41 : i32
    %mul3A_43 = arith.constant 128 : i32
    %mul3A_44 = arith.muli %add3A_42, %mul3A_43 : i32
    %dma_start3A_45 = arith.constant 2 : i32
    %dma_start3A_46 = arith.constant 64 : i32
    %dma_start3A_47 = arith.constant 0 : i32
    %dma_start3A_48 = tpu.memref_slice %arg7[%dma_start3A_46, %dma_start3A_47] : memref<128x128xf32, #tpu.memory_space<vmem>> -> memref<32x128xf32, #tpu.memory_space<vmem>>
    %dma_start3A_49 = arith.constant 0 : i32
    %dma_start3A_50 = tpu.memref_slice %arg2[%dma_start3A_49, %mul3A_44] : memref<32x1000000xf32, #tpu.memory_space<hbm>> -> memref<32x128xf32, #tpu.memory_space<hbm>>
    %dma_start3A_51 = tpu.memref_slice %arg10[%dma_start3A_45] : memref<4x!tpu.dma_semaphore, #tpu.memory_space<semaphore_mem>> -> memref<1x!tpu.dma_semaphore, #tpu.memory_space<semaphore_mem>>
    %dma_start3A_52 = tpu.memref_squeeze %dma_start3A_51 : memref<1x!tpu.dma_semaphore, #tpu.memory_space<semaphore_mem>> -> memref<!tpu.dma_semaphore, #tpu.memory_space<semaphore_mem>>
    %dma_start3A_53 = arith.constant 64 : i32
    %dma_start3A_54 = arith.constant 0 : i32
    %dma_start3A_55 = tpu.memref_slice %arg7[%dma_start3A_53, %dma_start3A_54] : memref<128x128xf32, #tpu.memory_space<vmem>> -> memref<32x128xf32, #tpu.memory_space<vmem>>
    %dma_start3A_56 = arith.constant 0 : i32
    %dma_start3A_57 = tpu.memref_slice %arg2[%dma_start3A_56, %mul3A_44] : memref<32x1000000xf32, #tpu.memory_space<hbm>> -> memref<32x128xf32, #tpu.memory_space<hbm>>
    tpu.enqueue_dma source(%dma_start3A_57 : memref<32x128xf32, #tpu.memory_space<hbm>>) target(%dma_start3A_55 : memref<32x128xf32, #tpu.memory_space<vmem>>) target_semaphore(%dma_start3A_52 : memref<!tpu.dma_semaphore, #tpu.memory_space<semaphore_mem>>)
    %mul3A_58 = arith.constant 512 : i32
    %mul3A_59 = arith.muli %add3A, %mul3A_58 : i32
    "tpu.region"() ({
      %run_scoped3A = tpu.sem_alloc : memref<!tpu.dma_semaphore, #tpu.memory_space<semaphore_mem>>
      %dma_start3A_709 = arith.constant 0 : i32
      %dma_start3A_710 = tpu.memref_slice %arg3[%dma_start3A_709, %mul3A_59] : memref<26x16384xi32, #tpu.memory_space<hbm>> -> memref<26x512xi32, #tpu.memory_space<hbm>>
      %dma_start3A_711 = arith.constant 0 : i32
      %dma_start3A_712 = tpu.memref_slice %arg3[%dma_start3A_711, %mul3A_59] : memref<26x16384xi32, #tpu.memory_space<hbm>> -> memref<26x512xi32, #tpu.memory_space<hbm>>
      tpu.enqueue_dma source(%dma_start3A_712 : memref<26x512xi32, #tpu.memory_space<hbm>>) target(%arg9 : memref<26x512xi32, #tpu.memory_space<vmem>>) target_semaphore(%run_scoped3A : memref<!tpu.dma_semaphore, #tpu.memory_space<semaphore_mem>>)
      %dma_wait3A_713 = arith.constant 0 : i32
      %dma_wait3A_714 = tpu.memref_slice %arg3[%dma_wait3A_713, %mul3A_59] : memref<26x16384xi32, #tpu.memory_space<hbm>> -> memref<26x512xi32, #tpu.memory_space<hbm>>
      %dma_wait3A_715 = arith.constant 0 : i32
      %dma_wait3A_716 = tpu.memref_slice %arg3[%dma_wait3A_715, %mul3A_59] : memref<26x16384xi32, #tpu.memory_space<hbm>> -> memref<26x512xi32, #tpu.memory_space<hbm>>
      tpu.wait_dma2 semaphore(%run_scoped3A : memref<!tpu.dma_semaphore, #tpu.memory_space<semaphore_mem>>) src(%dma_wait3A_716 : memref<26x512xi32, #tpu.memory_space<hbm>>) dst(%arg9 : memref<26x512xi32, #tpu.memory_space<vmem>>)
      tpu.yield
    }) : () -> ()
    %add3A_60 = arith.constant 0 : i32
    %add3A_61 = arith.addi %add3A_60, %mul3A_59 : i32
    %dma_start3A_62 = arith.constant 0 : i32
    %dma_start3A_63 = arith.constant 0 : i32
    %dma_start3A_64 = tpu.memref_slice %arg9[%dma_start3A_62, %dma_start3A_63] : memref<26x512xi32, #tpu.memory_space<vmem>> -> memref<1x512xi32, #tpu.memory_space<vmem>>
    %dma_start3A_65 = tpu.memref_squeeze %dma_start3A_64 : memref<1x512xi32, #tpu.memory_space<vmem>> -> memref<512xi32, #tpu.memory_space<vmem>>
    %dma_start3A_66 = tpu.memref_slice %arg6[%add3A_61] : memref<425984xi32, #tpu.memory_space<hbm>> -> memref<512xi32, #tpu.memory_space<hbm>>
    %dma_start3A_67 = tpu.memref_slice %arg6[%add3A_61] : memref<425984xi32, #tpu.memory_space<hbm>> -> memref<512xi32, #tpu.memory_space<hbm>>
    %dma_start3A_68 = arith.constant 0 : i32
    %dma_start3A_69 = tpu.memref_slice %arg9[%dma_start3A_62, %dma_start3A_68] : memref<26x512xi32, #tpu.memory_space<vmem>> -> memref<1x512xi32, #tpu.memory_space<vmem>>
    %dma_start3A_70 = tpu.memref_squeeze %dma_start3A_69 : memref<1x512xi32, #tpu.memory_space<vmem>> -> memref<512xi32, #tpu.memory_space<vmem>>
    tpu.enqueue_dma source(%dma_start3A_70 : memref<512xi32, #tpu.memory_space<vmem>>) target(%dma_start3A_67 : memref<512xi32, #tpu.memory_space<hbm>>) target_semaphore(%arg12 : memref<!tpu.dma_semaphore, #tpu.memory_space<semaphore_mem>>)
    %add3A_71 = arith.constant 16384 : i32
    %add3A_72 = arith.addi %add3A_71, %mul3A_59 : i32
    %dma_start3A_73 = arith.constant 1 : i32
    %dma_start3A_74 = arith.constant 0 : i32
    %dma_start3A_75 = tpu.memref_slice %arg9[%dma_start3A_73, %dma_start3A_74] : memref<26x512xi32, #tpu.memory_space<vmem>> -> memref<1x512xi32, #tpu.memory_space<vmem>>
    %dma_start3A_76 = tpu.memref_squeeze %dma_start3A_75 : memref<1x512xi32, #tpu.memory_space<vmem>> -> memref<512xi32, #tpu.memory_space<vmem>>
    %dma_start3A_77 = tpu.memref_slice %arg6[%add3A_72] : memref<425984xi32, #tpu.memory_space<hbm>> -> memref<512xi32, #tpu.memory_space<hbm>>
    %dma_start3A_78 = tpu.memref_slice %arg6[%add3A_72] : memref<425984xi32, #tpu.memory_space<hbm>> -> memref<512xi32, #tpu.memory_space<hbm>>
    %dma_start3A_79 = arith.constant 0 : i32
    %dma_start3A_80 = tpu.memref_slice %arg9[%dma_start3A_73, %dma_start3A_79] : memref<26x512xi32, #tpu.memory_space<vmem>> -> memref<1x512xi32, #tpu.memory_space<vmem>>
    %dma_start3A_81 = tpu.memref_squeeze %dma_start3A_80 : memref<1x512xi32, #tpu.memory_space<vmem>> -> memref<512xi32, #tpu.memory_space<vmem>>
    tpu.enqueue_dma source(%dma_start3A_81 : memref<512xi32, #tpu.memory_space<vmem>>) target(%dma_start3A_78 : memref<512xi32, #tpu.memory_space<hbm>>) target_semaphore(%arg12 : memref<!tpu.dma_semaphore, #tpu.memory_space<semaphore_mem>>)
    %add3A_82 = arith.constant 32768 : i32
    %add3A_83 = arith.addi %add3A_82, %mul3A_59 : i32
    %dma_start3A_84 = arith.constant 2 : i32
    %dma_start3A_85 = arith.constant 0 : i32
    %dma_start3A_86 = tpu.memref_slice %arg9[%dma_start3A_84, %dma_start3A_85] : memref<26x512xi32, #tpu.memory_space<vmem>> -> memref<1x512xi32, #tpu.memory_space<vmem>>
    %dma_start3A_87 = tpu.memref_squeeze %dma_start3A_86 : memref<1x512xi32, #tpu.memory_space<vmem>> -> memref<512xi32, #tpu.memory_space<vmem>>
    %dma_start3A_88 = tpu.memref_slice %arg6[%add3A_83] : memref<425984xi32, #tpu.memory_space<hbm>> -> memref<512xi32, #tpu.memory_space<hbm>>
    %dma_start3A_89 = tpu.memref_slice %arg6[%add3A_83] : memref<425984xi32, #tpu.memory_space<hbm>> -> memref<512xi32, #tpu.memory_space<hbm>>
    %dma_start3A_90 = arith.constant 0 : i32
    %dma_start3A_91 = tpu.memref_slice %arg9[%dma_start3A_84, %dma_start3A_90] : memref<26x512xi32, #tpu.memory_space<vmem>> -> memref<1x512xi32, #tpu.memory_space<vmem>>
    %dma_start3A_92 = tpu.memref_squeeze %dma_start3A_91 : memref<1x512xi32, #tpu.memory_space<vmem>> -> memref<512xi32, #tpu.memory_space<vmem>>
    tpu.enqueue_dma source(%dma_start3A_92 : memref<512xi32, #tpu.memory_space<vmem>>) target(%dma_start3A_89 : memref<512xi32, #tpu.memory_space<hbm>>) target_semaphore(%arg12 : memref<!tpu.dma_semaphore, #tpu.memory_space<semaphore_mem>>)
    %add3A_93 = arith.constant 49152 : i32
    %add3A_94 = arith.addi %add3A_93, %mul3A_59 : i32
    %dma_start3A_95 = arith.constant 3 : i32
    %dma_start3A_96 = arith.constant 0 : i32
    %dma_start3A_97 = tpu.memref_slice %arg9[%dma_start3A_95, %dma_start3A_96] : memref<26x512xi32, #tpu.memory_space<vmem>> -> memref<1x512xi32, #tpu.memory_space<vmem>>
    %dma_start3A_98 = tpu.memref_squeeze %dma_start3A_97 : memref<1x512xi32, #tpu.memory_space<vmem>> -> memref<512xi32, #tpu.memory_space<vmem>>
    %dma_start3A_99 = tpu.memref_slice %arg6[%add3A_94] : memref<425984xi32, #tpu.memory_space<hbm>> -> memref<512xi32, #tpu.memory_space<hbm>>
    %dma_start3A_100 = tpu.memref_slice %arg6[%add3A_94] : memref<425984xi32, #tpu.memory_space<hbm>> -> memref<512xi32, #tpu.memory_space<hbm>>
    %dma_start3A_101 = arith.constant 0 : i32
    %dma_start3A_102 = tpu.memref_slice %arg9[%dma_start3A_95, %dma_start3A_101] : memref<26x512xi32, #tpu.memory_space<vmem>> -> memref<1x512xi32, #tpu.memory_space<vmem>>
    %dma_start3A_103 = tpu.memref_squeeze %dma_start3A_102 : memref<1x512xi32, #tpu.memory_space<vmem>> -> memref<512xi32, #tpu.memory_space<vmem>>
    tpu.enqueue_dma source(%dma_start3A_103 : memref<512xi32, #tpu.memory_space<vmem>>) target(%dma_start3A_100 : memref<512xi32, #tpu.memory_space<hbm>>) target_semaphore(%arg12 : memref<!tpu.dma_semaphore, #tpu.memory_space<semaphore_mem>>)
    %add3A_104 = arith.constant 65536 : i32
    %add3A_105 = arith.addi %add3A_104, %mul3A_59 : i32
    %dma_start3A_106 = arith.constant 4 : i32
    %dma_start3A_107 = arith.constant 0 : i32
    %dma_start3A_108 = tpu.memref_slice %arg9[%dma_start3A_106, %dma_start3A_107] : memref<26x512xi32, #tpu.memory_space<vmem>> -> memref<1x512xi32, #tpu.memory_space<vmem>>
    %dma_start3A_109 = tpu.memref_squeeze %dma_start3A_108 : memref<1x512xi32, #tpu.memory_space<vmem>> -> memref<512xi32, #tpu.memory_space<vmem>>
    %dma_start3A_110 = tpu.memref_slice %arg6[%add3A_105] : memref<425984xi32, #tpu.memory_space<hbm>> -> memref<512xi32, #tpu.memory_space<hbm>>
    %dma_start3A_111 = tpu.memref_slice %arg6[%add3A_105] : memref<425984xi32, #tpu.memory_space<hbm>> -> memref<512xi32, #tpu.memory_space<hbm>>
    %dma_start3A_112 = arith.constant 0 : i32
    %dma_start3A_113 = tpu.memref_slice %arg9[%dma_start3A_106, %dma_start3A_112] : memref<26x512xi32, #tpu.memory_space<vmem>> -> memref<1x512xi32, #tpu.memory_space<vmem>>
    %dma_start3A_114 = tpu.memref_squeeze %dma_start3A_113 : memref<1x512xi32, #tpu.memory_space<vmem>> -> memref<512xi32, #tpu.memory_space<vmem>>
    tpu.enqueue_dma source(%dma_start3A_114 : memref<512xi32, #tpu.memory_space<vmem>>) target(%dma_start3A_111 : memref<512xi32, #tpu.memory_space<hbm>>) target_semaphore(%arg12 : memref<!tpu.dma_semaphore, #tpu.memory_space<semaphore_mem>>)
    %add3A_115 = arith.constant 81920 : i32
    %add3A_116 = arith.addi %add3A_115, %mul3A_59 : i32
    %dma_start3A_117 = arith.constant 5 : i32
    %dma_start3A_118 = arith.constant 0 : i32
    %dma_start3A_119 = tpu.memref_slice %arg9[%dma_start3A_117, %dma_start3A_118] : memref<26x512xi32, #tpu.memory_space<vmem>> -> memref<1x512xi32, #tpu.memory_space<vmem>>
    %dma_start3A_120 = tpu.memref_squeeze %dma_start3A_119 : memref<1x512xi32, #tpu.memory_space<vmem>> -> memref<512xi32, #tpu.memory_space<vmem>>
    %dma_start3A_121 = tpu.memref_slice %arg6[%add3A_116] : memref<425984xi32, #tpu.memory_space<hbm>> -> memref<512xi32, #tpu.memory_space<hbm>>
    %dma_start3A_122 = tpu.memref_slice %arg6[%add3A_116] : memref<425984xi32, #tpu.memory_space<hbm>> -> memref<512xi32, #tpu.memory_space<hbm>>
    %dma_start3A_123 = arith.constant 0 : i32
    %dma_start3A_124 = tpu.memref_slice %arg9[%dma_start3A_117, %dma_start3A_123] : memref<26x512xi32, #tpu.memory_space<vmem>> -> memref<1x512xi32, #tpu.memory_space<vmem>>
    %dma_start3A_125 = tpu.memref_squeeze %dma_start3A_124 : memref<1x512xi32, #tpu.memory_space<vmem>> -> memref<512xi32, #tpu.memory_space<vmem>>
    tpu.enqueue_dma source(%dma_start3A_125 : memref<512xi32, #tpu.memory_space<vmem>>) target(%dma_start3A_122 : memref<512xi32, #tpu.memory_space<hbm>>) target_semaphore(%arg12 : memref<!tpu.dma_semaphore, #tpu.memory_space<semaphore_mem>>)
    %add3A_126 = arith.constant 98304 : i32
    %add3A_127 = arith.addi %add3A_126, %mul3A_59 : i32
    %dma_start3A_128 = arith.constant 6 : i32
    %dma_start3A_129 = arith.constant 0 : i32
    %dma_start3A_130 = tpu.memref_slice %arg9[%dma_start3A_128, %dma_start3A_129] : memref<26x512xi32, #tpu.memory_space<vmem>> -> memref<1x512xi32, #tpu.memory_space<vmem>>
    %dma_start3A_131 = tpu.memref_squeeze %dma_start3A_130 : memref<1x512xi32, #tpu.memory_space<vmem>> -> memref<512xi32, #tpu.memory_space<vmem>>
    %dma_start3A_132 = tpu.memref_slice %arg6[%add3A_127] : memref<425984xi32, #tpu.memory_space<hbm>> -> memref<512xi32, #tpu.memory_space<hbm>>
    %dma_start3A_133 = tpu.memref_slice %arg6[%add3A_127] : memref<425984xi32, #tpu.memory_space<hbm>> -> memref<512xi32, #tpu.memory_space<hbm>>
    %dma_start3A_134 = arith.constant 0 : i32
    %dma_start3A_135 = tpu.memref_slice %arg9[%dma_start3A_128, %dma_start3A_134] : memref<26x512xi32, #tpu.memory_space<vmem>> -> memref<1x512xi32, #tpu.memory_space<vmem>>
    %dma_start3A_136 = tpu.memref_squeeze %dma_start3A_135 : memref<1x512xi32, #tpu.memory_space<vmem>> -> memref<512xi32, #tpu.memory_space<vmem>>
    tpu.enqueue_dma source(%dma_start3A_136 : memref<512xi32, #tpu.memory_space<vmem>>) target(%dma_start3A_133 : memref<512xi32, #tpu.memory_space<hbm>>) target_semaphore(%arg12 : memref<!tpu.dma_semaphore, #tpu.memory_space<semaphore_mem>>)
    %add3A_137 = arith.constant 114688 : i32
    %add3A_138 = arith.addi %add3A_137, %mul3A_59 : i32
    %dma_start3A_139 = arith.constant 7 : i32
    %dma_start3A_140 = arith.constant 0 : i32
    %dma_start3A_141 = tpu.memref_slice %arg9[%dma_start3A_139, %dma_start3A_140] : memref<26x512xi32, #tpu.memory_space<vmem>> -> memref<1x512xi32, #tpu.memory_space<vmem>>
    %dma_start3A_142 = tpu.memref_squeeze %dma_start3A_141 : memref<1x512xi32, #tpu.memory_space<vmem>> -> memref<512xi32, #tpu.memory_space<vmem>>
    %dma_start3A_143 = tpu.memref_slice %arg6[%add3A_138] : memref<425984xi32, #tpu.memory_space<hbm>> -> memref<512xi32, #tpu.memory_space<hbm>>
    %dma_start3A_144 = tpu.memref_slice %arg6[%add3A_138] : memref<425984xi32, #tpu.memory_space<hbm>> -> memref<512xi32, #tpu.memory_space<hbm>>
    %dma_start3A_145 = arith.constant 0 : i32
    %dma_start3A_146 = tpu.memref_slice %arg9[%dma_start3A_139, %dma_start3A_145] : memref<26x512xi32, #tpu.memory_space<vmem>> -> memref<1x512xi32, #tpu.memory_space<vmem>>
    %dma_start3A_147 = tpu.memref_squeeze %dma_start3A_146 : memref<1x512xi32, #tpu.memory_space<vmem>> -> memref<512xi32, #tpu.memory_space<vmem>>
    tpu.enqueue_dma source(%dma_start3A_147 : memref<512xi32, #tpu.memory_space<vmem>>) target(%dma_start3A_144 : memref<512xi32, #tpu.memory_space<hbm>>) target_semaphore(%arg12 : memref<!tpu.dma_semaphore, #tpu.memory_space<semaphore_mem>>)
    %add3A_148 = arith.constant 131072 : i32
    %add3A_149 = arith.addi %add3A_148, %mul3A_59 : i32
    %dma_start3A_150 = arith.constant 8 : i32
    %dma_start3A_151 = arith.constant 0 : i32
    %dma_start3A_152 = tpu.memref_slice %arg9[%dma_start3A_150, %dma_start3A_151] : memref<26x512xi32, #tpu.memory_space<vmem>> -> memref<1x512xi32, #tpu.memory_space<vmem>>
    %dma_start3A_153 = tpu.memref_squeeze %dma_start3A_152 : memref<1x512xi32, #tpu.memory_space<vmem>> -> memref<512xi32, #tpu.memory_space<vmem>>
    %dma_start3A_154 = tpu.memref_slice %arg6[%add3A_149] : memref<425984xi32, #tpu.memory_space<hbm>> -> memref<512xi32, #tpu.memory_space<hbm>>
    %dma_start3A_155 = tpu.memref_slice %arg6[%add3A_149] : memref<425984xi32, #tpu.memory_space<hbm>> -> memref<512xi32, #tpu.memory_space<hbm>>
    %dma_start3A_156 = arith.constant 0 : i32
    %dma_start3A_157 = tpu.memref_slice %arg9[%dma_start3A_150, %dma_start3A_156] : memref<26x512xi32, #tpu.memory_space<vmem>> -> memref<1x512xi32, #tpu.memory_space<vmem>>
    %dma_start3A_158 = tpu.memref_squeeze %dma_start3A_157 : memref<1x512xi32, #tpu.memory_space<vmem>> -> memref<512xi32, #tpu.memory_space<vmem>>
    tpu.enqueue_dma source(%dma_start3A_158 : memref<512xi32, #tpu.memory_space<vmem>>) target(%dma_start3A_155 : memref<512xi32, #tpu.memory_space<hbm>>) target_semaphore(%arg12 : memref<!tpu.dma_semaphore, #tpu.memory_space<semaphore_mem>>)
    %add3A_159 = arith.constant 147456 : i32
    %add3A_160 = arith.addi %add3A_159, %mul3A_59 : i32
    %dma_start3A_161 = arith.constant 9 : i32
    %dma_start3A_162 = arith.constant 0 : i32
    %dma_start3A_163 = tpu.memref_slice %arg9[%dma_start3A_161, %dma_start3A_162] : memref<26x512xi32, #tpu.memory_space<vmem>> -> memref<1x512xi32, #tpu.memory_space<vmem>>
    %dma_start3A_164 = tpu.memref_squeeze %dma_start3A_163 : memref<1x512xi32, #tpu.memory_space<vmem>> -> memref<512xi32, #tpu.memory_space<vmem>>
    %dma_start3A_165 = tpu.memref_slice %arg6[%add3A_160] : memref<425984xi32, #tpu.memory_space<hbm>> -> memref<512xi32, #tpu.memory_space<hbm>>
    %dma_start3A_166 = tpu.memref_slice %arg6[%add3A_160] : memref<425984xi32, #tpu.memory_space<hbm>> -> memref<512xi32, #tpu.memory_space<hbm>>
    %dma_start3A_167 = arith.constant 0 : i32
    %dma_start3A_168 = tpu.memref_slice %arg9[%dma_start3A_161, %dma_start3A_167] : memref<26x512xi32, #tpu.memory_space<vmem>> -> memref<1x512xi32, #tpu.memory_space<vmem>>
    %dma_start3A_169 = tpu.memref_squeeze %dma_start3A_168 : memref<1x512xi32, #tpu.memory_space<vmem>> -> memref<512xi32, #tpu.memory_space<vmem>>
    tpu.enqueue_dma source(%dma_start3A_169 : memref<512xi32, #tpu.memory_space<vmem>>) target(%dma_start3A_166 : memref<512xi32, #tpu.memory_space<hbm>>) target_semaphore(%arg12 : memref<!tpu.dma_semaphore, #tpu.memory_space<semaphore_mem>>)
    %add3A_170 = arith.constant 163840 : i32
    %add3A_171 = arith.addi %add3A_170, %mul3A_59 : i32
    %dma_start3A_172 = arith.constant 10 : i32
    %dma_start3A_173 = arith.constant 0 : i32
    %dma_start3A_174 = tpu.memref_slice %arg9[%dma_start3A_172, %dma_start3A_173] : memref<26x512xi32, #tpu.memory_space<vmem>> -> memref<1x512xi32, #tpu.memory_space<vmem>>
    %dma_start3A_175 = tpu.memref_squeeze %dma_start3A_174 : memref<1x512xi32, #tpu.memory_space<vmem>> -> memref<512xi32, #tpu.memory_space<vmem>>
    %dma_start3A_176 = tpu.memref_slice %arg6[%add3A_171] : memref<425984xi32, #tpu.memory_space<hbm>> -> memref<512xi32, #tpu.memory_space<hbm>>
    %dma_start3A_177 = tpu.memref_slice %arg6[%add3A_171] : memref<425984xi32, #tpu.memory_space<hbm>> -> memref<512xi32, #tpu.memory_space<hbm>>
    %dma_start3A_178 = arith.constant 0 : i32
    %dma_start3A_179 = tpu.memref_slice %arg9[%dma_start3A_172, %dma_start3A_178] : memref<26x512xi32, #tpu.memory_space<vmem>> -> memref<1x512xi32, #tpu.memory_space<vmem>>
    %dma_start3A_180 = tpu.memref_squeeze %dma_start3A_179 : memref<1x512xi32, #tpu.memory_space<vmem>> -> memref<512xi32, #tpu.memory_space<vmem>>
    tpu.enqueue_dma source(%dma_start3A_180 : memref<512xi32, #tpu.memory_space<vmem>>) target(%dma_start3A_177 : memref<512xi32, #tpu.memory_space<hbm>>) target_semaphore(%arg12 : memref<!tpu.dma_semaphore, #tpu.memory_space<semaphore_mem>>)
    %add3A_181 = arith.constant 180224 : i32
    %add3A_182 = arith.addi %add3A_181, %mul3A_59 : i32
    %dma_start3A_183 = arith.constant 11 : i32
    %dma_start3A_184 = arith.constant 0 : i32
    %dma_start3A_185 = tpu.memref_slice %arg9[%dma_start3A_183, %dma_start3A_184] : memref<26x512xi32, #tpu.memory_space<vmem>> -> memref<1x512xi32, #tpu.memory_space<vmem>>
    %dma_start3A_186 = tpu.memref_squeeze %dma_start3A_185 : memref<1x512xi32, #tpu.memory_space<vmem>> -> memref<512xi32, #tpu.memory_space<vmem>>
    %dma_start3A_187 = tpu.memref_slice %arg6[%add3A_182] : memref<425984xi32, #tpu.memory_space<hbm>> -> memref<512xi32, #tpu.memory_space<hbm>>
    %dma_start3A_188 = tpu.memref_slice %arg6[%add3A_182] : memref<425984xi32, #tpu.memory_space<hbm>> -> memref<512xi32, #tpu.memory_space<hbm>>
    %dma_start3A_189 = arith.constant 0 : i32
    %dma_start3A_190 = tpu.memref_slice %arg9[%dma_start3A_183, %dma_start3A_189] : memref<26x512xi32, #tpu.memory_space<vmem>> -> memref<1x512xi32, #tpu.memory_space<vmem>>
    %dma_start3A_191 = tpu.memref_squeeze %dma_start3A_190 : memref<1x512xi32, #tpu.memory_space<vmem>> -> memref<512xi32, #tpu.memory_space<vmem>>
    tpu.enqueue_dma source(%dma_start3A_191 : memref<512xi32, #tpu.memory_space<vmem>>) target(%dma_start3A_188 : memref<512xi32, #tpu.memory_space<hbm>>) target_semaphore(%arg12 : memref<!tpu.dma_semaphore, #tpu.memory_space<semaphore_mem>>)
    %add3A_192 = arith.constant 196608 : i32
    %add3A_193 = arith.addi %add3A_192, %mul3A_59 : i32
    %dma_start3A_194 = arith.constant 12 : i32
    %dma_start3A_195 = arith.constant 0 : i32
    %dma_start3A_196 = tpu.memref_slice %arg9[%dma_start3A_194, %dma_start3A_195] : memref<26x512xi32, #tpu.memory_space<vmem>> -> memref<1x512xi32, #tpu.memory_space<vmem>>
    %dma_start3A_197 = tpu.memref_squeeze %dma_start3A_196 : memref<1x512xi32, #tpu.memory_space<vmem>> -> memref<512xi32, #tpu.memory_space<vmem>>
    %dma_start3A_198 = tpu.memref_slice %arg6[%add3A_193] : memref<425984xi32, #tpu.memory_space<hbm>> -> memref<512xi32, #tpu.memory_space<hbm>>
    %dma_start3A_199 = tpu.memref_slice %arg6[%add3A_193] : memref<425984xi32, #tpu.memory_space<hbm>> -> memref<512xi32, #tpu.memory_space<hbm>>
    %dma_start3A_200 = arith.constant 0 : i32
    %dma_start3A_201 = tpu.memref_slice %arg9[%dma_start3A_194, %dma_start3A_200] : memref<26x512xi32, #tpu.memory_space<vmem>> -> memref<1x512xi32, #tpu.memory_space<vmem>>
    %dma_start3A_202 = tpu.memref_squeeze %dma_start3A_201 : memref<1x512xi32, #tpu.memory_space<vmem>> -> memref<512xi32, #tpu.memory_space<vmem>>
    tpu.enqueue_dma source(%dma_start3A_202 : memref<512xi32, #tpu.memory_space<vmem>>) target(%dma_start3A_199 : memref<512xi32, #tpu.memory_space<hbm>>) target_semaphore(%arg12 : memref<!tpu.dma_semaphore, #tpu.memory_space<semaphore_mem>>)
    %add3A_203 = arith.constant 212992 : i32
    %add3A_204 = arith.addi %add3A_203, %mul3A_59 : i32
    %dma_start3A_205 = arith.constant 13 : i32
    %dma_start3A_206 = arith.constant 0 : i32
    %dma_start3A_207 = tpu.memref_slice %arg9[%dma_start3A_205, %dma_start3A_206] : memref<26x512xi32, #tpu.memory_space<vmem>> -> memref<1x512xi32, #tpu.memory_space<vmem>>
    %dma_start3A_208 = tpu.memref_squeeze %dma_start3A_207 : memref<1x512xi32, #tpu.memory_space<vmem>> -> memref<512xi32, #tpu.memory_space<vmem>>
    %dma_start3A_209 = tpu.memref_slice %arg6[%add3A_204] : memref<425984xi32, #tpu.memory_space<hbm>> -> memref<512xi32, #tpu.memory_space<hbm>>
    %dma_start3A_210 = tpu.memref_slice %arg6[%add3A_204] : memref<425984xi32, #tpu.memory_space<hbm>> -> memref<512xi32, #tpu.memory_space<hbm>>
    %dma_start3A_211 = arith.constant 0 : i32
    %dma_start3A_212 = tpu.memref_slice %arg9[%dma_start3A_205, %dma_start3A_211] : memref<26x512xi32, #tpu.memory_space<vmem>> -> memref<1x512xi32, #tpu.memory_space<vmem>>
    %dma_start3A_213 = tpu.memref_squeeze %dma_start3A_212 : memref<1x512xi32, #tpu.memory_space<vmem>> -> memref<512xi32, #tpu.memory_space<vmem>>
    tpu.enqueue_dma source(%dma_start3A_213 : memref<512xi32, #tpu.memory_space<vmem>>) target(%dma_start3A_210 : memref<512xi32, #tpu.memory_space<hbm>>) target_semaphore(%arg12 : memref<!tpu.dma_semaphore, #tpu.memory_space<semaphore_mem>>)
    %add3A_214 = arith.constant 229376 : i32
    %add3A_215 = arith.addi %add3A_214, %mul3A_59 : i32
    %dma_start3A_216 = arith.constant 14 : i32
    %dma_start3A_217 = arith.constant 0 : i32
    %dma_start3A_218 = tpu.memref_slice %arg9[%dma_start3A_216, %dma_start3A_217] : memref<26x512xi32, #tpu.memory_space<vmem>> -> memref<1x512xi32, #tpu.memory_space<vmem>>
    %dma_start3A_219 = tpu.memref_squeeze %dma_start3A_218 : memref<1x512xi32, #tpu.memory_space<vmem>> -> memref<512xi32, #tpu.memory_space<vmem>>
    %dma_start3A_220 = tpu.memref_slice %arg6[%add3A_215] : memref<425984xi32, #tpu.memory_space<hbm>> -> memref<512xi32, #tpu.memory_space<hbm>>
    %dma_start3A_221 = tpu.memref_slice %arg6[%add3A_215] : memref<425984xi32, #tpu.memory_space<hbm>> -> memref<512xi32, #tpu.memory_space<hbm>>
    %dma_start3A_222 = arith.constant 0 : i32
    %dma_start3A_223 = tpu.memref_slice %arg9[%dma_start3A_216, %dma_start3A_222] : memref<26x512xi32, #tpu.memory_space<vmem>> -> memref<1x512xi32, #tpu.memory_space<vmem>>
    %dma_start3A_224 = tpu.memref_squeeze %dma_start3A_223 : memref<1x512xi32, #tpu.memory_space<vmem>> -> memref<512xi32, #tpu.memory_space<vmem>>
    tpu.enqueue_dma source(%dma_start3A_224 : memref<512xi32, #tpu.memory_space<vmem>>) target(%dma_start3A_221 : memref<512xi32, #tpu.memory_space<hbm>>) target_semaphore(%arg12 : memref<!tpu.dma_semaphore, #tpu.memory_space<semaphore_mem>>)
    %add3A_225 = arith.constant 245760 : i32
    %add3A_226 = arith.addi %add3A_225, %mul3A_59 : i32
    %dma_start3A_227 = arith.constant 15 : i32
    %dma_start3A_228 = arith.constant 0 : i32
    %dma_start3A_229 = tpu.memref_slice %arg9[%dma_start3A_227, %dma_start3A_228] : memref<26x512xi32, #tpu.memory_space<vmem>> -> memref<1x512xi32, #tpu.memory_space<vmem>>
    %dma_start3A_230 = tpu.memref_squeeze %dma_start3A_229 : memref<1x512xi32, #tpu.memory_space<vmem>> -> memref<512xi32, #tpu.memory_space<vmem>>
    %dma_start3A_231 = tpu.memref_slice %arg6[%add3A_226] : memref<425984xi32, #tpu.memory_space<hbm>> -> memref<512xi32, #tpu.memory_space<hbm>>
    %dma_start3A_232 = tpu.memref_slice %arg6[%add3A_226] : memref<425984xi32, #tpu.memory_space<hbm>> -> memref<512xi32, #tpu.memory_space<hbm>>
    %dma_start3A_233 = arith.constant 0 : i32
    %dma_start3A_234 = tpu.memref_slice %arg9[%dma_start3A_227, %dma_start3A_233] : memref<26x512xi32, #tpu.memory_space<vmem>> -> memref<1x512xi32, #tpu.memory_space<vmem>>
    %dma_start3A_235 = tpu.memref_squeeze %dma_start3A_234 : memref<1x512xi32, #tpu.memory_space<vmem>> -> memref<512xi32, #tpu.memory_space<vmem>>
    tpu.enqueue_dma source(%dma_start3A_235 : memref<512xi32, #tpu.memory_space<vmem>>) target(%dma_start3A_232 : memref<512xi32, #tpu.memory_space<hbm>>) target_semaphore(%arg12 : memref<!tpu.dma_semaphore, #tpu.memory_space<semaphore_mem>>)
    %add3A_236 = arith.constant 262144 : i32
    %add3A_237 = arith.addi %add3A_236, %mul3A_59 : i32
    %dma_start3A_238 = arith.constant 16 : i32
    %dma_start3A_239 = arith.constant 0 : i32
    %dma_start3A_240 = tpu.memref_slice %arg9[%dma_start3A_238, %dma_start3A_239] : memref<26x512xi32, #tpu.memory_space<vmem>> -> memref<1x512xi32, #tpu.memory_space<vmem>>
    %dma_start3A_241 = tpu.memref_squeeze %dma_start3A_240 : memref<1x512xi32, #tpu.memory_space<vmem>> -> memref<512xi32, #tpu.memory_space<vmem>>
    %dma_start3A_242 = tpu.memref_slice %arg6[%add3A_237] : memref<425984xi32, #tpu.memory_space<hbm>> -> memref<512xi32, #tpu.memory_space<hbm>>
    %dma_start3A_243 = tpu.memref_slice %arg6[%add3A_237] : memref<425984xi32, #tpu.memory_space<hbm>> -> memref<512xi32, #tpu.memory_space<hbm>>
    %dma_start3A_244 = arith.constant 0 : i32
    %dma_start3A_245 = tpu.memref_slice %arg9[%dma_start3A_238, %dma_start3A_244] : memref<26x512xi32, #tpu.memory_space<vmem>> -> memref<1x512xi32, #tpu.memory_space<vmem>>
    %dma_start3A_246 = tpu.memref_squeeze %dma_start3A_245 : memref<1x512xi32, #tpu.memory_space<vmem>> -> memref<512xi32, #tpu.memory_space<vmem>>
    tpu.enqueue_dma source(%dma_start3A_246 : memref<512xi32, #tpu.memory_space<vmem>>) target(%dma_start3A_243 : memref<512xi32, #tpu.memory_space<hbm>>) target_semaphore(%arg12 : memref<!tpu.dma_semaphore, #tpu.memory_space<semaphore_mem>>)
    %add3A_247 = arith.constant 278528 : i32
    %add3A_248 = arith.addi %add3A_247, %mul3A_59 : i32
    %dma_start3A_249 = arith.constant 17 : i32
    %dma_start3A_250 = arith.constant 0 : i32
    %dma_start3A_251 = tpu.memref_slice %arg9[%dma_start3A_249, %dma_start3A_250] : memref<26x512xi32, #tpu.memory_space<vmem>> -> memref<1x512xi32, #tpu.memory_space<vmem>>
    %dma_start3A_252 = tpu.memref_squeeze %dma_start3A_251 : memref<1x512xi32, #tpu.memory_space<vmem>> -> memref<512xi32, #tpu.memory_space<vmem>>
    %dma_start3A_253 = tpu.memref_slice %arg6[%add3A_248] : memref<425984xi32, #tpu.memory_space<hbm>> -> memref<512xi32, #tpu.memory_space<hbm>>
    %dma_start3A_254 = tpu.memref_slice %arg6[%add3A_248] : memref<425984xi32, #tpu.memory_space<hbm>> -> memref<512xi32, #tpu.memory_space<hbm>>
    %dma_start3A_255 = arith.constant 0 : i32
    %dma_start3A_256 = tpu.memref_slice %arg9[%dma_start3A_249, %dma_start3A_255] : memref<26x512xi32, #tpu.memory_space<vmem>> -> memref<1x512xi32, #tpu.memory_space<vmem>>
    %dma_start3A_257 = tpu.memref_squeeze %dma_start3A_256 : memref<1x512xi32, #tpu.memory_space<vmem>> -> memref<512xi32, #tpu.memory_space<vmem>>
    tpu.enqueue_dma source(%dma_start3A_257 : memref<512xi32, #tpu.memory_space<vmem>>) target(%dma_start3A_254 : memref<512xi32, #tpu.memory_space<hbm>>) target_semaphore(%arg12 : memref<!tpu.dma_semaphore, #tpu.memory_space<semaphore_mem>>)
    %add3A_258 = arith.constant 294912 : i32
    %add3A_259 = arith.addi %add3A_258, %mul3A_59 : i32
    %dma_start3A_260 = arith.constant 18 : i32
    %dma_start3A_261 = arith.constant 0 : i32
    %dma_start3A_262 = tpu.memref_slice %arg9[%dma_start3A_260, %dma_start3A_261] : memref<26x512xi32, #tpu.memory_space<vmem>> -> memref<1x512xi32, #tpu.memory_space<vmem>>
    %dma_start3A_263 = tpu.memref_squeeze %dma_start3A_262 : memref<1x512xi32, #tpu.memory_space<vmem>> -> memref<512xi32, #tpu.memory_space<vmem>>
    %dma_start3A_264 = tpu.memref_slice %arg6[%add3A_259] : memref<425984xi32, #tpu.memory_space<hbm>> -> memref<512xi32, #tpu.memory_space<hbm>>
    %dma_start3A_265 = tpu.memref_slice %arg6[%add3A_259] : memref<425984xi32, #tpu.memory_space<hbm>> -> memref<512xi32, #tpu.memory_space<hbm>>
    %dma_start3A_266 = arith.constant 0 : i32
    %dma_start3A_267 = tpu.memref_slice %arg9[%dma_start3A_260, %dma_start3A_266] : memref<26x512xi32, #tpu.memory_space<vmem>> -> memref<1x512xi32, #tpu.memory_space<vmem>>
    %dma_start3A_268 = tpu.memref_squeeze %dma_start3A_267 : memref<1x512xi32, #tpu.memory_space<vmem>> -> memref<512xi32, #tpu.memory_space<vmem>>
    tpu.enqueue_dma source(%dma_start3A_268 : memref<512xi32, #tpu.memory_space<vmem>>) target(%dma_start3A_265 : memref<512xi32, #tpu.memory_space<hbm>>) target_semaphore(%arg12 : memref<!tpu.dma_semaphore, #tpu.memory_space<semaphore_mem>>)
    %add3A_269 = arith.constant 311296 : i32
    %add3A_270 = arith.addi %add3A_269, %mul3A_59 : i32
    %dma_start3A_271 = arith.constant 19 : i32
    %dma_start3A_272 = arith.constant 0 : i32
    %dma_start3A_273 = tpu.memref_slice %arg9[%dma_start3A_271, %dma_start3A_272] : memref<26x512xi32, #tpu.memory_space<vmem>> -> memref<1x512xi32, #tpu.memory_space<vmem>>
    %dma_start3A_274 = tpu.memref_squeeze %dma_start3A_273 : memref<1x512xi32, #tpu.memory_space<vmem>> -> memref<512xi32, #tpu.memory_space<vmem>>
    %dma_start3A_275 = tpu.memref_slice %arg6[%add3A_270] : memref<425984xi32, #tpu.memory_space<hbm>> -> memref<512xi32, #tpu.memory_space<hbm>>
    %dma_start3A_276 = tpu.memref_slice %arg6[%add3A_270] : memref<425984xi32, #tpu.memory_space<hbm>> -> memref<512xi32, #tpu.memory_space<hbm>>
    %dma_start3A_277 = arith.constant 0 : i32
    %dma_start3A_278 = tpu.memref_slice %arg9[%dma_start3A_271, %dma_start3A_277] : memref<26x512xi32, #tpu.memory_space<vmem>> -> memref<1x512xi32, #tpu.memory_space<vmem>>
    %dma_start3A_279 = tpu.memref_squeeze %dma_start3A_278 : memref<1x512xi32, #tpu.memory_space<vmem>> -> memref<512xi32, #tpu.memory_space<vmem>>
    tpu.enqueue_dma source(%dma_start3A_279 : memref<512xi32, #tpu.memory_space<vmem>>) target(%dma_start3A_276 : memref<512xi32, #tpu.memory_space<hbm>>) target_semaphore(%arg12 : memref<!tpu.dma_semaphore, #tpu.memory_space<semaphore_mem>>)
    %add3A_280 = arith.constant 327680 : i32
    %add3A_281 = arith.addi %add3A_280, %mul3A_59 : i32
    %dma_start3A_282 = arith.constant 20 : i32
    %dma_start3A_283 = arith.constant 0 : i32
    %dma_start3A_284 = tpu.memref_slice %arg9[%dma_start3A_282, %dma_start3A_283] : memref<26x512xi32, #tpu.memory_space<vmem>> -> memref<1x512xi32, #tpu.memory_space<vmem>>
    %dma_start3A_285 = tpu.memref_squeeze %dma_start3A_284 : memref<1x512xi32, #tpu.memory_space<vmem>> -> memref<512xi32, #tpu.memory_space<vmem>>
    %dma_start3A_286 = tpu.memref_slice %arg6[%add3A_281] : memref<425984xi32, #tpu.memory_space<hbm>> -> memref<512xi32, #tpu.memory_space<hbm>>
    %dma_start3A_287 = tpu.memref_slice %arg6[%add3A_281] : memref<425984xi32, #tpu.memory_space<hbm>> -> memref<512xi32, #tpu.memory_space<hbm>>
    %dma_start3A_288 = arith.constant 0 : i32
    %dma_start3A_289 = tpu.memref_slice %arg9[%dma_start3A_282, %dma_start3A_288] : memref<26x512xi32, #tpu.memory_space<vmem>> -> memref<1x512xi32, #tpu.memory_space<vmem>>
    %dma_start3A_290 = tpu.memref_squeeze %dma_start3A_289 : memref<1x512xi32, #tpu.memory_space<vmem>> -> memref<512xi32, #tpu.memory_space<vmem>>
    tpu.enqueue_dma source(%dma_start3A_290 : memref<512xi32, #tpu.memory_space<vmem>>) target(%dma_start3A_287 : memref<512xi32, #tpu.memory_space<hbm>>) target_semaphore(%arg12 : memref<!tpu.dma_semaphore, #tpu.memory_space<semaphore_mem>>)
    %add3A_291 = arith.constant 344064 : i32
    %add3A_292 = arith.addi %add3A_291, %mul3A_59 : i32
    %dma_start3A_293 = arith.constant 21 : i32
    %dma_start3A_294 = arith.constant 0 : i32
    %dma_start3A_295 = tpu.memref_slice %arg9[%dma_start3A_293, %dma_start3A_294] : memref<26x512xi32, #tpu.memory_space<vmem>> -> memref<1x512xi32, #tpu.memory_space<vmem>>
    %dma_start3A_296 = tpu.memref_squeeze %dma_start3A_295 : memref<1x512xi32, #tpu.memory_space<vmem>> -> memref<512xi32, #tpu.memory_space<vmem>>
    %dma_start3A_297 = tpu.memref_slice %arg6[%add3A_292] : memref<425984xi32, #tpu.memory_space<hbm>> -> memref<512xi32, #tpu.memory_space<hbm>>
    %dma_start3A_298 = tpu.memref_slice %arg6[%add3A_292] : memref<425984xi32, #tpu.memory_space<hbm>> -> memref<512xi32, #tpu.memory_space<hbm>>
    %dma_start3A_299 = arith.constant 0 : i32
    %dma_start3A_300 = tpu.memref_slice %arg9[%dma_start3A_293, %dma_start3A_299] : memref<26x512xi32, #tpu.memory_space<vmem>> -> memref<1x512xi32, #tpu.memory_space<vmem>>
    %dma_start3A_301 = tpu.memref_squeeze %dma_start3A_300 : memref<1x512xi32, #tpu.memory_space<vmem>> -> memref<512xi32, #tpu.memory_space<vmem>>
    tpu.enqueue_dma source(%dma_start3A_301 : memref<512xi32, #tpu.memory_space<vmem>>) target(%dma_start3A_298 : memref<512xi32, #tpu.memory_space<hbm>>) target_semaphore(%arg12 : memref<!tpu.dma_semaphore, #tpu.memory_space<semaphore_mem>>)
    %add3A_302 = arith.constant 360448 : i32
    %add3A_303 = arith.addi %add3A_302, %mul3A_59 : i32
    %dma_start3A_304 = arith.constant 22 : i32
    %dma_start3A_305 = arith.constant 0 : i32
    %dma_start3A_306 = tpu.memref_slice %arg9[%dma_start3A_304, %dma_start3A_305] : memref<26x512xi32, #tpu.memory_space<vmem>> -> memref<1x512xi32, #tpu.memory_space<vmem>>
    %dma_start3A_307 = tpu.memref_squeeze %dma_start3A_306 : memref<1x512xi32, #tpu.memory_space<vmem>> -> memref<512xi32, #tpu.memory_space<vmem>>
    %dma_start3A_308 = tpu.memref_slice %arg6[%add3A_303] : memref<425984xi32, #tpu.memory_space<hbm>> -> memref<512xi32, #tpu.memory_space<hbm>>
    %dma_start3A_309 = tpu.memref_slice %arg6[%add3A_303] : memref<425984xi32, #tpu.memory_space<hbm>> -> memref<512xi32, #tpu.memory_space<hbm>>
    %dma_start3A_310 = arith.constant 0 : i32
    %dma_start3A_311 = tpu.memref_slice %arg9[%dma_start3A_304, %dma_start3A_310] : memref<26x512xi32, #tpu.memory_space<vmem>> -> memref<1x512xi32, #tpu.memory_space<vmem>>
    %dma_start3A_312 = tpu.memref_squeeze %dma_start3A_311 : memref<1x512xi32, #tpu.memory_space<vmem>> -> memref<512xi32, #tpu.memory_space<vmem>>
    tpu.enqueue_dma source(%dma_start3A_312 : memref<512xi32, #tpu.memory_space<vmem>>) target(%dma_start3A_309 : memref<512xi32, #tpu.memory_space<hbm>>) target_semaphore(%arg12 : memref<!tpu.dma_semaphore, #tpu.memory_space<semaphore_mem>>)
    %add3A_313 = arith.constant 376832 : i32
    %add3A_314 = arith.addi %add3A_313, %mul3A_59 : i32
    %dma_start3A_315 = arith.constant 23 : i32
    %dma_start3A_316 = arith.constant 0 : i32
    %dma_start3A_317 = tpu.memref_slice %arg9[%dma_start3A_315, %dma_start3A_316] : memref<26x512xi32, #tpu.memory_space<vmem>> -> memref<1x512xi32, #tpu.memory_space<vmem>>
    %dma_start3A_318 = tpu.memref_squeeze %dma_start3A_317 : memref<1x512xi32, #tpu.memory_space<vmem>> -> memref<512xi32, #tpu.memory_space<vmem>>
    %dma_start3A_319 = tpu.memref_slice %arg6[%add3A_314] : memref<425984xi32, #tpu.memory_space<hbm>> -> memref<512xi32, #tpu.memory_space<hbm>>
    %dma_start3A_320 = tpu.memref_slice %arg6[%add3A_314] : memref<425984xi32, #tpu.memory_space<hbm>> -> memref<512xi32, #tpu.memory_space<hbm>>
    %dma_start3A_321 = arith.constant 0 : i32
    %dma_start3A_322 = tpu.memref_slice %arg9[%dma_start3A_315, %dma_start3A_321] : memref<26x512xi32, #tpu.memory_space<vmem>> -> memref<1x512xi32, #tpu.memory_space<vmem>>
    %dma_start3A_323 = tpu.memref_squeeze %dma_start3A_322 : memref<1x512xi32, #tpu.memory_space<vmem>> -> memref<512xi32, #tpu.memory_space<vmem>>
    tpu.enqueue_dma source(%dma_start3A_323 : memref<512xi32, #tpu.memory_space<vmem>>) target(%dma_start3A_320 : memref<512xi32, #tpu.memory_space<hbm>>) target_semaphore(%arg12 : memref<!tpu.dma_semaphore, #tpu.memory_space<semaphore_mem>>)
    %add3A_324 = arith.constant 393216 : i32
    %add3A_325 = arith.addi %add3A_324, %mul3A_59 : i32
    %dma_start3A_326 = arith.constant 24 : i32
    %dma_start3A_327 = arith.constant 0 : i32
    %dma_start3A_328 = tpu.memref_slice %arg9[%dma_start3A_326, %dma_start3A_327] : memref<26x512xi32, #tpu.memory_space<vmem>> -> memref<1x512xi32, #tpu.memory_space<vmem>>
    %dma_start3A_329 = tpu.memref_squeeze %dma_start3A_328 : memref<1x512xi32, #tpu.memory_space<vmem>> -> memref<512xi32, #tpu.memory_space<vmem>>
    %dma_start3A_330 = tpu.memref_slice %arg6[%add3A_325] : memref<425984xi32, #tpu.memory_space<hbm>> -> memref<512xi32, #tpu.memory_space<hbm>>
    %dma_start3A_331 = tpu.memref_slice %arg6[%add3A_325] : memref<425984xi32, #tpu.memory_space<hbm>> -> memref<512xi32, #tpu.memory_space<hbm>>
    %dma_start3A_332 = arith.constant 0 : i32
    %dma_start3A_333 = tpu.memref_slice %arg9[%dma_start3A_326, %dma_start3A_332] : memref<26x512xi32, #tpu.memory_space<vmem>> -> memref<1x512xi32, #tpu.memory_space<vmem>>
    %dma_start3A_334 = tpu.memref_squeeze %dma_start3A_333 : memref<1x512xi32, #tpu.memory_space<vmem>> -> memref<512xi32, #tpu.memory_space<vmem>>
    tpu.enqueue_dma source(%dma_start3A_334 : memref<512xi32, #tpu.memory_space<vmem>>) target(%dma_start3A_331 : memref<512xi32, #tpu.memory_space<hbm>>) target_semaphore(%arg12 : memref<!tpu.dma_semaphore, #tpu.memory_space<semaphore_mem>>)
    %add3A_335 = arith.constant 409600 : i32
    %add3A_336 = arith.addi %add3A_335, %mul3A_59 : i32
    %dma_start3A_337 = arith.constant 25 : i32
    %dma_start3A_338 = arith.constant 0 : i32
    %dma_start3A_339 = tpu.memref_slice %arg9[%dma_start3A_337, %dma_start3A_338] : memref<26x512xi32, #tpu.memory_space<vmem>> -> memref<1x512xi32, #tpu.memory_space<vmem>>
    %dma_start3A_340 = tpu.memref_squeeze %dma_start3A_339 : memref<1x512xi32, #tpu.memory_space<vmem>> -> memref<512xi32, #tpu.memory_space<vmem>>
    %dma_start3A_341 = tpu.memref_slice %arg6[%add3A_336] : memref<425984xi32, #tpu.memory_space<hbm>> -> memref<512xi32, #tpu.memory_space<hbm>>
    %dma_start3A_342 = tpu.memref_slice %arg6[%add3A_336] : memref<425984xi32, #tpu.memory_space<hbm>> -> memref<512xi32, #tpu.memory_space<hbm>>
    %dma_start3A_343 = arith.constant 0 : i32
    %dma_start3A_344 = tpu.memref_slice %arg9[%dma_start3A_337, %dma_start3A_343] : memref<26x512xi32, #tpu.memory_space<vmem>> -> memref<1x512xi32, #tpu.memory_space<vmem>>
    %dma_start3A_345 = tpu.memref_squeeze %dma_start3A_344 : memref<1x512xi32, #tpu.memory_space<vmem>> -> memref<512xi32, #tpu.memory_space<vmem>>
    tpu.enqueue_dma source(%dma_start3A_345 : memref<512xi32, #tpu.memory_space<vmem>>) target(%dma_start3A_342 : memref<512xi32, #tpu.memory_space<hbm>>) target_semaphore(%arg12 : memref<!tpu.dma_semaphore, #tpu.memory_space<semaphore_mem>>)
    %add3A_346 = arith.constant 0 : i32
    %add3A_347 = arith.addi %add3A_346, %mul3A_59 : i32
    %dma_wait3A = arith.constant 0 : i32
    %dma_wait3A_348 = arith.constant 0 : i32
    %dma_wait3A_349 = tpu.memref_slice %arg9[%dma_wait3A, %dma_wait3A_348] : memref<26x512xi32, #tpu.memory_space<vmem>> -> memref<1x512xi32, #tpu.memory_space<vmem>>
    %dma_wait3A_350 = tpu.memref_squeeze %dma_wait3A_349 : memref<1x512xi32, #tpu.memory_space<vmem>> -> memref<512xi32, #tpu.memory_space<vmem>>
    %dma_wait3A_351 = tpu.memref_slice %arg6[%add3A_347] : memref<425984xi32, #tpu.memory_space<hbm>> -> memref<512xi32, #tpu.memory_space<hbm>>
    %dma_wait3A_352 = tpu.memref_slice %arg6[%add3A_347] : memref<425984xi32, #tpu.memory_space<hbm>> -> memref<512xi32, #tpu.memory_space<hbm>>
    %dma_wait3A_353 = arith.constant 0 : i32
    %dma_wait3A_354 = tpu.memref_slice %arg9[%dma_wait3A, %dma_wait3A_353] : memref<26x512xi32, #tpu.memory_space<vmem>> -> memref<1x512xi32, #tpu.memory_space<vmem>>
    %dma_wait3A_355 = tpu.memref_squeeze %dma_wait3A_354 : memref<1x512xi32, #tpu.memory_space<vmem>> -> memref<512xi32, #tpu.memory_space<vmem>>
    tpu.wait_dma2 semaphore(%arg12 : memref<!tpu.dma_semaphore, #tpu.memory_space<semaphore_mem>>) src(%dma_wait3A_355 : memref<512xi32, #tpu.memory_space<vmem>>) dst(%dma_wait3A_352 : memref<512xi32, #tpu.memory_space<hbm>>)
    %add3A_356 = arith.constant 16384 : i32
    %add3A_357 = arith.addi %add3A_356, %mul3A_59 : i32
    %dma_wait3A_358 = arith.constant 1 : i32
    %dma_wait3A_359 = arith.constant 0 : i32
    %dma_wait3A_360 = tpu.memref_slice %arg9[%dma_wait3A_358, %dma_wait3A_359] : memref<26x512xi32, #tpu.memory_space<vmem>> -> memref<1x512xi32, #tpu.memory_space<vmem>>
    %dma_wait3A_361 = tpu.memref_squeeze %dma_wait3A_360 : memref<1x512xi32, #tpu.memory_space<vmem>> -> memref<512xi32, #tpu.memory_space<vmem>>
    %dma_wait3A_362 = tpu.memref_slice %arg6[%add3A_357] : memref<425984xi32, #tpu.memory_space<hbm>> -> memref<512xi32, #tpu.memory_space<hbm>>
    %dma_wait3A_363 = tpu.memref_slice %arg6[%add3A_357] : memref<425984xi32, #tpu.memory_space<hbm>> -> memref<512xi32, #tpu.memory_space<hbm>>
    %dma_wait3A_364 = arith.constant 0 : i32
    %dma_wait3A_365 = tpu.memref_slice %arg9[%dma_wait3A_358, %dma_wait3A_364] : memref<26x512xi32, #tpu.memory_space<vmem>> -> memref<1x512xi32, #tpu.memory_space<vmem>>
    %dma_wait3A_366 = tpu.memref_squeeze %dma_wait3A_365 : memref<1x512xi32, #tpu.memory_space<vmem>> -> memref<512xi32, #tpu.memory_space<vmem>>
    tpu.wait_dma2 semaphore(%arg12 : memref<!tpu.dma_semaphore, #tpu.memory_space<semaphore_mem>>) src(%dma_wait3A_366 : memref<512xi32, #tpu.memory_space<vmem>>) dst(%dma_wait3A_363 : memref<512xi32, #tpu.memory_space<hbm>>)
    %add3A_367 = arith.constant 32768 : i32
    %add3A_368 = arith.addi %add3A_367, %mul3A_59 : i32
    %dma_wait3A_369 = arith.constant 2 : i32
    %dma_wait3A_370 = arith.constant 0 : i32
    %dma_wait3A_371 = tpu.memref_slice %arg9[%dma_wait3A_369, %dma_wait3A_370] : memref<26x512xi32, #tpu.memory_space<vmem>> -> memref<1x512xi32, #tpu.memory_space<vmem>>
    %dma_wait3A_372 = tpu.memref_squeeze %dma_wait3A_371 : memref<1x512xi32, #tpu.memory_space<vmem>> -> memref<512xi32, #tpu.memory_space<vmem>>
    %dma_wait3A_373 = tpu.memref_slice %arg6[%add3A_368] : memref<425984xi32, #tpu.memory_space<hbm>> -> memref<512xi32, #tpu.memory_space<hbm>>
    %dma_wait3A_374 = tpu.memref_slice %arg6[%add3A_368] : memref<425984xi32, #tpu.memory_space<hbm>> -> memref<512xi32, #tpu.memory_space<hbm>>
    %dma_wait3A_375 = arith.constant 0 : i32
    %dma_wait3A_376 = tpu.memref_slice %arg9[%dma_wait3A_369, %dma_wait3A_375] : memref<26x512xi32, #tpu.memory_space<vmem>> -> memref<1x512xi32, #tpu.memory_space<vmem>>
    %dma_wait3A_377 = tpu.memref_squeeze %dma_wait3A_376 : memref<1x512xi32, #tpu.memory_space<vmem>> -> memref<512xi32, #tpu.memory_space<vmem>>
    tpu.wait_dma2 semaphore(%arg12 : memref<!tpu.dma_semaphore, #tpu.memory_space<semaphore_mem>>) src(%dma_wait3A_377 : memref<512xi32, #tpu.memory_space<vmem>>) dst(%dma_wait3A_374 : memref<512xi32, #tpu.memory_space<hbm>>)
    %add3A_378 = arith.constant 49152 : i32
    %add3A_379 = arith.addi %add3A_378, %mul3A_59 : i32
    %dma_wait3A_380 = arith.constant 3 : i32
    %dma_wait3A_381 = arith.constant 0 : i32
    %dma_wait3A_382 = tpu.memref_slice %arg9[%dma_wait3A_380, %dma_wait3A_381] : memref<26x512xi32, #tpu.memory_space<vmem>> -> memref<1x512xi32, #tpu.memory_space<vmem>>
    %dma_wait3A_383 = tpu.memref_squeeze %dma_wait3A_382 : memref<1x512xi32, #tpu.memory_space<vmem>> -> memref<512xi32, #tpu.memory_space<vmem>>
    %dma_wait3A_384 = tpu.memref_slice %arg6[%add3A_379] : memref<425984xi32, #tpu.memory_space<hbm>> -> memref<512xi32, #tpu.memory_space<hbm>>
    %dma_wait3A_385 = tpu.memref_slice %arg6[%add3A_379] : memref<425984xi32, #tpu.memory_space<hbm>> -> memref<512xi32, #tpu.memory_space<hbm>>
    %dma_wait3A_386 = arith.constant 0 : i32
    %dma_wait3A_387 = tpu.memref_slice %arg9[%dma_wait3A_380, %dma_wait3A_386] : memref<26x512xi32, #tpu.memory_space<vmem>> -> memref<1x512xi32, #tpu.memory_space<vmem>>
    %dma_wait3A_388 = tpu.memref_squeeze %dma_wait3A_387 : memref<1x512xi32, #tpu.memory_space<vmem>> -> memref<512xi32, #tpu.memory_space<vmem>>
    tpu.wait_dma2 semaphore(%arg12 : memref<!tpu.dma_semaphore, #tpu.memory_space<semaphore_mem>>) src(%dma_wait3A_388 : memref<512xi32, #tpu.memory_space<vmem>>) dst(%dma_wait3A_385 : memref<512xi32, #tpu.memory_space<hbm>>)
    %add3A_389 = arith.constant 65536 : i32
    %add3A_390 = arith.addi %add3A_389, %mul3A_59 : i32
    %dma_wait3A_391 = arith.constant 4 : i32
    %dma_wait3A_392 = arith.constant 0 : i32
    %dma_wait3A_393 = tpu.memref_slice %arg9[%dma_wait3A_391, %dma_wait3A_392] : memref<26x512xi32, #tpu.memory_space<vmem>> -> memref<1x512xi32, #tpu.memory_space<vmem>>
    %dma_wait3A_394 = tpu.memref_squeeze %dma_wait3A_393 : memref<1x512xi32, #tpu.memory_space<vmem>> -> memref<512xi32, #tpu.memory_space<vmem>>
    %dma_wait3A_395 = tpu.memref_slice %arg6[%add3A_390] : memref<425984xi32, #tpu.memory_space<hbm>> -> memref<512xi32, #tpu.memory_space<hbm>>
    %dma_wait3A_396 = tpu.memref_slice %arg6[%add3A_390] : memref<425984xi32, #tpu.memory_space<hbm>> -> memref<512xi32, #tpu.memory_space<hbm>>
    %dma_wait3A_397 = arith.constant 0 : i32
    %dma_wait3A_398 = tpu.memref_slice %arg9[%dma_wait3A_391, %dma_wait3A_397] : memref<26x512xi32, #tpu.memory_space<vmem>> -> memref<1x512xi32, #tpu.memory_space<vmem>>
    %dma_wait3A_399 = tpu.memref_squeeze %dma_wait3A_398 : memref<1x512xi32, #tpu.memory_space<vmem>> -> memref<512xi32, #tpu.memory_space<vmem>>
    tpu.wait_dma2 semaphore(%arg12 : memref<!tpu.dma_semaphore, #tpu.memory_space<semaphore_mem>>) src(%dma_wait3A_399 : memref<512xi32, #tpu.memory_space<vmem>>) dst(%dma_wait3A_396 : memref<512xi32, #tpu.memory_space<hbm>>)
    %add3A_400 = arith.constant 81920 : i32
    %add3A_401 = arith.addi %add3A_400, %mul3A_59 : i32
    %dma_wait3A_402 = arith.constant 5 : i32
    %dma_wait3A_403 = arith.constant 0 : i32
    %dma_wait3A_404 = tpu.memref_slice %arg9[%dma_wait3A_402, %dma_wait3A_403] : memref<26x512xi32, #tpu.memory_space<vmem>> -> memref<1x512xi32, #tpu.memory_space<vmem>>
    %dma_wait3A_405 = tpu.memref_squeeze %dma_wait3A_404 : memref<1x512xi32, #tpu.memory_space<vmem>> -> memref<512xi32, #tpu.memory_space<vmem>>
    %dma_wait3A_406 = tpu.memref_slice %arg6[%add3A_401] : memref<425984xi32, #tpu.memory_space<hbm>> -> memref<512xi32, #tpu.memory_space<hbm>>
    %dma_wait3A_407 = tpu.memref_slice %arg6[%add3A_401] : memref<425984xi32, #tpu.memory_space<hbm>> -> memref<512xi32, #tpu.memory_space<hbm>>
    %dma_wait3A_408 = arith.constant 0 : i32
    %dma_wait3A_409 = tpu.memref_slice %arg9[%dma_wait3A_402, %dma_wait3A_408] : memref<26x512xi32, #tpu.memory_space<vmem>> -> memref<1x512xi32, #tpu.memory_space<vmem>>
    %dma_wait3A_410 = tpu.memref_squeeze %dma_wait3A_409 : memref<1x512xi32, #tpu.memory_space<vmem>> -> memref<512xi32, #tpu.memory_space<vmem>>
    tpu.wait_dma2 semaphore(%arg12 : memref<!tpu.dma_semaphore, #tpu.memory_space<semaphore_mem>>) src(%dma_wait3A_410 : memref<512xi32, #tpu.memory_space<vmem>>) dst(%dma_wait3A_407 : memref<512xi32, #tpu.memory_space<hbm>>)
    %add3A_411 = arith.constant 98304 : i32
    %add3A_412 = arith.addi %add3A_411, %mul3A_59 : i32
    %dma_wait3A_413 = arith.constant 6 : i32
    %dma_wait3A_414 = arith.constant 0 : i32
    %dma_wait3A_415 = tpu.memref_slice %arg9[%dma_wait3A_413, %dma_wait3A_414] : memref<26x512xi32, #tpu.memory_space<vmem>> -> memref<1x512xi32, #tpu.memory_space<vmem>>
    %dma_wait3A_416 = tpu.memref_squeeze %dma_wait3A_415 : memref<1x512xi32, #tpu.memory_space<vmem>> -> memref<512xi32, #tpu.memory_space<vmem>>
    %dma_wait3A_417 = tpu.memref_slice %arg6[%add3A_412] : memref<425984xi32, #tpu.memory_space<hbm>> -> memref<512xi32, #tpu.memory_space<hbm>>
    %dma_wait3A_418 = tpu.memref_slice %arg6[%add3A_412] : memref<425984xi32, #tpu.memory_space<hbm>> -> memref<512xi32, #tpu.memory_space<hbm>>
    %dma_wait3A_419 = arith.constant 0 : i32
    %dma_wait3A_420 = tpu.memref_slice %arg9[%dma_wait3A_413, %dma_wait3A_419] : memref<26x512xi32, #tpu.memory_space<vmem>> -> memref<1x512xi32, #tpu.memory_space<vmem>>
    %dma_wait3A_421 = tpu.memref_squeeze %dma_wait3A_420 : memref<1x512xi32, #tpu.memory_space<vmem>> -> memref<512xi32, #tpu.memory_space<vmem>>
    tpu.wait_dma2 semaphore(%arg12 : memref<!tpu.dma_semaphore, #tpu.memory_space<semaphore_mem>>) src(%dma_wait3A_421 : memref<512xi32, #tpu.memory_space<vmem>>) dst(%dma_wait3A_418 : memref<512xi32, #tpu.memory_space<hbm>>)
    %add3A_422 = arith.constant 114688 : i32
    %add3A_423 = arith.addi %add3A_422, %mul3A_59 : i32
    %dma_wait3A_424 = arith.constant 7 : i32
    %dma_wait3A_425 = arith.constant 0 : i32
    %dma_wait3A_426 = tpu.memref_slice %arg9[%dma_wait3A_424, %dma_wait3A_425] : memref<26x512xi32, #tpu.memory_space<vmem>> -> memref<1x512xi32, #tpu.memory_space<vmem>>
    %dma_wait3A_427 = tpu.memref_squeeze %dma_wait3A_426 : memref<1x512xi32, #tpu.memory_space<vmem>> -> memref<512xi32, #tpu.memory_space<vmem>>
    %dma_wait3A_428 = tpu.memref_slice %arg6[%add3A_423] : memref<425984xi32, #tpu.memory_space<hbm>> -> memref<512xi32, #tpu.memory_space<hbm>>
    %dma_wait3A_429 = tpu.memref_slice %arg6[%add3A_423] : memref<425984xi32, #tpu.memory_space<hbm>> -> memref<512xi32, #tpu.memory_space<hbm>>
    %dma_wait3A_430 = arith.constant 0 : i32
    %dma_wait3A_431 = tpu.memref_slice %arg9[%dma_wait3A_424, %dma_wait3A_430] : memref<26x512xi32, #tpu.memory_space<vmem>> -> memref<1x512xi32, #tpu.memory_space<vmem>>
    %dma_wait3A_432 = tpu.memref_squeeze %dma_wait3A_431 : memref<1x512xi32, #tpu.memory_space<vmem>> -> memref<512xi32, #tpu.memory_space<vmem>>
    tpu.wait_dma2 semaphore(%arg12 : memref<!tpu.dma_semaphore, #tpu.memory_space<semaphore_mem>>) src(%dma_wait3A_432 : memref<512xi32, #tpu.memory_space<vmem>>) dst(%dma_wait3A_429 : memref<512xi32, #tpu.memory_space<hbm>>)
    %add3A_433 = arith.constant 131072 : i32
    %add3A_434 = arith.addi %add3A_433, %mul3A_59 : i32
    %dma_wait3A_435 = arith.constant 8 : i32
    %dma_wait3A_436 = arith.constant 0 : i32
    %dma_wait3A_437 = tpu.memref_slice %arg9[%dma_wait3A_435, %dma_wait3A_436] : memref<26x512xi32, #tpu.memory_space<vmem>> -> memref<1x512xi32, #tpu.memory_space<vmem>>
    %dma_wait3A_438 = tpu.memref_squeeze %dma_wait3A_437 : memref<1x512xi32, #tpu.memory_space<vmem>> -> memref<512xi32, #tpu.memory_space<vmem>>
    %dma_wait3A_439 = tpu.memref_slice %arg6[%add3A_434] : memref<425984xi32, #tpu.memory_space<hbm>> -> memref<512xi32, #tpu.memory_space<hbm>>
    %dma_wait3A_440 = tpu.memref_slice %arg6[%add3A_434] : memref<425984xi32, #tpu.memory_space<hbm>> -> memref<512xi32, #tpu.memory_space<hbm>>
    %dma_wait3A_441 = arith.constant 0 : i32
    %dma_wait3A_442 = tpu.memref_slice %arg9[%dma_wait3A_435, %dma_wait3A_441] : memref<26x512xi32, #tpu.memory_space<vmem>> -> memref<1x512xi32, #tpu.memory_space<vmem>>
    %dma_wait3A_443 = tpu.memref_squeeze %dma_wait3A_442 : memref<1x512xi32, #tpu.memory_space<vmem>> -> memref<512xi32, #tpu.memory_space<vmem>>
    tpu.wait_dma2 semaphore(%arg12 : memref<!tpu.dma_semaphore, #tpu.memory_space<semaphore_mem>>) src(%dma_wait3A_443 : memref<512xi32, #tpu.memory_space<vmem>>) dst(%dma_wait3A_440 : memref<512xi32, #tpu.memory_space<hbm>>)
    %add3A_444 = arith.constant 147456 : i32
    %add3A_445 = arith.addi %add3A_444, %mul3A_59 : i32
    %dma_wait3A_446 = arith.constant 9 : i32
    %dma_wait3A_447 = arith.constant 0 : i32
    %dma_wait3A_448 = tpu.memref_slice %arg9[%dma_wait3A_446, %dma_wait3A_447] : memref<26x512xi32, #tpu.memory_space<vmem>> -> memref<1x512xi32, #tpu.memory_space<vmem>>
    %dma_wait3A_449 = tpu.memref_squeeze %dma_wait3A_448 : memref<1x512xi32, #tpu.memory_space<vmem>> -> memref<512xi32, #tpu.memory_space<vmem>>
    %dma_wait3A_450 = tpu.memref_slice %arg6[%add3A_445] : memref<425984xi32, #tpu.memory_space<hbm>> -> memref<512xi32, #tpu.memory_space<hbm>>
    %dma_wait3A_451 = tpu.memref_slice %arg6[%add3A_445] : memref<425984xi32, #tpu.memory_space<hbm>> -> memref<512xi32, #tpu.memory_space<hbm>>
    %dma_wait3A_452 = arith.constant 0 : i32
    %dma_wait3A_453 = tpu.memref_slice %arg9[%dma_wait3A_446, %dma_wait3A_452] : memref<26x512xi32, #tpu.memory_space<vmem>> -> memref<1x512xi32, #tpu.memory_space<vmem>>
    %dma_wait3A_454 = tpu.memref_squeeze %dma_wait3A_453 : memref<1x512xi32, #tpu.memory_space<vmem>> -> memref<512xi32, #tpu.memory_space<vmem>>
    tpu.wait_dma2 semaphore(%arg12 : memref<!tpu.dma_semaphore, #tpu.memory_space<semaphore_mem>>) src(%dma_wait3A_454 : memref<512xi32, #tpu.memory_space<vmem>>) dst(%dma_wait3A_451 : memref<512xi32, #tpu.memory_space<hbm>>)
    %add3A_455 = arith.constant 163840 : i32
    %add3A_456 = arith.addi %add3A_455, %mul3A_59 : i32
    %dma_wait3A_457 = arith.constant 10 : i32
    %dma_wait3A_458 = arith.constant 0 : i32
    %dma_wait3A_459 = tpu.memref_slice %arg9[%dma_wait3A_457, %dma_wait3A_458] : memref<26x512xi32, #tpu.memory_space<vmem>> -> memref<1x512xi32, #tpu.memory_space<vmem>>
    %dma_wait3A_460 = tpu.memref_squeeze %dma_wait3A_459 : memref<1x512xi32, #tpu.memory_space<vmem>> -> memref<512xi32, #tpu.memory_space<vmem>>
    %dma_wait3A_461 = tpu.memref_slice %arg6[%add3A_456] : memref<425984xi32, #tpu.memory_space<hbm>> -> memref<512xi32, #tpu.memory_space<hbm>>
    %dma_wait3A_462 = tpu.memref_slice %arg6[%add3A_456] : memref<425984xi32, #tpu.memory_space<hbm>> -> memref<512xi32, #tpu.memory_space<hbm>>
    %dma_wait3A_463 = arith.constant 0 : i32
    %dma_wait3A_464 = tpu.memref_slice %arg9[%dma_wait3A_457, %dma_wait3A_463] : memref<26x512xi32, #tpu.memory_space<vmem>> -> memref<1x512xi32, #tpu.memory_space<vmem>>
    %dma_wait3A_465 = tpu.memref_squeeze %dma_wait3A_464 : memref<1x512xi32, #tpu.memory_space<vmem>> -> memref<512xi32, #tpu.memory_space<vmem>>
    tpu.wait_dma2 semaphore(%arg12 : memref<!tpu.dma_semaphore, #tpu.memory_space<semaphore_mem>>) src(%dma_wait3A_465 : memref<512xi32, #tpu.memory_space<vmem>>) dst(%dma_wait3A_462 : memref<512xi32, #tpu.memory_space<hbm>>)
    %add3A_466 = arith.constant 180224 : i32
    %add3A_467 = arith.addi %add3A_466, %mul3A_59 : i32
    %dma_wait3A_468 = arith.constant 11 : i32
    %dma_wait3A_469 = arith.constant 0 : i32
    %dma_wait3A_470 = tpu.memref_slice %arg9[%dma_wait3A_468, %dma_wait3A_469] : memref<26x512xi32, #tpu.memory_space<vmem>> -> memref<1x512xi32, #tpu.memory_space<vmem>>
    %dma_wait3A_471 = tpu.memref_squeeze %dma_wait3A_470 : memref<1x512xi32, #tpu.memory_space<vmem>> -> memref<512xi32, #tpu.memory_space<vmem>>
    %dma_wait3A_472 = tpu.memref_slice %arg6[%add3A_467] : memref<425984xi32, #tpu.memory_space<hbm>> -> memref<512xi32, #tpu.memory_space<hbm>>
    %dma_wait3A_473 = tpu.memref_slice %arg6[%add3A_467] : memref<425984xi32, #tpu.memory_space<hbm>> -> memref<512xi32, #tpu.memory_space<hbm>>
    %dma_wait3A_474 = arith.constant 0 : i32
    %dma_wait3A_475 = tpu.memref_slice %arg9[%dma_wait3A_468, %dma_wait3A_474] : memref<26x512xi32, #tpu.memory_space<vmem>> -> memref<1x512xi32, #tpu.memory_space<vmem>>
    %dma_wait3A_476 = tpu.memref_squeeze %dma_wait3A_475 : memref<1x512xi32, #tpu.memory_space<vmem>> -> memref<512xi32, #tpu.memory_space<vmem>>
    tpu.wait_dma2 semaphore(%arg12 : memref<!tpu.dma_semaphore, #tpu.memory_space<semaphore_mem>>) src(%dma_wait3A_476 : memref<512xi32, #tpu.memory_space<vmem>>) dst(%dma_wait3A_473 : memref<512xi32, #tpu.memory_space<hbm>>)
    %add3A_477 = arith.constant 196608 : i32
    %add3A_478 = arith.addi %add3A_477, %mul3A_59 : i32
    %dma_wait3A_479 = arith.constant 12 : i32
    %dma_wait3A_480 = arith.constant 0 : i32
    %dma_wait3A_481 = tpu.memref_slice %arg9[%dma_wait3A_479, %dma_wait3A_480] : memref<26x512xi32, #tpu.memory_space<vmem>> -> memref<1x512xi32, #tpu.memory_space<vmem>>
    %dma_wait3A_482 = tpu.memref_squeeze %dma_wait3A_481 : memref<1x512xi32, #tpu.memory_space<vmem>> -> memref<512xi32, #tpu.memory_space<vmem>>
    %dma_wait3A_483 = tpu.memref_slice %arg6[%add3A_478] : memref<425984xi32, #tpu.memory_space<hbm>> -> memref<512xi32, #tpu.memory_space<hbm>>
    %dma_wait3A_484 = tpu.memref_slice %arg6[%add3A_478] : memref<425984xi32, #tpu.memory_space<hbm>> -> memref<512xi32, #tpu.memory_space<hbm>>
    %dma_wait3A_485 = arith.constant 0 : i32
    %dma_wait3A_486 = tpu.memref_slice %arg9[%dma_wait3A_479, %dma_wait3A_485] : memref<26x512xi32, #tpu.memory_space<vmem>> -> memref<1x512xi32, #tpu.memory_space<vmem>>
    %dma_wait3A_487 = tpu.memref_squeeze %dma_wait3A_486 : memref<1x512xi32, #tpu.memory_space<vmem>> -> memref<512xi32, #tpu.memory_space<vmem>>
    tpu.wait_dma2 semaphore(%arg12 : memref<!tpu.dma_semaphore, #tpu.memory_space<semaphore_mem>>) src(%dma_wait3A_487 : memref<512xi32, #tpu.memory_space<vmem>>) dst(%dma_wait3A_484 : memref<512xi32, #tpu.memory_space<hbm>>)
    %add3A_488 = arith.constant 212992 : i32
    %add3A_489 = arith.addi %add3A_488, %mul3A_59 : i32
    %dma_wait3A_490 = arith.constant 13 : i32
    %dma_wait3A_491 = arith.constant 0 : i32
    %dma_wait3A_492 = tpu.memref_slice %arg9[%dma_wait3A_490, %dma_wait3A_491] : memref<26x512xi32, #tpu.memory_space<vmem>> -> memref<1x512xi32, #tpu.memory_space<vmem>>
    %dma_wait3A_493 = tpu.memref_squeeze %dma_wait3A_492 : memref<1x512xi32, #tpu.memory_space<vmem>> -> memref<512xi32, #tpu.memory_space<vmem>>
    %dma_wait3A_494 = tpu.memref_slice %arg6[%add3A_489] : memref<425984xi32, #tpu.memory_space<hbm>> -> memref<512xi32, #tpu.memory_space<hbm>>
    %dma_wait3A_495 = tpu.memref_slice %arg6[%add3A_489] : memref<425984xi32, #tpu.memory_space<hbm>> -> memref<512xi32, #tpu.memory_space<hbm>>
    %dma_wait3A_496 = arith.constant 0 : i32
    %dma_wait3A_497 = tpu.memref_slice %arg9[%dma_wait3A_490, %dma_wait3A_496] : memref<26x512xi32, #tpu.memory_space<vmem>> -> memref<1x512xi32, #tpu.memory_space<vmem>>
    %dma_wait3A_498 = tpu.memref_squeeze %dma_wait3A_497 : memref<1x512xi32, #tpu.memory_space<vmem>> -> memref<512xi32, #tpu.memory_space<vmem>>
    tpu.wait_dma2 semaphore(%arg12 : memref<!tpu.dma_semaphore, #tpu.memory_space<semaphore_mem>>) src(%dma_wait3A_498 : memref<512xi32, #tpu.memory_space<vmem>>) dst(%dma_wait3A_495 : memref<512xi32, #tpu.memory_space<hbm>>)
    %add3A_499 = arith.constant 229376 : i32
    %add3A_500 = arith.addi %add3A_499, %mul3A_59 : i32
    %dma_wait3A_501 = arith.constant 14 : i32
    %dma_wait3A_502 = arith.constant 0 : i32
    %dma_wait3A_503 = tpu.memref_slice %arg9[%dma_wait3A_501, %dma_wait3A_502] : memref<26x512xi32, #tpu.memory_space<vmem>> -> memref<1x512xi32, #tpu.memory_space<vmem>>
    %dma_wait3A_504 = tpu.memref_squeeze %dma_wait3A_503 : memref<1x512xi32, #tpu.memory_space<vmem>> -> memref<512xi32, #tpu.memory_space<vmem>>
    %dma_wait3A_505 = tpu.memref_slice %arg6[%add3A_500] : memref<425984xi32, #tpu.memory_space<hbm>> -> memref<512xi32, #tpu.memory_space<hbm>>
    %dma_wait3A_506 = tpu.memref_slice %arg6[%add3A_500] : memref<425984xi32, #tpu.memory_space<hbm>> -> memref<512xi32, #tpu.memory_space<hbm>>
    %dma_wait3A_507 = arith.constant 0 : i32
    %dma_wait3A_508 = tpu.memref_slice %arg9[%dma_wait3A_501, %dma_wait3A_507] : memref<26x512xi32, #tpu.memory_space<vmem>> -> memref<1x512xi32, #tpu.memory_space<vmem>>
    %dma_wait3A_509 = tpu.memref_squeeze %dma_wait3A_508 : memref<1x512xi32, #tpu.memory_space<vmem>> -> memref<512xi32, #tpu.memory_space<vmem>>
    tpu.wait_dma2 semaphore(%arg12 : memref<!tpu.dma_semaphore, #tpu.memory_space<semaphore_mem>>) src(%dma_wait3A_509 : memref<512xi32, #tpu.memory_space<vmem>>) dst(%dma_wait3A_506 : memref<512xi32, #tpu.memory_space<hbm>>)
    %add3A_510 = arith.constant 245760 : i32
    %add3A_511 = arith.addi %add3A_510, %mul3A_59 : i32
    %dma_wait3A_512 = arith.constant 15 : i32
    %dma_wait3A_513 = arith.constant 0 : i32
    %dma_wait3A_514 = tpu.memref_slice %arg9[%dma_wait3A_512, %dma_wait3A_513] : memref<26x512xi32, #tpu.memory_space<vmem>> -> memref<1x512xi32, #tpu.memory_space<vmem>>
    %dma_wait3A_515 = tpu.memref_squeeze %dma_wait3A_514 : memref<1x512xi32, #tpu.memory_space<vmem>> -> memref<512xi32, #tpu.memory_space<vmem>>
    %dma_wait3A_516 = tpu.memref_slice %arg6[%add3A_511] : memref<425984xi32, #tpu.memory_space<hbm>> -> memref<512xi32, #tpu.memory_space<hbm>>
    %dma_wait3A_517 = tpu.memref_slice %arg6[%add3A_511] : memref<425984xi32, #tpu.memory_space<hbm>> -> memref<512xi32, #tpu.memory_space<hbm>>
    %dma_wait3A_518 = arith.constant 0 : i32
    %dma_wait3A_519 = tpu.memref_slice %arg9[%dma_wait3A_512, %dma_wait3A_518] : memref<26x512xi32, #tpu.memory_space<vmem>> -> memref<1x512xi32, #tpu.memory_space<vmem>>
    %dma_wait3A_520 = tpu.memref_squeeze %dma_wait3A_519 : memref<1x512xi32, #tpu.memory_space<vmem>> -> memref<512xi32, #tpu.memory_space<vmem>>
    tpu.wait_dma2 semaphore(%arg12 : memref<!tpu.dma_semaphore, #tpu.memory_space<semaphore_mem>>) src(%dma_wait3A_520 : memref<512xi32, #tpu.memory_space<vmem>>) dst(%dma_wait3A_517 : memref<512xi32, #tpu.memory_space<hbm>>)
    %add3A_521 = arith.constant 262144 : i32
    %add3A_522 = arith.addi %add3A_521, %mul3A_59 : i32
    %dma_wait3A_523 = arith.constant 16 : i32
    %dma_wait3A_524 = arith.constant 0 : i32
    %dma_wait3A_525 = tpu.memref_slice %arg9[%dma_wait3A_523, %dma_wait3A_524] : memref<26x512xi32, #tpu.memory_space<vmem>> -> memref<1x512xi32, #tpu.memory_space<vmem>>
    %dma_wait3A_526 = tpu.memref_squeeze %dma_wait3A_525 : memref<1x512xi32, #tpu.memory_space<vmem>> -> memref<512xi32, #tpu.memory_space<vmem>>
    %dma_wait3A_527 = tpu.memref_slice %arg6[%add3A_522] : memref<425984xi32, #tpu.memory_space<hbm>> -> memref<512xi32, #tpu.memory_space<hbm>>
    %dma_wait3A_528 = tpu.memref_slice %arg6[%add3A_522] : memref<425984xi32, #tpu.memory_space<hbm>> -> memref<512xi32, #tpu.memory_space<hbm>>
    %dma_wait3A_529 = arith.constant 0 : i32
    %dma_wait3A_530 = tpu.memref_slice %arg9[%dma_wait3A_523, %dma_wait3A_529] : memref<26x512xi32, #tpu.memory_space<vmem>> -> memref<1x512xi32, #tpu.memory_space<vmem>>
    %dma_wait3A_531 = tpu.memref_squeeze %dma_wait3A_530 : memref<1x512xi32, #tpu.memory_space<vmem>> -> memref<512xi32, #tpu.memory_space<vmem>>
    tpu.wait_dma2 semaphore(%arg12 : memref<!tpu.dma_semaphore, #tpu.memory_space<semaphore_mem>>) src(%dma_wait3A_531 : memref<512xi32, #tpu.memory_space<vmem>>) dst(%dma_wait3A_528 : memref<512xi32, #tpu.memory_space<hbm>>)
    %add3A_532 = arith.constant 278528 : i32
    %add3A_533 = arith.addi %add3A_532, %mul3A_59 : i32
    %dma_wait3A_534 = arith.constant 17 : i32
    %dma_wait3A_535 = arith.constant 0 : i32
    %dma_wait3A_536 = tpu.memref_slice %arg9[%dma_wait3A_534, %dma_wait3A_535] : memref<26x512xi32, #tpu.memory_space<vmem>> -> memref<1x512xi32, #tpu.memory_space<vmem>>
    %dma_wait3A_537 = tpu.memref_squeeze %dma_wait3A_536 : memref<1x512xi32, #tpu.memory_space<vmem>> -> memref<512xi32, #tpu.memory_space<vmem>>
    %dma_wait3A_538 = tpu.memref_slice %arg6[%add3A_533] : memref<425984xi32, #tpu.memory_space<hbm>> -> memref<512xi32, #tpu.memory_space<hbm>>
    %dma_wait3A_539 = tpu.memref_slice %arg6[%add3A_533] : memref<425984xi32, #tpu.memory_space<hbm>> -> memref<512xi32, #tpu.memory_space<hbm>>
    %dma_wait3A_540 = arith.constant 0 : i32
    %dma_wait3A_541 = tpu.memref_slice %arg9[%dma_wait3A_534, %dma_wait3A_540] : memref<26x512xi32, #tpu.memory_space<vmem>> -> memref<1x512xi32, #tpu.memory_space<vmem>>
    %dma_wait3A_542 = tpu.memref_squeeze %dma_wait3A_541 : memref<1x512xi32, #tpu.memory_space<vmem>> -> memref<512xi32, #tpu.memory_space<vmem>>
    tpu.wait_dma2 semaphore(%arg12 : memref<!tpu.dma_semaphore, #tpu.memory_space<semaphore_mem>>) src(%dma_wait3A_542 : memref<512xi32, #tpu.memory_space<vmem>>) dst(%dma_wait3A_539 : memref<512xi32, #tpu.memory_space<hbm>>)
    %add3A_543 = arith.constant 294912 : i32
    %add3A_544 = arith.addi %add3A_543, %mul3A_59 : i32
    %dma_wait3A_545 = arith.constant 18 : i32
    %dma_wait3A_546 = arith.constant 0 : i32
    %dma_wait3A_547 = tpu.memref_slice %arg9[%dma_wait3A_545, %dma_wait3A_546] : memref<26x512xi32, #tpu.memory_space<vmem>> -> memref<1x512xi32, #tpu.memory_space<vmem>>
    %dma_wait3A_548 = tpu.memref_squeeze %dma_wait3A_547 : memref<1x512xi32, #tpu.memory_space<vmem>> -> memref<512xi32, #tpu.memory_space<vmem>>
    %dma_wait3A_549 = tpu.memref_slice %arg6[%add3A_544] : memref<425984xi32, #tpu.memory_space<hbm>> -> memref<512xi32, #tpu.memory_space<hbm>>
    %dma_wait3A_550 = tpu.memref_slice %arg6[%add3A_544] : memref<425984xi32, #tpu.memory_space<hbm>> -> memref<512xi32, #tpu.memory_space<hbm>>
    %dma_wait3A_551 = arith.constant 0 : i32
    %dma_wait3A_552 = tpu.memref_slice %arg9[%dma_wait3A_545, %dma_wait3A_551] : memref<26x512xi32, #tpu.memory_space<vmem>> -> memref<1x512xi32, #tpu.memory_space<vmem>>
    %dma_wait3A_553 = tpu.memref_squeeze %dma_wait3A_552 : memref<1x512xi32, #tpu.memory_space<vmem>> -> memref<512xi32, #tpu.memory_space<vmem>>
    tpu.wait_dma2 semaphore(%arg12 : memref<!tpu.dma_semaphore, #tpu.memory_space<semaphore_mem>>) src(%dma_wait3A_553 : memref<512xi32, #tpu.memory_space<vmem>>) dst(%dma_wait3A_550 : memref<512xi32, #tpu.memory_space<hbm>>)
    %add3A_554 = arith.constant 311296 : i32
    %add3A_555 = arith.addi %add3A_554, %mul3A_59 : i32
    %dma_wait3A_556 = arith.constant 19 : i32
    %dma_wait3A_557 = arith.constant 0 : i32
    %dma_wait3A_558 = tpu.memref_slice %arg9[%dma_wait3A_556, %dma_wait3A_557] : memref<26x512xi32, #tpu.memory_space<vmem>> -> memref<1x512xi32, #tpu.memory_space<vmem>>
    %dma_wait3A_559 = tpu.memref_squeeze %dma_wait3A_558 : memref<1x512xi32, #tpu.memory_space<vmem>> -> memref<512xi32, #tpu.memory_space<vmem>>
    %dma_wait3A_560 = tpu.memref_slice %arg6[%add3A_555] : memref<425984xi32, #tpu.memory_space<hbm>> -> memref<512xi32, #tpu.memory_space<hbm>>
    %dma_wait3A_561 = tpu.memref_slice %arg6[%add3A_555] : memref<425984xi32, #tpu.memory_space<hbm>> -> memref<512xi32, #tpu.memory_space<hbm>>
    %dma_wait3A_562 = arith.constant 0 : i32
    %dma_wait3A_563 = tpu.memref_slice %arg9[%dma_wait3A_556, %dma_wait3A_562] : memref<26x512xi32, #tpu.memory_space<vmem>> -> memref<1x512xi32, #tpu.memory_space<vmem>>
    %dma_wait3A_564 = tpu.memref_squeeze %dma_wait3A_563 : memref<1x512xi32, #tpu.memory_space<vmem>> -> memref<512xi32, #tpu.memory_space<vmem>>
    tpu.wait_dma2 semaphore(%arg12 : memref<!tpu.dma_semaphore, #tpu.memory_space<semaphore_mem>>) src(%dma_wait3A_564 : memref<512xi32, #tpu.memory_space<vmem>>) dst(%dma_wait3A_561 : memref<512xi32, #tpu.memory_space<hbm>>)
    %add3A_565 = arith.constant 327680 : i32
    %add3A_566 = arith.addi %add3A_565, %mul3A_59 : i32
    %dma_wait3A_567 = arith.constant 20 : i32
    %dma_wait3A_568 = arith.constant 0 : i32
    %dma_wait3A_569 = tpu.memref_slice %arg9[%dma_wait3A_567, %dma_wait3A_568] : memref<26x512xi32, #tpu.memory_space<vmem>> -> memref<1x512xi32, #tpu.memory_space<vmem>>
    %dma_wait3A_570 = tpu.memref_squeeze %dma_wait3A_569 : memref<1x512xi32, #tpu.memory_space<vmem>> -> memref<512xi32, #tpu.memory_space<vmem>>
    %dma_wait3A_571 = tpu.memref_slice %arg6[%add3A_566] : memref<425984xi32, #tpu.memory_space<hbm>> -> memref<512xi32, #tpu.memory_space<hbm>>
    %dma_wait3A_572 = tpu.memref_slice %arg6[%add3A_566] : memref<425984xi32, #tpu.memory_space<hbm>> -> memref<512xi32, #tpu.memory_space<hbm>>
    %dma_wait3A_573 = arith.constant 0 : i32
    %dma_wait3A_574 = tpu.memref_slice %arg9[%dma_wait3A_567, %dma_wait3A_573] : memref<26x512xi32, #tpu.memory_space<vmem>> -> memref<1x512xi32, #tpu.memory_space<vmem>>
    %dma_wait3A_575 = tpu.memref_squeeze %dma_wait3A_574 : memref<1x512xi32, #tpu.memory_space<vmem>> -> memref<512xi32, #tpu.memory_space<vmem>>
    tpu.wait_dma2 semaphore(%arg12 : memref<!tpu.dma_semaphore, #tpu.memory_space<semaphore_mem>>) src(%dma_wait3A_575 : memref<512xi32, #tpu.memory_space<vmem>>) dst(%dma_wait3A_572 : memref<512xi32, #tpu.memory_space<hbm>>)
    %add3A_576 = arith.constant 344064 : i32
    %add3A_577 = arith.addi %add3A_576, %mul3A_59 : i32
    %dma_wait3A_578 = arith.constant 21 : i32
    %dma_wait3A_579 = arith.constant 0 : i32
    %dma_wait3A_580 = tpu.memref_slice %arg9[%dma_wait3A_578, %dma_wait3A_579] : memref<26x512xi32, #tpu.memory_space<vmem>> -> memref<1x512xi32, #tpu.memory_space<vmem>>
    %dma_wait3A_581 = tpu.memref_squeeze %dma_wait3A_580 : memref<1x512xi32, #tpu.memory_space<vmem>> -> memref<512xi32, #tpu.memory_space<vmem>>
    %dma_wait3A_582 = tpu.memref_slice %arg6[%add3A_577] : memref<425984xi32, #tpu.memory_space<hbm>> -> memref<512xi32, #tpu.memory_space<hbm>>
    %dma_wait3A_583 = tpu.memref_slice %arg6[%add3A_577] : memref<425984xi32, #tpu.memory_space<hbm>> -> memref<512xi32, #tpu.memory_space<hbm>>
    %dma_wait3A_584 = arith.constant 0 : i32
    %dma_wait3A_585 = tpu.memref_slice %arg9[%dma_wait3A_578, %dma_wait3A_584] : memref<26x512xi32, #tpu.memory_space<vmem>> -> memref<1x512xi32, #tpu.memory_space<vmem>>
    %dma_wait3A_586 = tpu.memref_squeeze %dma_wait3A_585 : memref<1x512xi32, #tpu.memory_space<vmem>> -> memref<512xi32, #tpu.memory_space<vmem>>
    tpu.wait_dma2 semaphore(%arg12 : memref<!tpu.dma_semaphore, #tpu.memory_space<semaphore_mem>>) src(%dma_wait3A_586 : memref<512xi32, #tpu.memory_space<vmem>>) dst(%dma_wait3A_583 : memref<512xi32, #tpu.memory_space<hbm>>)
    %add3A_587 = arith.constant 360448 : i32
    %add3A_588 = arith.addi %add3A_587, %mul3A_59 : i32
    %dma_wait3A_589 = arith.constant 22 : i32
    %dma_wait3A_590 = arith.constant 0 : i32
    %dma_wait3A_591 = tpu.memref_slice %arg9[%dma_wait3A_589, %dma_wait3A_590] : memref<26x512xi32, #tpu.memory_space<vmem>> -> memref<1x512xi32, #tpu.memory_space<vmem>>
    %dma_wait3A_592 = tpu.memref_squeeze %dma_wait3A_591 : memref<1x512xi32, #tpu.memory_space<vmem>> -> memref<512xi32, #tpu.memory_space<vmem>>
    %dma_wait3A_593 = tpu.memref_slice %arg6[%add3A_588] : memref<425984xi32, #tpu.memory_space<hbm>> -> memref<512xi32, #tpu.memory_space<hbm>>
    %dma_wait3A_594 = tpu.memref_slice %arg6[%add3A_588] : memref<425984xi32, #tpu.memory_space<hbm>> -> memref<512xi32, #tpu.memory_space<hbm>>
    %dma_wait3A_595 = arith.constant 0 : i32
    %dma_wait3A_596 = tpu.memref_slice %arg9[%dma_wait3A_589, %dma_wait3A_595] : memref<26x512xi32, #tpu.memory_space<vmem>> -> memref<1x512xi32, #tpu.memory_space<vmem>>
    %dma_wait3A_597 = tpu.memref_squeeze %dma_wait3A_596 : memref<1x512xi32, #tpu.memory_space<vmem>> -> memref<512xi32, #tpu.memory_space<vmem>>
    tpu.wait_dma2 semaphore(%arg12 : memref<!tpu.dma_semaphore, #tpu.memory_space<semaphore_mem>>) src(%dma_wait3A_597 : memref<512xi32, #tpu.memory_space<vmem>>) dst(%dma_wait3A_594 : memref<512xi32, #tpu.memory_space<hbm>>)
    %add3A_598 = arith.constant 376832 : i32
    %add3A_599 = arith.addi %add3A_598, %mul3A_59 : i32
    %dma_wait3A_600 = arith.constant 23 : i32
    %dma_wait3A_601 = arith.constant 0 : i32
    %dma_wait3A_602 = tpu.memref_slice %arg9[%dma_wait3A_600, %dma_wait3A_601] : memref<26x512xi32, #tpu.memory_space<vmem>> -> memref<1x512xi32, #tpu.memory_space<vmem>>
    %dma_wait3A_603 = tpu.memref_squeeze %dma_wait3A_602 : memref<1x512xi32, #tpu.memory_space<vmem>> -> memref<512xi32, #tpu.memory_space<vmem>>
    %dma_wait3A_604 = tpu.memref_slice %arg6[%add3A_599] : memref<425984xi32, #tpu.memory_space<hbm>> -> memref<512xi32, #tpu.memory_space<hbm>>
    %dma_wait3A_605 = tpu.memref_slice %arg6[%add3A_599] : memref<425984xi32, #tpu.memory_space<hbm>> -> memref<512xi32, #tpu.memory_space<hbm>>
    %dma_wait3A_606 = arith.constant 0 : i32
    %dma_wait3A_607 = tpu.memref_slice %arg9[%dma_wait3A_600, %dma_wait3A_606] : memref<26x512xi32, #tpu.memory_space<vmem>> -> memref<1x512xi32, #tpu.memory_space<vmem>>
    %dma_wait3A_608 = tpu.memref_squeeze %dma_wait3A_607 : memref<1x512xi32, #tpu.memory_space<vmem>> -> memref<512xi32, #tpu.memory_space<vmem>>
    tpu.wait_dma2 semaphore(%arg12 : memref<!tpu.dma_semaphore, #tpu.memory_space<semaphore_mem>>) src(%dma_wait3A_608 : memref<512xi32, #tpu.memory_space<vmem>>) dst(%dma_wait3A_605 : memref<512xi32, #tpu.memory_space<hbm>>)
    %add3A_609 = arith.constant 393216 : i32
    %add3A_610 = arith.addi %add3A_609, %mul3A_59 : i32
    %dma_wait3A_611 = arith.constant 24 : i32
    %dma_wait3A_612 = arith.constant 0 : i32
    %dma_wait3A_613 = tpu.memref_slice %arg9[%dma_wait3A_611, %dma_wait3A_612] : memref<26x512xi32, #tpu.memory_space<vmem>> -> memref<1x512xi32, #tpu.memory_space<vmem>>
    %dma_wait3A_614 = tpu.memref_squeeze %dma_wait3A_613 : memref<1x512xi32, #tpu.memory_space<vmem>> -> memref<512xi32, #tpu.memory_space<vmem>>
    %dma_wait3A_615 = tpu.memref_slice %arg6[%add3A_610] : memref<425984xi32, #tpu.memory_space<hbm>> -> memref<512xi32, #tpu.memory_space<hbm>>
    %dma_wait3A_616 = tpu.memref_slice %arg6[%add3A_610] : memref<425984xi32, #tpu.memory_space<hbm>> -> memref<512xi32, #tpu.memory_space<hbm>>
    %dma_wait3A_617 = arith.constant 0 : i32
    %dma_wait3A_618 = tpu.memref_slice %arg9[%dma_wait3A_611, %dma_wait3A_617] : memref<26x512xi32, #tpu.memory_space<vmem>> -> memref<1x512xi32, #tpu.memory_space<vmem>>
    %dma_wait3A_619 = tpu.memref_squeeze %dma_wait3A_618 : memref<1x512xi32, #tpu.memory_space<vmem>> -> memref<512xi32, #tpu.memory_space<vmem>>
    tpu.wait_dma2 semaphore(%arg12 : memref<!tpu.dma_semaphore, #tpu.memory_space<semaphore_mem>>) src(%dma_wait3A_619 : memref<512xi32, #tpu.memory_space<vmem>>) dst(%dma_wait3A_616 : memref<512xi32, #tpu.memory_space<hbm>>)
    %add3A_620 = arith.constant 409600 : i32
    %add3A_621 = arith.addi %add3A_620, %mul3A_59 : i32
    %dma_wait3A_622 = arith.constant 25 : i32
    %dma_wait3A_623 = arith.constant 0 : i32
    %dma_wait3A_624 = tpu.memref_slice %arg9[%dma_wait3A_622, %dma_wait3A_623] : memref<26x512xi32, #tpu.memory_space<vmem>> -> memref<1x512xi32, #tpu.memory_space<vmem>>
    %dma_wait3A_625 = tpu.memref_squeeze %dma_wait3A_624 : memref<1x512xi32, #tpu.memory_space<vmem>> -> memref<512xi32, #tpu.memory_space<vmem>>
    %dma_wait3A_626 = tpu.memref_slice %arg6[%add3A_621] : memref<425984xi32, #tpu.memory_space<hbm>> -> memref<512xi32, #tpu.memory_space<hbm>>
    %dma_wait3A_627 = tpu.memref_slice %arg6[%add3A_621] : memref<425984xi32, #tpu.memory_space<hbm>> -> memref<512xi32, #tpu.memory_space<hbm>>
    %dma_wait3A_628 = arith.constant 0 : i32
    %dma_wait3A_629 = tpu.memref_slice %arg9[%dma_wait3A_622, %dma_wait3A_628] : memref<26x512xi32, #tpu.memory_space<vmem>> -> memref<1x512xi32, #tpu.memory_space<vmem>>
    %dma_wait3A_630 = tpu.memref_squeeze %dma_wait3A_629 : memref<1x512xi32, #tpu.memory_space<vmem>> -> memref<512xi32, #tpu.memory_space<vmem>>
    tpu.wait_dma2 semaphore(%arg12 : memref<!tpu.dma_semaphore, #tpu.memory_space<semaphore_mem>>) src(%dma_wait3A_630 : memref<512xi32, #tpu.memory_space<vmem>>) dst(%dma_wait3A_627 : memref<512xi32, #tpu.memory_space<hbm>>)
    %scan3A = arith.constant 0 : i32
    %scan3A_631 = arith.constant 244 : i32
    %scan3A_632 = arith.addi %scan3A, %scan3A_631 : i32
    %scan3A_633 = arith.constant 1 : i32
    scf.for %scan3A_709 = %scan3A to %scan3A_632 step %scan3A_633  : i32 {
      %rem3A = arith.constant 4 : i32
      %rem3A_710 = arith.remsi %scan3A_709, %rem3A : i32
      %mul3A_711 = arith.constant 32 : i32
      %mul3A_712 = arith.muli %mul3A_711, %scan3A_709 : i32
      %add3A_713 = arith.addi %add3A, %mul3A_712 : i32
      %mul3A_714 = arith.constant 128 : i32
      %mul3A_715 = arith.muli %add3A_713, %mul3A_714 : i32
      %mul3A_716 = arith.constant 32 : i32
      %mul3A_717 = arith.muli %rem3A_710, %mul3A_716 : i32
      %dma_wait3A_718 = arith.constant 0 : i32
      %dma_wait3A_719 = tpu.memref_slice %arg7[%mul3A_717, %dma_wait3A_718] : memref<128x128xf32, #tpu.memory_space<vmem>> -> memref<32x128xf32, #tpu.memory_space<vmem>>
      %dma_wait3A_720 = arith.constant 0 : i32
      %dma_wait3A_721 = tpu.memref_slice %arg2[%dma_wait3A_720, %mul3A_715] : memref<32x1000000xf32, #tpu.memory_space<hbm>> -> memref<32x128xf32, #tpu.memory_space<hbm>>
      %dma_wait3A_722 = tpu.memref_slice %arg10[%rem3A_710] : memref<4x!tpu.dma_semaphore, #tpu.memory_space<semaphore_mem>> -> memref<1x!tpu.dma_semaphore, #tpu.memory_space<semaphore_mem>>
      %dma_wait3A_723 = tpu.memref_squeeze %dma_wait3A_722 : memref<1x!tpu.dma_semaphore, #tpu.memory_space<semaphore_mem>> -> memref<!tpu.dma_semaphore, #tpu.memory_space<semaphore_mem>>
      %dma_wait3A_724 = arith.constant 0 : i32
      %dma_wait3A_725 = tpu.memref_slice %arg7[%mul3A_717, %dma_wait3A_724] : memref<128x128xf32, #tpu.memory_space<vmem>> -> memref<32x128xf32, #tpu.memory_space<vmem>>
      %dma_wait3A_726 = arith.constant 0 : i32
      %dma_wait3A_727 = tpu.memref_slice %arg2[%dma_wait3A_726, %mul3A_715] : memref<32x1000000xf32, #tpu.memory_space<hbm>> -> memref<32x128xf32, #tpu.memory_space<hbm>>
      tpu.wait_dma2 semaphore(%dma_wait3A_723 : memref<!tpu.dma_semaphore, #tpu.memory_space<semaphore_mem>>) src(%dma_wait3A_727 : memref<32x128xf32, #tpu.memory_space<hbm>>) dst(%dma_wait3A_725 : memref<32x128xf32, #tpu.memory_space<vmem>>)
      %add3A_728 = arith.constant 3 : i32
      %add3A_729 = arith.addi %scan3A_709, %add3A_728 : i32
      %lt3A_730 = arith.constant 244 : i32
      %lt3A_731 = arith.cmpi slt, %add3A_729, %lt3A_730 : i32
      %convert_element_type3A_732 = arith.extui %lt3A_731 : i1 to i32
      %cond3A_733 = arith.constant 0 : i32
      %cond3A_734 = arith.cmpi ne, %convert_element_type3A_732, %cond3A_733 : i32
      scf.if %cond3A_734 {
        %add3A_764 = arith.constant 3 : i32
        %add3A_765 = arith.addi %scan3A_709, %add3A_764 : i32
        %add3A_766 = arith.constant 3 : i32
        %add3A_767 = arith.addi %scan3A_709, %add3A_766 : i32
        %rem3A_768 = arith.constant 4 : i32
        %rem3A_769 = arith.remsi %add3A_767, %rem3A_768 : i32
        %mul3A_770 = arith.constant 32 : i32
        %mul3A_771 = arith.muli %mul3A_770, %add3A_765 : i32
        %add3A_772 = arith.addi %add3A, %mul3A_771 : i32
        %mul3A_773 = arith.constant 128 : i32
        %mul3A_774 = arith.muli %add3A_772, %mul3A_773 : i32
        %mul3A_775 = arith.constant 32 : i32
        %mul3A_776 = arith.muli %rem3A_769, %mul3A_775 : i32
        %dma_start3A_777 = arith.constant 0 : i32
        %dma_start3A_778 = tpu.memref_slice %arg7[%mul3A_776, %dma_start3A_777] : memref<128x128xf32, #tpu.memory_space<vmem>> -> memref<32x128xf32, #tpu.memory_space<vmem>>
        %dma_start3A_779 = arith.constant 0 : i32
        %dma_start3A_780 = tpu.memref_slice %arg2[%dma_start3A_779, %mul3A_774] : memref<32x1000000xf32, #tpu.memory_space<hbm>> -> memref<32x128xf32, #tpu.memory_space<hbm>>
        %dma_start3A_781 = tpu.memref_slice %arg10[%rem3A_769] : memref<4x!tpu.dma_semaphore, #tpu.memory_space<semaphore_mem>> -> memref<1x!tpu.dma_semaphore, #tpu.memory_space<semaphore_mem>>
        %dma_start3A_782 = tpu.memref_squeeze %dma_start3A_781 : memref<1x!tpu.dma_semaphore, #tpu.memory_space<semaphore_mem>> -> memref<!tpu.dma_semaphore, #tpu.memory_space<semaphore_mem>>
        %dma_start3A_783 = arith.constant 0 : i32
        %dma_start3A_784 = tpu.memref_slice %arg7[%mul3A_776, %dma_start3A_783] : memref<128x128xf32, #tpu.memory_space<vmem>> -> memref<32x128xf32, #tpu.memory_space<vmem>>
        %dma_start3A_785 = arith.constant 0 : i32
        %dma_start3A_786 = tpu.memref_slice %arg2[%dma_start3A_785, %mul3A_774] : memref<32x1000000xf32, #tpu.memory_space<hbm>> -> memref<32x128xf32, #tpu.memory_space<hbm>>
        tpu.enqueue_dma source(%dma_start3A_786 : memref<32x128xf32, #tpu.memory_space<hbm>>) target(%dma_start3A_784 : memref<32x128xf32, #tpu.memory_space<vmem>>) target_semaphore(%dma_start3A_782 : memref<!tpu.dma_semaphore, #tpu.memory_space<semaphore_mem>>)
      } else {
      }
      %ge3A = arith.constant 4 : i32
      %ge3A_735 = arith.cmpi sge, %scan3A_709, %ge3A : i32
      %convert_element_type3A_736 = arith.extui %ge3A_735 : i1 to i32
      %cond3A_737 = arith.constant 0 : i32
      %cond3A_738 = arith.cmpi ne, %convert_element_type3A_736, %cond3A_737 : i32
      scf.if %cond3A_738 {
        %sub3A = arith.constant 4 : i32
        %sub3A_764 = arith.subi %scan3A_709, %sub3A : i32
        %mul3A_765 = arith.constant 32 : i32
        %mul3A_766 = arith.muli %rem3A_710, %mul3A_765 : i32
        %mul3A_767 = arith.constant 32 : i32
        %mul3A_768 = arith.muli %mul3A_767, %sub3A_764 : i32
        %add3A_769 = arith.addi %add3A, %mul3A_768 : i32
        %mul3A_770 = arith.constant 32 : i32
        %mul3A_771 = arith.muli %add3A_769, %mul3A_770 : i32
        %dma_wait3A_772 = arith.constant 0 : i32
        %dma_wait3A_773 = tpu.memref_slice %arg8[%mul3A_766, %dma_wait3A_772] : memref<128x132xf32, #tpu.memory_space<vmem>> -> memref<32x128xf32, #tpu.memory_space<vmem>>
        %dma_wait3A_774 = arith.constant 0 : i32
        %dma_wait3A_775 = tpu.memref_slice %arg5[%mul3A_771, %dma_wait3A_774] : memref<250000x128xf32, #tpu.memory_space<hbm>> -> memref<32x128xf32, #tpu.memory_space<hbm>>
        %dma_wait3A_776 = tpu.memref_slice %arg11[%rem3A_710] : memref<4x!tpu.dma_semaphore, #tpu.memory_space<semaphore_mem>> -> memref<1x!tpu.dma_semaphore, #tpu.memory_space<semaphore_mem>>
        %dma_wait3A_777 = tpu.memref_squeeze %dma_wait3A_776 : memref<1x!tpu.dma_semaphore, #tpu.memory_space<semaphore_mem>> -> memref<!tpu.dma_semaphore, #tpu.memory_space<semaphore_mem>>
        %dma_wait3A_778 = arith.constant 0 : i32
        %dma_wait3A_779 = tpu.memref_slice %arg5[%mul3A_771, %dma_wait3A_778] : memref<250000x128xf32, #tpu.memory_space<hbm>> -> memref<32x128xf32, #tpu.memory_space<hbm>>
        %dma_wait3A_780 = arith.constant 0 : i32
        %dma_wait3A_781 = tpu.memref_slice %arg8[%mul3A_766, %dma_wait3A_780] : memref<128x132xf32, #tpu.memory_space<vmem>> -> memref<32x128xf32, #tpu.memory_space<vmem>>
        tpu.wait_dma2 semaphore(%dma_wait3A_777 : memref<!tpu.dma_semaphore, #tpu.memory_space<semaphore_mem>>) src(%dma_wait3A_781 : memref<32x128xf32, #tpu.memory_space<vmem>>) dst(%dma_wait3A_779 : memref<32x128xf32, #tpu.memory_space<hbm>>)
      } else {
      }
      %mul3A_739 = arith.constant 32 : i32
      %mul3A_740 = arith.muli %rem3A_710, %mul3A_739 : i32
      %mul3A_741 = arith.constant 32 : i32
      %mul3A_742 = arith.muli %rem3A_710, %mul3A_741 : i32
      %add3A_743 = vector.broadcast %mul3A_742 : i32 to vector<16xi32>
      %add3A_744 = arith.addi %shift_right_logical3A_2, %add3A_743 : vector<16xi32>
      %parallel_loop3A = arith.constant 0 : i32
      %parallel_loop3A_745 = arith.constant 32 : i32
      %parallel_loop3A_746 = arith.constant 1 : i32
      scf.for %parallel_loop3A_764 = %parallel_loop3A to %parallel_loop3A_745 step %parallel_loop3A_746  : i32 {
        %parallel_loop3A_765 = vector.broadcast %parallel_loop3A_764 : i32 to vector<16xi32>
        %parallel_loop3A_766 = arith.addi %mul3A_7, %parallel_loop3A_765 : vector<16xi32>
        %parallel_loop3A_767 = arith.addi %mul3A_740, %parallel_loop3A_764 : i32
        %parallel_loop3A_768 = arith.index_cast %parallel_loop3A_767 : i32 to index
        %parallel_loop3A_769 = arith.constant 0 : index
        %parallel_loop3A_770 = tpu.vector_load %arg7[%parallel_loop3A_768, %parallel_loop3A_769] {strides = array<i32>} : memref<128x128xf32, #tpu.memory_space<vmem>>, vector<16xf32>,
        %parallel_loop3A_771 = arith.constant 0 : i32
        %parallel_loop3A_772 = vector.broadcast %parallel_loop3A_771 : i32 to vector<16xi32>
        %parallel_loop3A_773 = arith.addi %add3A_744, %parallel_loop3A_772 : vector<16xi32>
        tpu.vector_store_idx %arg8[%parallel_loop3A_773, %parallel_loop3A_766], %parallel_loop3A_770 : memref<128x132xf32, #tpu.memory_space<vmem>>[vector<16xi32>, vector<16xi32>], vector<16xf32>,
        %parallel_loop3A_774 = arith.addi %mul3A_740, %parallel_loop3A_764 : i32
        %parallel_loop3A_775 = arith.index_cast %parallel_loop3A_774 : i32 to index
        %parallel_loop3A_776 = arith.constant 16 : index
        %parallel_loop3A_777 = tpu.vector_load %arg7[%parallel_loop3A_775, %parallel_loop3A_776] {strides = array<i32>} : memref<128x128xf32, #tpu.memory_space<vmem>>, vector<16xf32>,
        %parallel_loop3A_778 = arith.constant 4 : i32
        %parallel_loop3A_779 = vector.broadcast %parallel_loop3A_778 : i32 to vector<16xi32>
        %parallel_loop3A_780 = arith.addi %add3A_744, %parallel_loop3A_779 : vector<16xi32>
        tpu.vector_store_idx %arg8[%parallel_loop3A_780, %parallel_loop3A_766], %parallel_loop3A_777 : memref<128x132xf32, #tpu.memory_space<vmem>>[vector<16xi32>, vector<16xi32>], vector<16xf32>,
        %parallel_loop3A_781 = arith.addi %mul3A_740, %parallel_loop3A_764 : i32
        %parallel_loop3A_782 = arith.index_cast %parallel_loop3A_781 : i32 to index
        %parallel_loop3A_783 = arith.constant 32 : index
        %parallel_loop3A_784 = tpu.vector_load %arg7[%parallel_loop3A_782, %parallel_loop3A_783] {strides = array<i32>} : memref<128x128xf32, #tpu.memory_space<vmem>>, vector<16xf32>,
        %parallel_loop3A_785 = arith.constant 8 : i32
        %parallel_loop3A_786 = vector.broadcast %parallel_loop3A_785 : i32 to vector<16xi32>
        %parallel_loop3A_787 = arith.addi %add3A_744, %parallel_loop3A_786 : vector<16xi32>
        tpu.vector_store_idx %arg8[%parallel_loop3A_787, %parallel_loop3A_766], %parallel_loop3A_784 : memref<128x132xf32, #tpu.memory_space<vmem>>[vector<16xi32>, vector<16xi32>], vector<16xf32>,
        %parallel_loop3A_788 = arith.addi %mul3A_740, %parallel_loop3A_764 : i32
        %parallel_loop3A_789 = arith.index_cast %parallel_loop3A_788 : i32 to index
        %parallel_loop3A_790 = arith.constant 48 : index
        %parallel_loop3A_791 = tpu.vector_load %arg7[%parallel_loop3A_789, %parallel_loop3A_790] {strides = array<i32>} : memref<128x128xf32, #tpu.memory_space<vmem>>, vector<16xf32>,
        %parallel_loop3A_792 = arith.constant 12 : i32
        %parallel_loop3A_793 = vector.broadcast %parallel_loop3A_792 : i32 to vector<16xi32>
        %parallel_loop3A_794 = arith.addi %add3A_744, %parallel_loop3A_793 : vector<16xi32>
        tpu.vector_store_idx %arg8[%parallel_loop3A_794, %parallel_loop3A_766], %parallel_loop3A_791 : memref<128x132xf32, #tpu.memory_space<vmem>>[vector<16xi32>, vector<16xi32>], vector<16xf32>,
        %parallel_loop3A_795 = arith.addi %mul3A_740, %parallel_loop3A_764 : i32
        %parallel_loop3A_796 = arith.index_cast %parallel_loop3A_795 : i32 to index
        %parallel_loop3A_797 = arith.constant 64 : index
        %parallel_loop3A_798 = tpu.vector_load %arg7[%parallel_loop3A_796, %parallel_loop3A_797] {strides = array<i32>} : memref<128x128xf32, #tpu.memory_space<vmem>>, vector<16xf32>,
        %parallel_loop3A_799 = arith.constant 16 : i32
        %parallel_loop3A_800 = vector.broadcast %parallel_loop3A_799 : i32 to vector<16xi32>
        %parallel_loop3A_801 = arith.addi %add3A_744, %parallel_loop3A_800 : vector<16xi32>
        tpu.vector_store_idx %arg8[%parallel_loop3A_801, %parallel_loop3A_766], %parallel_loop3A_798 : memref<128x132xf32, #tpu.memory_space<vmem>>[vector<16xi32>, vector<16xi32>], vector<16xf32>,
        %parallel_loop3A_802 = arith.addi %mul3A_740, %parallel_loop3A_764 : i32
        %parallel_loop3A_803 = arith.index_cast %parallel_loop3A_802 : i32 to index
        %parallel_loop3A_804 = arith.constant 80 : index
        %parallel_loop3A_805 = tpu.vector_load %arg7[%parallel_loop3A_803, %parallel_loop3A_804] {strides = array<i32>} : memref<128x128xf32, #tpu.memory_space<vmem>>, vector<16xf32>,
        %parallel_loop3A_806 = arith.constant 20 : i32
        %parallel_loop3A_807 = vector.broadcast %parallel_loop3A_806 : i32 to vector<16xi32>
        %parallel_loop3A_808 = arith.addi %add3A_744, %parallel_loop3A_807 : vector<16xi32>
        tpu.vector_store_idx %arg8[%parallel_loop3A_808, %parallel_loop3A_766], %parallel_loop3A_805 : memref<128x132xf32, #tpu.memory_space<vmem>>[vector<16xi32>, vector<16xi32>], vector<16xf32>,
        %parallel_loop3A_809 = arith.addi %mul3A_740, %parallel_loop3A_764 : i32
        %parallel_loop3A_810 = arith.index_cast %parallel_loop3A_809 : i32 to index
        %parallel_loop3A_811 = arith.constant 96 : index
        %parallel_loop3A_812 = tpu.vector_load %arg7[%parallel_loop3A_810, %parallel_loop3A_811] {strides = array<i32>} : memref<128x128xf32, #tpu.memory_space<vmem>>, vector<16xf32>,
        %parallel_loop3A_813 = arith.constant 24 : i32
        %parallel_loop3A_814 = vector.broadcast %parallel_loop3A_813 : i32 to vector<16xi32>
        %parallel_loop3A_815 = arith.addi %add3A_744, %parallel_loop3A_814 : vector<16xi32>
        tpu.vector_store_idx %arg8[%parallel_loop3A_815, %parallel_loop3A_766], %parallel_loop3A_812 : memref<128x132xf32, #tpu.memory_space<vmem>>[vector<16xi32>, vector<16xi32>], vector<16xf32>,
        %parallel_loop3A_816 = arith.addi %mul3A_740, %parallel_loop3A_764 : i32
        %parallel_loop3A_817 = arith.index_cast %parallel_loop3A_816 : i32 to index
        %parallel_loop3A_818 = arith.constant 112 : index
        %parallel_loop3A_819 = tpu.vector_load %arg7[%parallel_loop3A_817, %parallel_loop3A_818] {strides = array<i32>} : memref<128x128xf32, #tpu.memory_space<vmem>>, vector<16xf32>,
        %parallel_loop3A_820 = arith.constant 28 : i32
        %parallel_loop3A_821 = vector.broadcast %parallel_loop3A_820 : i32 to vector<16xi32>
        %parallel_loop3A_822 = arith.addi %add3A_744, %parallel_loop3A_821 : vector<16xi32>
        tpu.vector_store_idx %arg8[%parallel_loop3A_822, %parallel_loop3A_766], %parallel_loop3A_819 : memref<128x132xf32, #tpu.memory_space<vmem>>[vector<16xi32>, vector<16xi32>], vector<16xf32>,
      } {sc.loop_unroll_factor = 8 : i64, sc.parallel_access}
      %mul3A_747 = arith.constant 32 : i32
      %mul3A_748 = arith.muli %rem3A_710, %mul3A_747 : i32
      %mul3A_749 = arith.constant 32 : i32
      %mul3A_750 = arith.muli %mul3A_749, %scan3A_709 : i32
      %add3A_751 = arith.addi %add3A, %mul3A_750 : i32
      %mul3A_752 = arith.constant 32 : i32
      %mul3A_753 = arith.muli %add3A_751, %mul3A_752 : i32
      %dma_start3A_754 = arith.constant 0 : i32
      %dma_start3A_755 = tpu.memref_slice %arg8[%mul3A_748, %dma_start3A_754] : memref<128x132xf32, #tpu.memory_space<vmem>> -> memref<32x128xf32, #tpu.memory_space<vmem>>
      %dma_start3A_756 = arith.constant 0 : i32
      %dma_start3A_757 = tpu.memref_slice %arg5[%mul3A_753, %dma_start3A_756] : memref<250000x128xf32, #tpu.memory_space<hbm>> -> memref<32x128xf32, #tpu.memory_space<hbm>>
      %dma_start3A_758 = tpu.memref_slice %arg11[%rem3A_710] : memref<4x!tpu.dma_semaphore, #tpu.memory_space<semaphore_mem>> -> memref<1x!tpu.dma_semaphore, #tpu.memory_space<semaphore_mem>>
      %dma_start3A_759 = tpu.memref_squeeze %dma_start3A_758 : memref<1x!tpu.dma_semaphore, #tpu.memory_space<semaphore_mem>> -> memref<!tpu.dma_semaphore, #tpu.memory_space<semaphore_mem>>
      %dma_start3A_760 = arith.constant 0 : i32
      %dma_start3A_761 = tpu.memref_slice %arg5[%mul3A_753, %dma_start3A_760] : memref<250000x128xf32, #tpu.memory_space<hbm>> -> memref<32x128xf32, #tpu.memory_space<hbm>>
      %dma_start3A_762 = arith.constant 0 : i32
      %dma_start3A_763 = tpu.memref_slice %arg8[%mul3A_748, %dma_start3A_762] : memref<128x132xf32, #tpu.memory_space<vmem>> -> memref<32x128xf32, #tpu.memory_space<vmem>>
      tpu.enqueue_dma source(%dma_start3A_763 : memref<32x128xf32, #tpu.memory_space<vmem>>) target(%dma_start3A_761 : memref<32x128xf32, #tpu.memory_space<hbm>>) target_semaphore(%dma_start3A_759 : memref<!tpu.dma_semaphore, #tpu.memory_space<semaphore_mem>>)
    }
    %scan3A_634 = arith.constant 244 : i32
    %add3A_635 = arith.constant 7680 : i32
    %add3A_636 = arith.addi %add3A, %add3A_635 : i32
    %mul3A_637 = arith.constant 32 : i32
    %mul3A_638 = arith.muli %add3A_636, %mul3A_637 : i32
    %dma_wait3A_639 = arith.constant 0 : i32
    %dma_wait3A_640 = arith.constant 0 : i32
    %dma_wait3A_641 = arith.constant 0 : i32
    %dma_wait3A_642 = tpu.memref_slice %arg8[%dma_wait3A_640, %dma_wait3A_641] : memref<128x132xf32, #tpu.memory_space<vmem>> -> memref<32x128xf32, #tpu.memory_space<vmem>>
    %dma_wait3A_643 = arith.constant 0 : i32
    %dma_wait3A_644 = tpu.memref_slice %arg5[%mul3A_638, %dma_wait3A_643] : memref<250000x128xf32, #tpu.memory_space<hbm>> -> memref<32x128xf32, #tpu.memory_space<hbm>>
    %dma_wait3A_645 = tpu.memref_slice %arg11[%dma_wait3A_639] : memref<4x!tpu.dma_semaphore, #tpu.memory_space<semaphore_mem>> -> memref<1x!tpu.dma_semaphore, #tpu.memory_space<semaphore_mem>>
    %dma_wait3A_646 = tpu.memref_squeeze %dma_wait3A_645 : memref<1x!tpu.dma_semaphore, #tpu.memory_space<semaphore_mem>> -> memref<!tpu.dma_semaphore, #tpu.memory_space<semaphore_mem>>
    %dma_wait3A_647 = arith.constant 0 : i32
    %dma_wait3A_648 = tpu.memref_slice %arg5[%mul3A_638, %dma_wait3A_647] : memref<250000x128xf32, #tpu.memory_space<hbm>> -> memref<32x128xf32, #tpu.memory_space<hbm>>
    %dma_wait3A_649 = arith.constant 0 : i32
    %dma_wait3A_650 = arith.constant 0 : i32
    %dma_wait3A_651 = tpu.memref_slice %arg8[%dma_wait3A_649, %dma_wait3A_650] : memref<128x132xf32, #tpu.memory_space<vmem>> -> memref<32x128xf32, #tpu.memory_space<vmem>>
    tpu.wait_dma2 semaphore(%dma_wait3A_646 : memref<!tpu.dma_semaphore, #tpu.memory_space<semaphore_mem>>) src(%dma_wait3A_651 : memref<32x128xf32, #tpu.memory_space<vmem>>) dst(%dma_wait3A_648 : memref<32x128xf32, #tpu.memory_space<hbm>>)
    %add3A_652 = arith.constant 7712 : i32
    %add3A_653 = arith.addi %add3A, %add3A_652 : i32
    %mul3A_654 = arith.constant 32 : i32
    %mul3A_655 = arith.muli %add3A_653, %mul3A_654 : i32
    %dma_wait3A_656 = arith.constant 1 : i32
    %dma_wait3A_657 = arith.constant 32 : i32
    %dma_wait3A_658 = arith.constant 0 : i32
    %dma_wait3A_659 = tpu.memref_slice %arg8[%dma_wait3A_657, %dma_wait3A_658] : memref<128x132xf32, #tpu.memory_space<vmem>> -> memref<32x128xf32, #tpu.memory_space<vmem>>
    %dma_wait3A_660 = arith.constant 0 : i32
    %dma_wait3A_661 = tpu.memref_slice %arg5[%mul3A_655, %dma_wait3A_660] : memref<250000x128xf32, #tpu.memory_space<hbm>> -> memref<32x128xf32, #tpu.memory_space<hbm>>
    %dma_wait3A_662 = tpu.memref_slice %arg11[%dma_wait3A_656] : memref<4x!tpu.dma_semaphore, #tpu.memory_space<semaphore_mem>> -> memref<1x!tpu.dma_semaphore, #tpu.memory_space<semaphore_mem>>
    %dma_wait3A_663 = tpu.memref_squeeze %dma_wait3A_662 : memref<1x!tpu.dma_semaphore, #tpu.memory_space<semaphore_mem>> -> memref<!tpu.dma_semaphore, #tpu.memory_space<semaphore_mem>>
    %dma_wait3A_664 = arith.constant 0 : i32
    %dma_wait3A_665 = tpu.memref_slice %arg5[%mul3A_655, %dma_wait3A_664] : memref<250000x128xf32, #tpu.memory_space<hbm>> -> memref<32x128xf32, #tpu.memory_space<hbm>>
    %dma_wait3A_666 = arith.constant 32 : i32
    %dma_wait3A_667 = arith.constant 0 : i32
    %dma_wait3A_668 = tpu.memref_slice %arg8[%dma_wait3A_666, %dma_wait3A_667] : memref<128x132xf32, #tpu.memory_space<vmem>> -> memref<32x128xf32, #tpu.memory_space<vmem>>
    tpu.wait_dma2 semaphore(%dma_wait3A_663 : memref<!tpu.dma_semaphore, #tpu.memory_space<semaphore_mem>>) src(%dma_wait3A_668 : memref<32x128xf32, #tpu.memory_space<vmem>>) dst(%dma_wait3A_665 : memref<32x128xf32, #tpu.memory_space<hbm>>)
    %add3A_669 = arith.constant 7744 : i32
    %add3A_670 = arith.addi %add3A, %add3A_669 : i32
    %mul3A_671 = arith.constant 32 : i32
    %mul3A_672 = arith.muli %add3A_670, %mul3A_671 : i32
    %dma_wait3A_673 = arith.constant 2 : i32
    %dma_wait3A_674 = arith.constant 64 : i32
    %dma_wait3A_675 = arith.constant 0 : i32
    %dma_wait3A_676 = tpu.memref_slice %arg8[%dma_wait3A_674, %dma_wait3A_675] : memref<128x132xf32, #tpu.memory_space<vmem>> -> memref<32x128xf32, #tpu.memory_space<vmem>>
    %dma_wait3A_677 = arith.constant 0 : i32
    %dma_wait3A_678 = tpu.memref_slice %arg5[%mul3A_672, %dma_wait3A_677] : memref<250000x128xf32, #tpu.memory_space<hbm>> -> memref<32x128xf32, #tpu.memory_space<hbm>>
    %dma_wait3A_679 = tpu.memref_slice %arg11[%dma_wait3A_673] : memref<4x!tpu.dma_semaphore, #tpu.memory_space<semaphore_mem>> -> memref<1x!tpu.dma_semaphore, #tpu.memory_space<semaphore_mem>>
    %dma_wait3A_680 = tpu.memref_squeeze %dma_wait3A_679 : memref<1x!tpu.dma_semaphore, #tpu.memory_space<semaphore_mem>> -> memref<!tpu.dma_semaphore, #tpu.memory_space<semaphore_mem>>
    %dma_wait3A_681 = arith.constant 0 : i32
    %dma_wait3A_682 = tpu.memref_slice %arg5[%mul3A_672, %dma_wait3A_681] : memref<250000x128xf32, #tpu.memory_space<hbm>> -> memref<32x128xf32, #tpu.memory_space<hbm>>
    %dma_wait3A_683 = arith.constant 64 : i32
    %dma_wait3A_684 = arith.constant 0 : i32
    %dma_wait3A_685 = tpu.memref_slice %arg8[%dma_wait3A_683, %dma_wait3A_684] : memref<128x132xf32, #tpu.memory_space<vmem>> -> memref<32x128xf32, #tpu.memory_space<vmem>>
    tpu.wait_dma2 semaphore(%dma_wait3A_680 : memref<!tpu.dma_semaphore, #tpu.memory_space<semaphore_mem>>) src(%dma_wait3A_685 : memref<32x128xf32, #tpu.memory_space<vmem>>) dst(%dma_wait3A_682 : memref<32x128xf32, #tpu.memory_space<hbm>>)
    %add3A_686 = arith.constant 7776 : i32
    %add3A_687 = arith.addi %add3A, %add3A_686 : i32
    %mul3A_688 = arith.constant 32 : i32
    %mul3A_689 = arith.muli %add3A_687, %mul3A_688 : i32
    %dma_wait3A_690 = arith.constant 3 : i32
    %dma_wait3A_691 = arith.constant 96 : i32
    %dma_wait3A_692 = arith.constant 0 : i32
    %dma_wait3A_693 = tpu.memref_slice %arg8[%dma_wait3A_691, %dma_wait3A_692] : memref<128x132xf32, #tpu.memory_space<vmem>> -> memref<32x128xf32, #tpu.memory_space<vmem>>
    %dma_wait3A_694 = arith.constant 0 : i32
    %dma_wait3A_695 = tpu.memref_slice %arg5[%mul3A_689, %dma_wait3A_694] : memref<250000x128xf32, #tpu.memory_space<hbm>> -> memref<32x128xf32, #tpu.memory_space<hbm>>
    %dma_wait3A_696 = tpu.memref_slice %arg11[%dma_wait3A_690] : memref<4x!tpu.dma_semaphore, #tpu.memory_space<semaphore_mem>> -> memref<1x!tpu.dma_semaphore, #tpu.memory_space<semaphore_mem>>
    %dma_wait3A_697 = tpu.memref_squeeze %dma_wait3A_696 : memref<1x!tpu.dma_semaphore, #tpu.memory_space<semaphore_mem>> -> memref<!tpu.dma_semaphore, #tpu.memory_space<semaphore_mem>>
    %dma_wait3A_698 = arith.constant 0 : i32
    %dma_wait3A_699 = tpu.memref_slice %arg5[%mul3A_689, %dma_wait3A_698] : memref<250000x128xf32, #tpu.memory_space<hbm>> -> memref<32x128xf32, #tpu.memory_space<hbm>>
    %dma_wait3A_700 = arith.constant 96 : i32
    %dma_wait3A_701 = arith.constant 0 : i32
    %dma_wait3A_702 = tpu.memref_slice %arg8[%dma_wait3A_700, %dma_wait3A_701] : memref<128x132xf32, #tpu.memory_space<vmem>> -> memref<32x128xf32, #tpu.memory_space<vmem>>
    tpu.wait_dma2 semaphore(%dma_wait3A_697 : memref<!tpu.dma_semaphore, #tpu.memory_space<semaphore_mem>>) src(%dma_wait3A_702 : memref<32x128xf32, #tpu.memory_space<vmem>>) dst(%dma_wait3A_699 : memref<32x128xf32, #tpu.memory_space<hbm>>)
    %lt3A = arith.constant 4 : i32
    %lt3A_703 = arith.cmpi slt, %add3A, %lt3A : i32
    %convert_element_type3A = arith.extui %lt3A_703 : i1 to i32
    %cond3A = arith.constant 0 : i32
    %cond3A_704 = arith.cmpi ne, %convert_element_type3A, %cond3A : i32
    scf.if %cond3A_704 {
      %add3A_709 = arith.constant 7808 : i32
      %add3A_710 = arith.addi %add3A_709, %add3A : i32
      %mul3A_711 = arith.constant 128 : i32
      %mul3A_712 = arith.muli %add3A_710, %mul3A_711 : i32
      "tpu.region"() ({
        %run_scoped3A = tpu.sem_alloc : memref<!tpu.dma_semaphore, #tpu.memory_space<semaphore_mem>>
        %dma_start3A_720 = arith.constant 0 : i32
        %dma_start3A_721 = arith.constant 0 : i32
        %dma_start3A_722 = tpu.memref_slice %arg7[%dma_start3A_720, %dma_start3A_721] : memref<128x128xf32, #tpu.memory_space<vmem>> -> memref<32x128xf32, #tpu.memory_space<vmem>>
        %dma_start3A_723 = arith.constant 0 : i32
        %dma_start3A_724 = tpu.memref_slice %arg2[%dma_start3A_723, %mul3A_712] : memref<32x1000000xf32, #tpu.memory_space<hbm>> -> memref<32x128xf32, #tpu.memory_space<hbm>>
        %dma_start3A_725 = arith.constant 0 : i32
        %dma_start3A_726 = arith.constant 0 : i32
        %dma_start3A_727 = tpu.memref_slice %arg7[%dma_start3A_725, %dma_start3A_726] : memref<128x128xf32, #tpu.memory_space<vmem>> -> memref<32x128xf32, #tpu.memory_space<vmem>>
        %dma_start3A_728 = arith.constant 0 : i32
        %dma_start3A_729 = tpu.memref_slice %arg2[%dma_start3A_728, %mul3A_712] : memref<32x1000000xf32, #tpu.memory_space<hbm>> -> memref<32x128xf32, #tpu.memory_space<hbm>>
        tpu.enqueue_dma source(%dma_start3A_729 : memref<32x128xf32, #tpu.memory_space<hbm>>) target(%dma_start3A_727 : memref<32x128xf32, #tpu.memory_space<vmem>>) target_semaphore(%run_scoped3A : memref<!tpu.dma_semaphore, #tpu.memory_space<semaphore_mem>>)
        %dma_wait3A_730 = arith.constant 0 : i32
        %dma_wait3A_731 = arith.constant 0 : i32
        %dma_wait3A_732 = tpu.memref_slice %arg7[%dma_wait3A_730, %dma_wait3A_731] : memref<128x128xf32, #tpu.memory_space<vmem>> -> memref<32x128xf32, #tpu.memory_space<vmem>>
        %dma_wait3A_733 = arith.constant 0 : i32
        %dma_wait3A_734 = tpu.memref_slice %arg2[%dma_wait3A_733, %mul3A_712] : memref<32x1000000xf32, #tpu.memory_space<hbm>> -> memref<32x128xf32, #tpu.memory_space<hbm>>
        %dma_wait3A_735 = arith.constant 0 : i32
        %dma_wait3A_736 = arith.constant 0 : i32
        %dma_wait3A_737 = tpu.memref_slice %arg7[%dma_wait3A_735, %dma_wait3A_736] : memref<128x128xf32, #tpu.memory_space<vmem>> -> memref<32x128xf32, #tpu.memory_space<vmem>>
        %dma_wait3A_738 = arith.constant 0 : i32
        %dma_wait3A_739 = tpu.memref_slice %arg2[%dma_wait3A_738, %mul3A_712] : memref<32x1000000xf32, #tpu.memory_space<hbm>> -> memref<32x128xf32, #tpu.memory_space<hbm>>
        tpu.wait_dma2 semaphore(%run_scoped3A : memref<!tpu.dma_semaphore, #tpu.memory_space<semaphore_mem>>) src(%dma_wait3A_739 : memref<32x128xf32, #tpu.memory_space<hbm>>) dst(%dma_wait3A_737 : memref<32x128xf32, #tpu.memory_space<vmem>>)
        tpu.yield
      }) : () -> ()
      %add3A_713 = arith.constant 0 : i32
      %add3A_714 = vector.broadcast %add3A_713 : i32 to vector<16xi32>
      %add3A_715 = arith.addi %shift_right_logical3A_2, %add3A_714 : vector<16xi32>
      %parallel_loop3A = arith.constant 0 : i32
      %parallel_loop3A_716 = arith.constant 32 : i32
      %parallel_loop3A_717 = arith.constant 1 : i32
      scf.for %parallel_loop3A_720 = %parallel_loop3A to %parallel_loop3A_716 step %parallel_loop3A_717  : i32 {
        %parallel_loop3A_721 = vector.broadcast %parallel_loop3A_720 : i32 to vector<16xi32>
        %parallel_loop3A_722 = arith.addi %mul3A_7, %parallel_loop3A_721 : vector<16xi32>
        %parallel_loop3A_723 = arith.constant 0 : i32
        %parallel_loop3A_724 = arith.addi %parallel_loop3A_723, %parallel_loop3A_720 : i32
        %parallel_loop3A_725 = arith.index_cast %parallel_loop3A_724 : i32 to index
        %parallel_loop3A_726 = arith.constant 0 : index
        %parallel_loop3A_727 = tpu.vector_load %arg7[%parallel_loop3A_725, %parallel_loop3A_726] {strides = array<i32>} : memref<128x128xf32, #tpu.memory_space<vmem>>, vector<16xf32>,
        %parallel_loop3A_728 = arith.constant 0 : i32
        %parallel_loop3A_729 = vector.broadcast %parallel_loop3A_728 : i32 to vector<16xi32>
        %parallel_loop3A_730 = arith.addi %add3A_715, %parallel_loop3A_729 : vector<16xi32>
        tpu.vector_store_idx %arg8[%parallel_loop3A_730, %parallel_loop3A_722], %parallel_loop3A_727 : memref<128x132xf32, #tpu.memory_space<vmem>>[vector<16xi32>, vector<16xi32>], vector<16xf32>,
        %parallel_loop3A_731 = arith.constant 0 : i32
        %parallel_loop3A_732 = arith.addi %parallel_loop3A_731, %parallel_loop3A_720 : i32
        %parallel_loop3A_733 = arith.index_cast %parallel_loop3A_732 : i32 to index
        %parallel_loop3A_734 = arith.constant 16 : index
        %parallel_loop3A_735 = tpu.vector_load %arg7[%parallel_loop3A_733, %parallel_loop3A_734] {strides = array<i32>} : memref<128x128xf32, #tpu.memory_space<vmem>>, vector<16xf32>,
        %parallel_loop3A_736 = arith.constant 4 : i32
        %parallel_loop3A_737 = vector.broadcast %parallel_loop3A_736 : i32 to vector<16xi32>
        %parallel_loop3A_738 = arith.addi %add3A_715, %parallel_loop3A_737 : vector<16xi32>
        tpu.vector_store_idx %arg8[%parallel_loop3A_738, %parallel_loop3A_722], %parallel_loop3A_735 : memref<128x132xf32, #tpu.memory_space<vmem>>[vector<16xi32>, vector<16xi32>], vector<16xf32>,
        %parallel_loop3A_739 = arith.constant 0 : i32
        %parallel_loop3A_740 = arith.addi %parallel_loop3A_739, %parallel_loop3A_720 : i32
        %parallel_loop3A_741 = arith.index_cast %parallel_loop3A_740 : i32 to index
        %parallel_loop3A_742 = arith.constant 32 : index
        %parallel_loop3A_743 = tpu.vector_load %arg7[%parallel_loop3A_741, %parallel_loop3A_742] {strides = array<i32>} : memref<128x128xf32, #tpu.memory_space<vmem>>, vector<16xf32>,
        %parallel_loop3A_744 = arith.constant 8 : i32
        %parallel_loop3A_745 = vector.broadcast %parallel_loop3A_744 : i32 to vector<16xi32>
        %parallel_loop3A_746 = arith.addi %add3A_715, %parallel_loop3A_745 : vector<16xi32>
        tpu.vector_store_idx %arg8[%parallel_loop3A_746, %parallel_loop3A_722], %parallel_loop3A_743 : memref<128x132xf32, #tpu.memory_space<vmem>>[vector<16xi32>, vector<16xi32>], vector<16xf32>,
        %parallel_loop3A_747 = arith.constant 0 : i32
        %parallel_loop3A_748 = arith.addi %parallel_loop3A_747, %parallel_loop3A_720 : i32
        %parallel_loop3A_749 = arith.index_cast %parallel_loop3A_748 : i32 to index
        %parallel_loop3A_750 = arith.constant 48 : index
        %parallel_loop3A_751 = tpu.vector_load %arg7[%parallel_loop3A_749, %parallel_loop3A_750] {strides = array<i32>} : memref<128x128xf32, #tpu.memory_space<vmem>>, vector<16xf32>,
        %parallel_loop3A_752 = arith.constant 12 : i32
        %parallel_loop3A_753 = vector.broadcast %parallel_loop3A_752 : i32 to vector<16xi32>
        %parallel_loop3A_754 = arith.addi %add3A_715, %parallel_loop3A_753 : vector<16xi32>
        tpu.vector_store_idx %arg8[%parallel_loop3A_754, %parallel_loop3A_722], %parallel_loop3A_751 : memref<128x132xf32, #tpu.memory_space<vmem>>[vector<16xi32>, vector<16xi32>], vector<16xf32>,
        %parallel_loop3A_755 = arith.constant 0 : i32
        %parallel_loop3A_756 = arith.addi %parallel_loop3A_755, %parallel_loop3A_720 : i32
        %parallel_loop3A_757 = arith.index_cast %parallel_loop3A_756 : i32 to index
        %parallel_loop3A_758 = arith.constant 64 : index
        %parallel_loop3A_759 = tpu.vector_load %arg7[%parallel_loop3A_757, %parallel_loop3A_758] {strides = array<i32>} : memref<128x128xf32, #tpu.memory_space<vmem>>, vector<16xf32>,
        %parallel_loop3A_760 = arith.constant 16 : i32
        %parallel_loop3A_761 = vector.broadcast %parallel_loop3A_760 : i32 to vector<16xi32>
        %parallel_loop3A_762 = arith.addi %add3A_715, %parallel_loop3A_761 : vector<16xi32>
        tpu.vector_store_idx %arg8[%parallel_loop3A_762, %parallel_loop3A_722], %parallel_loop3A_759 : memref<128x132xf32, #tpu.memory_space<vmem>>[vector<16xi32>, vector<16xi32>], vector<16xf32>,
        %parallel_loop3A_763 = arith.constant 0 : i32
        %parallel_loop3A_764 = arith.addi %parallel_loop3A_763, %parallel_loop3A_720 : i32
        %parallel_loop3A_765 = arith.index_cast %parallel_loop3A_764 : i32 to index
        %parallel_loop3A_766 = arith.constant 80 : index
        %parallel_loop3A_767 = tpu.vector_load %arg7[%parallel_loop3A_765, %parallel_loop3A_766] {strides = array<i32>} : memref<128x128xf32, #tpu.memory_space<vmem>>, vector<16xf32>,
        %parallel_loop3A_768 = arith.constant 20 : i32
        %parallel_loop3A_769 = vector.broadcast %parallel_loop3A_768 : i32 to vector<16xi32>
        %parallel_loop3A_770 = arith.addi %add3A_715, %parallel_loop3A_769 : vector<16xi32>
        tpu.vector_store_idx %arg8[%parallel_loop3A_770, %parallel_loop3A_722], %parallel_loop3A_767 : memref<128x132xf32, #tpu.memory_space<vmem>>[vector<16xi32>, vector<16xi32>], vector<16xf32>,
        %parallel_loop3A_771 = arith.constant 0 : i32
        %parallel_loop3A_772 = arith.addi %parallel_loop3A_771, %parallel_loop3A_720 : i32
        %parallel_loop3A_773 = arith.index_cast %parallel_loop3A_772 : i32 to index
        %parallel_loop3A_774 = arith.constant 96 : index
        %parallel_loop3A_775 = tpu.vector_load %arg7[%parallel_loop3A_773, %parallel_loop3A_774] {strides = array<i32>} : memref<128x128xf32, #tpu.memory_space<vmem>>, vector<16xf32>,
        %parallel_loop3A_776 = arith.constant 24 : i32
        %parallel_loop3A_777 = vector.broadcast %parallel_loop3A_776 : i32 to vector<16xi32>
        %parallel_loop3A_778 = arith.addi %add3A_715, %parallel_loop3A_777 : vector<16xi32>
        tpu.vector_store_idx %arg8[%parallel_loop3A_778, %parallel_loop3A_722], %parallel_loop3A_775 : memref<128x132xf32, #tpu.memory_space<vmem>>[vector<16xi32>, vector<16xi32>], vector<16xf32>,
        %parallel_loop3A_779 = arith.constant 0 : i32
        %parallel_loop3A_780 = arith.addi %parallel_loop3A_779, %parallel_loop3A_720 : i32
        %parallel_loop3A_781 = arith.index_cast %parallel_loop3A_780 : i32 to index
        %parallel_loop3A_782 = arith.constant 112 : index
        %parallel_loop3A_783 = tpu.vector_load %arg7[%parallel_loop3A_781, %parallel_loop3A_782] {strides = array<i32>} : memref<128x128xf32, #tpu.memory_space<vmem>>, vector<16xf32>,
        %parallel_loop3A_784 = arith.constant 28 : i32
        %parallel_loop3A_785 = vector.broadcast %parallel_loop3A_784 : i32 to vector<16xi32>
        %parallel_loop3A_786 = arith.addi %add3A_715, %parallel_loop3A_785 : vector<16xi32>
        tpu.vector_store_idx %arg8[%parallel_loop3A_786, %parallel_loop3A_722], %parallel_loop3A_783 : memref<128x132xf32, #tpu.memory_space<vmem>>[vector<16xi32>, vector<16xi32>], vector<16xf32>,
      } {sc.loop_unroll_factor = 8 : i64, sc.parallel_access}
      %mul3A_718 = arith.constant 32 : i32
      %mul3A_719 = arith.muli %add3A_710, %mul3A_718 : i32
      "tpu.region"() ({
        %run_scoped3A = tpu.sem_alloc : memref<!tpu.dma_semaphore, #tpu.memory_space<semaphore_mem>>
        %dma_start3A_720 = arith.constant 0 : i32
        %dma_start3A_721 = arith.constant 0 : i32
        %dma_start3A_722 = tpu.memref_slice %arg8[%dma_start3A_720, %dma_start3A_721] : memref<128x132xf32, #tpu.memory_space<vmem>> -> memref<32x128xf32, #tpu.memory_space<vmem>>
        %dma_start3A_723 = arith.constant 0 : i32
        %dma_start3A_724 = tpu.memref_slice %arg5[%mul3A_719, %dma_start3A_723] : memref<250000x128xf32, #tpu.memory_space<hbm>> -> memref<32x128xf32, #tpu.memory_space<hbm>>
        %dma_start3A_725 = arith.constant 0 : i32
        %dma_start3A_726 = tpu.memref_slice %arg5[%mul3A_719, %dma_start3A_725] : memref<250000x128xf32, #tpu.memory_space<hbm>> -> memref<32x128xf32, #tpu.memory_space<hbm>>
        %dma_start3A_727 = arith.constant 0 : i32
        %dma_start3A_728 = arith.constant 0 : i32
        %dma_start3A_729 = tpu.memref_slice %arg8[%dma_start3A_727, %dma_start3A_728] : memref<128x132xf32, #tpu.memory_space<vmem>> -> memref<32x128xf32, #tpu.memory_space<vmem>>
        tpu.enqueue_dma source(%dma_start3A_729 : memref<32x128xf32, #tpu.memory_space<vmem>>) target(%dma_start3A_726 : memref<32x128xf32, #tpu.memory_space<hbm>>) target_semaphore(%run_scoped3A : memref<!tpu.dma_semaphore, #tpu.memory_space<semaphore_mem>>)
        %dma_wait3A_730 = arith.constant 0 : i32
        %dma_wait3A_731 = arith.constant 0 : i32
        %dma_wait3A_732 = tpu.memref_slice %arg8[%dma_wait3A_730, %dma_wait3A_731] : memref<128x132xf32, #tpu.memory_space<vmem>> -> memref<32x128xf32, #tpu.memory_space<vmem>>
        %dma_wait3A_733 = arith.constant 0 : i32
        %dma_wait3A_734 = tpu.memref_slice %arg5[%mul3A_719, %dma_wait3A_733] : memref<250000x128xf32, #tpu.memory_space<hbm>> -> memref<32x128xf32, #tpu.memory_space<hbm>>
        %dma_wait3A_735 = arith.constant 0 : i32
        %dma_wait3A_736 = tpu.memref_slice %arg5[%mul3A_719, %dma_wait3A_735] : memref<250000x128xf32, #tpu.memory_space<hbm>> -> memref<32x128xf32, #tpu.memory_space<hbm>>
        %dma_wait3A_737 = arith.constant 0 : i32
        %dma_wait3A_738 = arith.constant 0 : i32
        %dma_wait3A_739 = tpu.memref_slice %arg8[%dma_wait3A_737, %dma_wait3A_738] : memref<128x132xf32, #tpu.memory_space<vmem>> -> memref<32x128xf32, #tpu.memory_space<vmem>>
        tpu.wait_dma2 semaphore(%run_scoped3A : memref<!tpu.dma_semaphore, #tpu.memory_space<semaphore_mem>>) src(%dma_wait3A_739 : memref<32x128xf32, #tpu.memory_space<vmem>>) dst(%dma_wait3A_736 : memref<32x128xf32, #tpu.memory_space<hbm>>)
        tpu.yield
      }) : () -> ()
    } else {
    }
    %eq3A = arith.constant 31 : i32
    %eq3A_705 = arith.cmpi eq, %add3A, %eq3A : i32
    %convert_element_type3A_706 = arith.extui %eq3A_705 : i1 to i32
    %cond3A_707 = arith.constant 0 : i32
    %cond3A_708 = arith.cmpi ne, %convert_element_type3A_706, %cond3A_707 : i32
    scf.if %cond3A_708 {
      "tpu.region"() ({
        %run_scoped3A = tpu.sem_alloc : memref<!tpu.dma_semaphore, #tpu.memory_space<semaphore_mem>>
        %dma_start3A_714 = arith.constant 0 : i32
        %dma_start3A_715 = arith.constant 0 : i32
        %dma_start3A_716 = tpu.memref_slice %arg7[%dma_start3A_714, %dma_start3A_715] : memref<128x128xf32, #tpu.memory_space<vmem>> -> memref<32x128xf32, #tpu.memory_space<vmem>>
        %dma_start3A_717 = arith.constant 0 : i32
        %dma_start3A_718 = arith.constant 0 : i32
        %dma_start3A_719 = tpu.memref_slice %arg7[%dma_start3A_717, %dma_start3A_718] : memref<128x128xf32, #tpu.memory_space<vmem>> -> memref<32x128xf32, #tpu.memory_space<vmem>>
        tpu.enqueue_dma source(%arg4 : memref<32x128xf32, #tpu.memory_space<hbm>>) target(%dma_start3A_719 : memref<32x128xf32, #tpu.memory_space<vmem>>) target_semaphore(%run_scoped3A : memref<!tpu.dma_semaphore, #tpu.memory_space<semaphore_mem>>)
        %dma_wait3A_720 = arith.constant 0 : i32
        %dma_wait3A_721 = arith.constant 0 : i32
        %dma_wait3A_722 = tpu.memref_slice %arg7[%dma_wait3A_720, %dma_wait3A_721] : memref<128x128xf32, #tpu.memory_space<vmem>> -> memref<32x128xf32, #tpu.memory_space<vmem>>
        %dma_wait3A_723 = arith.constant 0 : i32
        %dma_wait3A_724 = arith.constant 0 : i32
        %dma_wait3A_725 = tpu.memref_slice %arg7[%dma_wait3A_723, %dma_wait3A_724] : memref<128x128xf32, #tpu.memory_space<vmem>> -> memref<32x128xf32, #tpu.memory_space<vmem>>
        tpu.wait_dma2 semaphore(%run_scoped3A : memref<!tpu.dma_semaphore, #tpu.memory_space<semaphore_mem>>) src(%arg4 : memref<32x128xf32, #tpu.memory_space<hbm>>) dst(%dma_wait3A_725 : memref<32x128xf32, #tpu.memory_space<vmem>>)
        tpu.yield
      }) : () -> ()
      %add3A_709 = arith.constant 0 : i32
      %add3A_710 = vector.broadcast %add3A_709 : i32 to vector<16xi32>
      %add3A_711 = arith.addi %shift_right_logical3A_2, %add3A_710 : vector<16xi32>
      %parallel_loop3A = arith.constant 0 : i32
      %parallel_loop3A_712 = arith.constant 32 : i32
      %parallel_loop3A_713 = arith.constant 1 : i32
      scf.for %parallel_loop3A_714 = %parallel_loop3A to %parallel_loop3A_712 step %parallel_loop3A_713  : i32 {
        %parallel_loop3A_715 = vector.broadcast %parallel_loop3A_714 : i32 to vector<16xi32>
        %parallel_loop3A_716 = arith.addi %mul3A_7, %parallel_loop3A_715 : vector<16xi32>
        %parallel_loop3A_717 = arith.constant 0 : i32
        %parallel_loop3A_718 = arith.addi %parallel_loop3A_717, %parallel_loop3A_714 : i32
        %parallel_loop3A_719 = arith.index_cast %parallel_loop3A_718 : i32 to index
        %parallel_loop3A_720 = arith.constant 0 : index
        %parallel_loop3A_721 = tpu.vector_load %arg7[%parallel_loop3A_719, %parallel_loop3A_720] {strides = array<i32>} : memref<128x128xf32, #tpu.memory_space<vmem>>, vector<16xf32>,
        %parallel_loop3A_722 = arith.constant 0 : i32
        %parallel_loop3A_723 = vector.broadcast %parallel_loop3A_722 : i32 to vector<16xi32>
        %parallel_loop3A_724 = arith.addi %add3A_711, %parallel_loop3A_723 : vector<16xi32>
        tpu.vector_store_idx %arg8[%parallel_loop3A_724, %parallel_loop3A_716], %parallel_loop3A_721 : memref<128x132xf32, #tpu.memory_space<vmem>>[vector<16xi32>, vector<16xi32>], vector<16xf32>,
        %parallel_loop3A_725 = arith.constant 0 : i32
        %parallel_loop3A_726 = arith.addi %parallel_loop3A_725, %parallel_loop3A_714 : i32
        %parallel_loop3A_727 = arith.index_cast %parallel_loop3A_726 : i32 to index
        %parallel_loop3A_728 = arith.constant 16 : index
        %parallel_loop3A_729 = tpu.vector_load %arg7[%parallel_loop3A_727, %parallel_loop3A_728] {strides = array<i32>} : memref<128x128xf32, #tpu.memory_space<vmem>>, vector<16xf32>,
        %parallel_loop3A_730 = arith.constant 4 : i32
        %parallel_loop3A_731 = vector.broadcast %parallel_loop3A_730 : i32 to vector<16xi32>
        %parallel_loop3A_732 = arith.addi %add3A_711, %parallel_loop3A_731 : vector<16xi32>
        tpu.vector_store_idx %arg8[%parallel_loop3A_732, %parallel_loop3A_716], %parallel_loop3A_729 : memref<128x132xf32, #tpu.memory_space<vmem>>[vector<16xi32>, vector<16xi32>], vector<16xf32>,
        %parallel_loop3A_733 = arith.constant 0 : i32
        %parallel_loop3A_734 = arith.addi %parallel_loop3A_733, %parallel_loop3A_714 : i32
        %parallel_loop3A_735 = arith.index_cast %parallel_loop3A_734 : i32 to index
        %parallel_loop3A_736 = arith.constant 32 : index
        %parallel_loop3A_737 = tpu.vector_load %arg7[%parallel_loop3A_735, %parallel_loop3A_736] {strides = array<i32>} : memref<128x128xf32, #tpu.memory_space<vmem>>, vector<16xf32>,
        %parallel_loop3A_738 = arith.constant 8 : i32
        %parallel_loop3A_739 = vector.broadcast %parallel_loop3A_738 : i32 to vector<16xi32>
        %parallel_loop3A_740 = arith.addi %add3A_711, %parallel_loop3A_739 : vector<16xi32>
        tpu.vector_store_idx %arg8[%parallel_loop3A_740, %parallel_loop3A_716], %parallel_loop3A_737 : memref<128x132xf32, #tpu.memory_space<vmem>>[vector<16xi32>, vector<16xi32>], vector<16xf32>,
        %parallel_loop3A_741 = arith.constant 0 : i32
        %parallel_loop3A_742 = arith.addi %parallel_loop3A_741, %parallel_loop3A_714 : i32
        %parallel_loop3A_743 = arith.index_cast %parallel_loop3A_742 : i32 to index
        %parallel_loop3A_744 = arith.constant 48 : index
        %parallel_loop3A_745 = tpu.vector_load %arg7[%parallel_loop3A_743, %parallel_loop3A_744] {strides = array<i32>} : memref<128x128xf32, #tpu.memory_space<vmem>>, vector<16xf32>,
        %parallel_loop3A_746 = arith.constant 12 : i32
        %parallel_loop3A_747 = vector.broadcast %parallel_loop3A_746 : i32 to vector<16xi32>
        %parallel_loop3A_748 = arith.addi %add3A_711, %parallel_loop3A_747 : vector<16xi32>
        tpu.vector_store_idx %arg8[%parallel_loop3A_748, %parallel_loop3A_716], %parallel_loop3A_745 : memref<128x132xf32, #tpu.memory_space<vmem>>[vector<16xi32>, vector<16xi32>], vector<16xf32>,
        %parallel_loop3A_749 = arith.constant 0 : i32
        %parallel_loop3A_750 = arith.addi %parallel_loop3A_749, %parallel_loop3A_714 : i32
        %parallel_loop3A_751 = arith.index_cast %parallel_loop3A_750 : i32 to index
        %parallel_loop3A_752 = arith.constant 64 : index
        %parallel_loop3A_753 = tpu.vector_load %arg7[%parallel_loop3A_751, %parallel_loop3A_752] {strides = array<i32>} : memref<128x128xf32, #tpu.memory_space<vmem>>, vector<16xf32>,
        %parallel_loop3A_754 = arith.constant 16 : i32
        %parallel_loop3A_755 = vector.broadcast %parallel_loop3A_754 : i32 to vector<16xi32>
        %parallel_loop3A_756 = arith.addi %add3A_711, %parallel_loop3A_755 : vector<16xi32>
        tpu.vector_store_idx %arg8[%parallel_loop3A_756, %parallel_loop3A_716], %parallel_loop3A_753 : memref<128x132xf32, #tpu.memory_space<vmem>>[vector<16xi32>, vector<16xi32>], vector<16xf32>,
        %parallel_loop3A_757 = arith.constant 0 : i32
        %parallel_loop3A_758 = arith.addi %parallel_loop3A_757, %parallel_loop3A_714 : i32
        %parallel_loop3A_759 = arith.index_cast %parallel_loop3A_758 : i32 to index
        %parallel_loop3A_760 = arith.constant 80 : index
        %parallel_loop3A_761 = tpu.vector_load %arg7[%parallel_loop3A_759, %parallel_loop3A_760] {strides = array<i32>} : memref<128x128xf32, #tpu.memory_space<vmem>>, vector<16xf32>,
        %parallel_loop3A_762 = arith.constant 20 : i32
        %parallel_loop3A_763 = vector.broadcast %parallel_loop3A_762 : i32 to vector<16xi32>
        %parallel_loop3A_764 = arith.addi %add3A_711, %parallel_loop3A_763 : vector<16xi32>
        tpu.vector_store_idx %arg8[%parallel_loop3A_764, %parallel_loop3A_716], %parallel_loop3A_761 : memref<128x132xf32, #tpu.memory_space<vmem>>[vector<16xi32>, vector<16xi32>], vector<16xf32>,
        %parallel_loop3A_765 = arith.constant 0 : i32
        %parallel_loop3A_766 = arith.addi %parallel_loop3A_765, %parallel_loop3A_714 : i32
        %parallel_loop3A_767 = arith.index_cast %parallel_loop3A_766 : i32 to index
        %parallel_loop3A_768 = arith.constant 96 : index
        %parallel_loop3A_769 = tpu.vector_load %arg7[%parallel_loop3A_767, %parallel_loop3A_768] {strides = array<i32>} : memref<128x128xf32, #tpu.memory_space<vmem>>, vector<16xf32>,
        %parallel_loop3A_770 = arith.constant 24 : i32
        %parallel_loop3A_771 = vector.broadcast %parallel_loop3A_770 : i32 to vector<16xi32>
        %parallel_loop3A_772 = arith.addi %add3A_711, %parallel_loop3A_771 : vector<16xi32>
        tpu.vector_store_idx %arg8[%parallel_loop3A_772, %parallel_loop3A_716], %parallel_loop3A_769 : memref<128x132xf32, #tpu.memory_space<vmem>>[vector<16xi32>, vector<16xi32>], vector<16xf32>,
        %parallel_loop3A_773 = arith.constant 0 : i32
        %parallel_loop3A_774 = arith.addi %parallel_loop3A_773, %parallel_loop3A_714 : i32
        %parallel_loop3A_775 = arith.index_cast %parallel_loop3A_774 : i32 to index
        %parallel_loop3A_776 = arith.constant 112 : index
        %parallel_loop3A_777 = tpu.vector_load %arg7[%parallel_loop3A_775, %parallel_loop3A_776] {strides = array<i32>} : memref<128x128xf32, #tpu.memory_space<vmem>>, vector<16xf32>,
        %parallel_loop3A_778 = arith.constant 28 : i32
        %parallel_loop3A_779 = vector.broadcast %parallel_loop3A_778 : i32 to vector<16xi32>
        %parallel_loop3A_780 = arith.addi %add3A_711, %parallel_loop3A_779 : vector<16xi32>
        tpu.vector_store_idx %arg8[%parallel_loop3A_780, %parallel_loop3A_716], %parallel_loop3A_777 : memref<128x132xf32, #tpu.memory_space<vmem>>[vector<16xi32>, vector<16xi32>], vector<16xf32>,
      } {sc.loop_unroll_factor = 8 : i64, sc.parallel_access}
      "tpu.region"() ({
        %run_scoped3A = tpu.sem_alloc : memref<!tpu.dma_semaphore, #tpu.memory_space<semaphore_mem>>
        %dma_start3A_714 = arith.constant 16 : i32
        %dma_start3A_715 = arith.constant 0 : i32
        %dma_start3A_716 = tpu.memref_slice %arg8[%dma_start3A_714, %dma_start3A_715] : memref<128x132xf32, #tpu.memory_space<vmem>> -> memref<16x128xf32, #tpu.memory_space<vmem>>
        %dma_start3A_717 = arith.constant 249984 : i32
        %dma_start3A_718 = arith.constant 0 : i32
        %dma_start3A_719 = tpu.memref_slice %arg5[%dma_start3A_717, %dma_start3A_718] : memref<250000x128xf32, #tpu.memory_space<hbm>> -> memref<16x128xf32, #tpu.memory_space<hbm>>
        %dma_start3A_720 = arith.constant 249984 : i32
        %dma_start3A_721 = arith.constant 0 : i32
        %dma_start3A_722 = tpu.memref_slice %arg5[%dma_start3A_720, %dma_start3A_721] : memref<250000x128xf32, #tpu.memory_space<hbm>> -> memref<16x128xf32, #tpu.memory_space<hbm>>
        %dma_start3A_723 = arith.constant 16 : i32
        %dma_start3A_724 = arith.constant 0 : i32
        %dma_start3A_725 = tpu.memref_slice %arg8[%dma_start3A_723, %dma_start3A_724] : memref<128x132xf32, #tpu.memory_space<vmem>> -> memref<16x128xf32, #tpu.memory_space<vmem>>
        tpu.enqueue_dma source(%dma_start3A_725 : memref<16x128xf32, #tpu.memory_space<vmem>>) target(%dma_start3A_722 : memref<16x128xf32, #tpu.memory_space<hbm>>) target_semaphore(%run_scoped3A : memref<!tpu.dma_semaphore, #tpu.memory_space<semaphore_mem>>)
        %dma_wait3A_726 = arith.constant 16 : i32
        %dma_wait3A_727 = arith.constant 0 : i32
        %dma_wait3A_728 = tpu.memref_slice %arg8[%dma_wait3A_726, %dma_wait3A_727] : memref<128x132xf32, #tpu.memory_space<vmem>> -> memref<16x128xf32, #tpu.memory_space<vmem>>
        %dma_wait3A_729 = arith.constant 249984 : i32
        %dma_wait3A_730 = arith.constant 0 : i32
        %dma_wait3A_731 = tpu.memref_slice %arg5[%dma_wait3A_729, %dma_wait3A_730] : memref<250000x128xf32, #tpu.memory_space<hbm>> -> memref<16x128xf32, #tpu.memory_space<hbm>>
        %dma_wait3A_732 = arith.constant 249984 : i32
        %dma_wait3A_733 = arith.constant 0 : i32
        %dma_wait3A_734 = tpu.memref_slice %arg5[%dma_wait3A_732, %dma_wait3A_733] : memref<250000x128xf32, #tpu.memory_space<hbm>> -> memref<16x128xf32, #tpu.memory_space<hbm>>
        %dma_wait3A_735 = arith.constant 16 : i32
        %dma_wait3A_736 = arith.constant 0 : i32
        %dma_wait3A_737 = tpu.memref_slice %arg8[%dma_wait3A_735, %dma_wait3A_736] : memref<128x132xf32, #tpu.memory_space<vmem>> -> memref<16x128xf32, #tpu.memory_space<vmem>>
        tpu.wait_dma2 semaphore(%run_scoped3A : memref<!tpu.dma_semaphore, #tpu.memory_space<semaphore_mem>>) src(%dma_wait3A_737 : memref<16x128xf32, #tpu.memory_space<vmem>>) dst(%dma_wait3A_734 : memref<16x128xf32, #tpu.memory_space<hbm>>)
        tpu.yield
      }) : () -> ()
    } else {
    }
    return
  }
}

</mosaic_0001>

<sc_bundles>
// kernel: _convert.3.cloned.1.call-start
scs
__scs_entry_jumppad:
0x0: {  	(pc) =	sbr.rel $0x88, $3  }
0x1: {  	(tag) =	ssettag $0x0;
	lr =	simm.s32 $0x1  }
0x2: {  	[smem:$0x3F9E] =	sst lr;
	_ =	strace $0xD0000000  }
0x3: {  	_ = 	snop  }
0x4: {  	_ = 	snop  }
0x5: {  	_ = 	snop  }
0x6: {  	_ = 	snop  }
0x7: {  	_ = 	snop  }
__scs_overlays_trampoline_lowered:
0x8: {  	[smem:$0x3FAD] =	sst s0  }
0x9: {  	[smem:$0x3FAE] =	sst s1  }
0xa: {  	[smem:$0x3FAF] =	sst s2  }
0xb: {  	[smem:$0x3FB0] =	sst s3  }
0xc: {  	[smem:$0x3FB1] =	sst s4  }
0xd: {  	[smem:$0x3FB2] =	sst s5  }
0xe: {  	[smem:$0x3FB3] =	sst s6  }
0xf: {  	[smem:$0x3FB4] =	sst s7  }
0x10: {  	[smem:$0x3FB5] =	sst s8  }
0x11: {  	[smem:$0x3FB6] =	sst s9;
	s0 =	simm.s32 @!p0 $0x0  }
0x12: {  	s1 =	sld [smem:$0x3F9C];
	s0 =	simm.s32 @p0 $0x1  }
0x13: {  	[smem:$0x3FB7] =	sst s0;
	s0 =	simm.s32 @!p1 $0x0  }
0x14: {  	s2 =	sld [smem:$0x3F9B];
	s0 =	simm.s32 @p1 $0x1  }
0x15: {  	[smem:$0x3FB8] =	sst s0;
	s0 =	simm.s32 @!p2 $0x0  }
0x16: {  	s3 =	sld [smem:$0x3FDB];
	s0 =	simm.s32 @p2 $0x1  }
0x17: {  	s4 =	simm.s32 $0x1BF5;
	[smem:$0x3FBA] =	sst s0  }
0x18: {  	s0 =	sld [smem:$0x3F9D];
	_ =	swait.ge [sflag:s4], $0x0  }
0x19: {  	s7 =	sld [smem:$0x3F9E]  }
0x1a: {  	s8 =	sadd.s32 $0xFFFFE003, lr  }
0x1b: {  	s9 =	sadd.s32 $0xFFFFFEF7, lr;
	s5 =	simm.s32 $0xFFFFFFFF;
	p2 =	slt.u32 s8, $0xFFFFF086  }
0x1c: {  	p1 =	slt.u32 s9, $0xF7A;
	s5 =	simm.s32 @!p2 $0x0  }
0x1d: {  	s5 =	simm.s32 @p1 $0x1;
	p0 =	seq.s32 s7, s2  }
0x1e: {  	s7 =	smul.u32 @!p0 $0xF7A, s2;
	p2 =	seq.s32 @!p0 s5, $0x0  }
0x1f: {  	s9 =	smul.u32 $0xF7A, s1;
	s8 =	simm.s32 @!p0 $0x1BF5;
	p2 =	por !p2, p0  }
0x20: {  	[sflag:s8] =	ssyncset.s32 @!p0 $0xFFFFF086;
	s6 =	sadd.s32 @!p0 s3, s7;
	s7 =	simm.s32 @!p0 $0x108  }
0x21: {  	s3 =	sadd.s32 s3, s9;
	s6 =	sadd.s32 @!p0 $0x88, s6;
	s7 =	simm.s32 @p2 $0x1082  }
0x22: {  	[simem:s7], [sflag:s8] =	dma.local @!p0 [hbm:s6], $0xF7A  }
0x23: {  	s9 =	sor.u32 $0xD0000000, s2;
	s6 =	simm.s32 $0x108;
	_ =	swait.ge @!p0 [sflag:s8], $0x0  }
0x24: {  	s3 =	sadd.s32 $0x88, s3;
	s6 =	simm.s32 @!p1 $0x1082;
	[sflag:s4] =	ssyncset.s32 $0xFFFFF086  }
0x25: {  	[simem:s6], [sflag:s4] =	dma.local [hbm:s3], $0xF7A  }
0x26: {  	[smem:$0x3F9E] =	sst s1;
	(tag) =	ssettag s2;
	_ =	strace s9  }
0x27: {  	s1 =	sld [smem:$0x3FAE]  }
0x28: {  	s2 =	sld [smem:$0x3FAF]  }
0x29: {  	s4 =	sld [smem:$0x3FB1]  }
0x2a: {  	p0 =	seq.s32 s5, $0x0;
	s5 =	sld [smem:$0x3FB2]  }
0x2b: {  	s6 =	sld [smem:$0x3FB3]  }
0x2c: {  	s7 =	sld [smem:$0x3FB4]  }
0x2d: {  	s3 =	simm.s32 $0x108;
	s8 =	sld [smem:$0x3FB5]  }
0x2e: {  	s3 =	simm.s32 @!p0 $0x1082;
	s9 =	sld [smem:$0x3FB6]  }
0x2f: {  	lr =	sadd.s32 s0, s3;
	s0 =	sld [smem:$0x3FAD]  }
0x30: {  	s3 =	sld [smem:$0x3FB0]  }
0x31: {  	[smem:$0x3FB9] =	sst s10  }
0x32: {  	s10 =	sld [smem:$0x3FB7];
	_ =	sdelay $0x3  }
0x33: {  	p0 =	seq.s32 s10, $0x1;
	s10 =	sld [smem:$0x3FB9];
	_ =	sdelay $0x3  }
0x34: {  	[smem:$0x3FB9] =	sst s10  }
0x35: {  	s10 =	sld [smem:$0x3FB8];
	_ =	sdelay $0x3  }
0x36: {  	p1 =	seq.s32 s10, $0x1;
	s10 =	sld [smem:$0x3FB9];
	_ =	sdelay $0x3  }
0x37: {  	[smem:$0x3FB9] =	sst s10  }
0x38: {  	s10 =	sld [smem:$0x3FBA]  }
0x39: {  	_ = 	snop;
	(pc) =	sbr.ind lr, $3  }
0x3a: {  	_ = 	snop  }
0x3b: {  	_ = 	snop  }
0x3c: {  	p2 =	seq.s32 s10, $0x1;
	s10 =	sld [smem:$0x3FB9]  }
0x3d: {  	_ =	shalt  }
0x3e: {  	_ =	shalt  }
0x3f: {  	_ =	shalt  }
0x40: {  	_ =	shalt  }
0x41: {  	_ =	shalt  }
0x42: {  	_ =	shalt  }
0x43: {  	_ =	shalt  }
0x44: {  	_ =	shalt  }
0x45: {  	_ =	shalt  }
0x46: {  	_ =	shalt  }
0x47: {  	_ =	shalt  }
0x48: {  	_ =	shalt  }
0x49: {  	_ =	shalt  }
0x4a: {  	_ =	shalt  }
0x4b: {  	_ =	shalt  }
0x4c: {  	_ =	shalt  }
0x4d: {  	_ =	shalt  }
0x4e: {  	_ =	shalt  }
0x4f: {  	_ =	shalt  }
0x50: {  	_ =	shalt  }
0x51: {  	_ =	shalt  }
0x52: {  	_ =	shalt  }
0x53: {  	_ =	shalt  }
0x54: {  	_ =	shalt  }
0x55: {  	_ =	shalt  }
0x56: {  	_ =	shalt  }
0x57: {  	_ =	shalt  }
0x58: {  	_ =	shalt  }
0x59: {  	_ =	shalt  }
0x5a: {  	_ =	shalt  }
0x5b: {  	_ =	shalt  }
0x5c: {  	_ =	shalt  }
0x5d: {  	_ =	shalt  }
0x5e: {  	_ =	shalt  }
0x5f: {  	_ =	shalt  }
0x60: {  	_ =	shalt  }
0x61: {  	_ =	shalt  }
0x62: {  	_ =	shalt  }
0x63: {  	_ =	shalt  }
0x64: {  	_ =	shalt  }
0x65: {  	_ =	shalt  }
0x66: {  	_ =	shalt  }
0x67: {  	_ =	shalt  }
0x68: {  	_ =	shalt  }
0x69: {  	_ =	shalt  }
0x6a: {  	_ =	shalt  }
0x6b: {  	_ =	shalt  }
0x6c: {  	_ =	shalt  }
0x6d: {  	_ =	shalt  }
0x6e: {  	_ =	shalt  }
0x6f: {  	_ =	shalt  }
0x70: {  	_ =	shalt  }
0x71: {  	_ =	shalt  }
0x72: {  	_ =	shalt  }
0x73: {  	_ =	shalt  }
0x74: {  	_ =	shalt  }
0x75: {  	_ =	shalt  }
0x76: {  	_ =	shalt  }
0x77: {  	_ =	shalt  }
0x78: {  	_ =	shalt  }
0x79: {  	_ =	shalt  }
0x7a: {  	_ =	shalt  }
0x7b: {  	_ =	shalt  }
0x7c: {  	_ =	shalt  }
0x7d: {  	_ =	shalt  }
0x7e: {  	_ =	shalt  }
0x7f: {  	_ =	shalt  }
0x80: {  	_ =	shalt  }
0x81: {  	_ =	shalt  }
0x82: {  	_ =	shalt  }
0x83: {  	_ =	shalt  }
0x84: {  	_ =	shalt  }
0x85: {  	_ =	shalt  }
0x86: {  	_ =	shalt  }
0x87: {  	_ =	shalt  }
.Lfunc_end0:
.L_simem_size_0:
called_computation_lowered:
.L_overlay_start_0:
0x88: {  	s2 =	sld [smem:$0x3FD9]  }
0x89: {  	s3 =	sld [smem:$0x3FFE];
	_ =	sdelay $0x1  }
0x8a: {  	s1 =	srdreg.scid  }
0x8b: {  	s0 =	sand.u32 $0x1, s1  }
0x8c: {  	s15 =	sshll.u32 s0, $0xA;
	s2 =	sadd.s32 s3, s2  }
0x8d: {  	s2 =	sadd.s32 s2, s15  }
0x8e: {  	[smem:$0x3FC5] =	sst s2  }
0x8f: {  	_ = 	snop  }
0x90: {  	s2 =	sld [smem:$0x3FD0]  }
0x91: {  	s16 =	sld [smem:$0x3FC9]  }
0x92: {  	s4 =	sld [smem:$0x3FC8]  }
0x93: {  	s6 =	simm.s32 $0xA;
	s7 =	simm.s32 $0x10;
	s5 =	sld [smem:$0x3FC7]  }
0x94: {  	[smem:s7], [sflag:s6] =	dma.local [hbm:s2], $0x1  }
0x95: {  	_ =	swait.eq [sflag:s6], $0x1  }
0x96: {  	[sflag:s6] =	ssyncset.done $0x0  }
0x97: {  	s17 =	sld [smem:$0x10];
	[sflag:s6] =	ssyncadd.s32 $0xFFFFFFFF  }
0x98: {  	s18 =	sld [smem:$0x11];
	(tm) =	ssettm $0x1  }
0x99: {  	s19 =	sld [smem:$0x3FFB];
	_ =	sdelay $0x3  }
0x9a: {  	_ =	strace s19  }
0x9b: {  	s7 =	sld [smem:$0x3FFC];
	_ =	sdelay $0x3  }
0x9c: {  	_ =	strace s7  }
0x9d: {  	s7 =	sld [smem:$0x3FFD];
	_ =	sdelay $0x3  }
0x9e: {  	_ =	strace s7  }
0x9f: {  	_ =	strace $0x8FFFFFFF  }
0xa0: {  	s20 =	sld [smem:$0x3FDB];
	_ =	sdelay $0x1  }
0xa1: {  	s8 =	simm.s32 $_scs_section_size  }
0xa2: {  	s9 =	simm.s32 $_size__tile_overlayer_lowered;
	s10 =	simm.s32 $_tile_overlayer_lowered  }
0xa3: {  	s23 =	simm.s32 $0x1BFF;
	s22 =	sshll.u32 s10, $0x1;
	s7 =	sadd.s32 s8, s20  }
0xa4: {  	s11 =	simm.s32 $0x0;
	s21 =	sshll.u32 s9, $0x1;
	s9 =	sadd.s32 s22, s7  }
0xa5: {  	[timem:s11], [sflag:s23] =	dma.local [hbm:s9], s21  }
0xa6: {  	_ =	swait.ge [sflag:s23], s21  }
0xa7: {  	s8 =	ssub.s32 $0x0, s21;
	[sflag:s23] =	ssyncset.done $0x0  }
0xa8: {  	[sflag:s23] =	ssyncadd.s32 s8;
	_ =	sdelay $0x1  }
0xa9: {  	s24 =	simm.s32 $0x1B8B  }
0xaa: {  	_ =	swait.ge [sflag:s24], $0x1  }
0xab: {  	[sflag:s24] =	ssyncset.done $0x0  }
0xac: {  	s25 =	simm.s32 $0x1B8E;
	[sflag:s24] =	ssyncadd.s32 $0xFFFFFFFF  }
0xad: {  	s26 =	simm.s32 $execute0_lowered;
	[smem:$0x3FD2] =	sst s25  }
0xae: {  	s8 =	sshll.u32 s26, $0x1;
	_ =	strace $0x80000046;
	[dreg:$0x1] =	wrdreg $0xFFFFFFFF  }
0xaf: {  	s28 =	simm.s32 $_size_execute0_lowered;
	s7 =	sadd.s32 s7, s8;
	[dreg:$0x0] =	wrdreg $0x0  }
0xb0: {  	s8 =	sshll.u32 s28, $0x1;
	[dreg:$0x2] =	wrdreg s7  }
0xb1: {  	[dreg:$0x3] =	wrdreg s8  }
0xb2: {  	[dreg:$0x4] =	wrdreg $0xC0  }
0xb3: {  	_ =	task [dreg:s11], $0x5FFFF  }
0xb4: {  	[dreg:$0x1] =	wrdreg $0xFFFFFFFF  }
0xb5: {  	[dreg:$0x0] =	wrdreg $0x60  }
0xb6: {  	[dreg:$0x2] =	wrdreg s16  }
0xb7: {  	[dreg:$0x3] =	wrdreg s4  }
0xb8: {  	[dreg:$0x4] =	wrdreg s5  }
0xb9: {  	[dreg:$0x5] =	wrdreg s17  }
0xba: {  	[dreg:$0x6] =	wrdreg s18  }
0xbb: {  	[dreg:$0x7] =	wrdreg $0x9  }
0xbc: {  	_ =	task.clear_ibuf [dreg:s11], $0x8FFFF;
	_ =	strace $0x90000046  }
0xbd: {  	s29 =	simm.s32 $0x9;
	_ =	strace $0x80000048  }
0xbe: {  	_ =	swait.ge [sflag:s29], $0x1  }
0xbf: {  	[sflag:s29] =	ssyncadd.s32 $0xFFFFFFFF  }
0xc0: {  	_ =	strace $0x90000048  }
0xc1: {  	_ =	sfence  }
0xc2: {  	s30 =	sld [smem:$0x0];
	_ =	sdelay $0x2  }
0xc3: {  	s31 =	sshll.u32 s1, $0xD;
	s1 =	sshrl.u32 s1, $0x2  }
0xc4: {  	s3 =	sand.u32 $0x4000, s31;
	s1 =	sadd.s32 s1, s30  }
0xc5: {  	s0 =	sor.u32 s3, s0;
	s1 =	sshll.u32 s1, $0x11  }
0xc6: {  	s0 =	sor.u32 s1, s0  }
0xc7: {  	s0 =	sadd.s32 $0x8F2B, s0  }
0xc8: {  	[sflag:s0] =	ssyncadd.remote.s32 $0x1  }
0xc9: {  	_ =	sfence.sel $0xFFFF  }
0xca: {  	[dreg:$0x0] =	wrdreg $0xFFFFFFFF;
	(pc) =	sbr.abs _section_cstart, $3  }
0xcb: {  	[dreg:$0x1] =	wrdreg $0xFFFFFFFF  }
0xcc: {  	_ =	task.clear_ibuf [dreg:s11], $0x2FFFF;
	_ =	strace $0x9FFFFFFF  }
0xcd: {  	(tm) =	ssettm $0x7FFFFFFF  }
tec
execute0_lowered:
.L_overlay_start_1:
0x0: {  	(tag) =	ssettag $0x1  }
0x1: {  	s0 =	rddreg [dreg:$0x0]  }
0x2: {  	s1 =	rddreg [dreg:$0x1]  }
0x3: {  	s2 =	rddreg [dreg:$0x3]  }
0x4: {  	s3 =	srdreg.scid;
	s10 =	stileid.u32  }
0x5: {  	s5 =	rddreg [dreg:$0x4];
	s4 =	sand.u32 $0x1, s3;
	s6 =	sshll.u32 s10, $0x1  }
0x6: {  	s3 =	simm.s32 $0x0;
	p1 =	sgt.u32 s10, $0x1;
	s6 =	sor.u32 s4, s6  }
0x7: {  	[smem:$0x7FF] =	sst s3;
	s7 =	ssub.s32 $0x2, s4;
	s23 =	sshll.u32 s6, $0x7  }
0x8: {  	_ =	strace $0x80000047;
	s8 =	sshrl.u32 s7, $0x1;
	s26 =	sshll.u32 s6, $0x9  }
0x9: {  	s25 =	sshll.u32 s6, $0x6;
	s4 =	sadd.s32 s0, s23;
	s1 =	sadd.s32 s1, s26  }
0xa: {  	s8 =	ssub.s32 s7, s8;
	s24 =	sadd.s32 $0x1000, s4;
	[dreg:$0x8] =	wrdreg s1  }
0xb: {  	s7 =	sadd.s32 s5, s25;
	s9 =	sadd.s32 $0x2000, s4;
	[dreg:$0x6] =	wrdreg s24  }
0xc: {  	s10 =	simm.s32 $0x0;
	s11 =	sadd.s32 $0x800, s7;
	[dreg:$0x7] =	wrdreg s9  }
0xd: {  	s18 =	sor.u32 $0x1E80, s6;
	s12 =	sadd.s32 $0x1000, s7;
	[dreg:$0x9] =	wrdreg s11  }
0xe: {  	p0 =	sne.s32 s6, $0x1F;
	s13 =	sadd.s32 $0x1800, s7;
	[dreg:$0xa] =	wrdreg s12  }
0xf: {  	s20 =	sshll.u32 s18, $0x7;
	s14 =	sadd.s32 $0x2000, s7;
	[dreg:$0xb] =	wrdreg s13  }
0x10: {  	s23 =	sshll.u32 s18, $0x9;
	s15 =	sadd.s32 $0x2800, s7;
	[dreg:$0xc] =	wrdreg s14  }
0x11: {  	s16 =	sadd.s32 $0x3000, s7;
	s17 =	sadd.s32 $0x3800, s7;
	[dreg:$0xd] =	wrdreg s15  }
0x12: {  	s5 =	sadd.s32 $0x4000, s7;
	s19 =	sadd.s32 $0x4800, s7;
	[dreg:$0xe] =	wrdreg s16  }
0x13: {  	s0 =	sadd.s32 s0, s20;
	s21 =	sadd.s32 $0x5800, s7;
	[dreg:$0xf] =	wrdreg s17  }
0x14: {  	s22 =	sadd.s32 $0x6000, s7;
	s25 =	smax.u32 s8, $0x1;
	[dreg:$0x10] =	wrdreg s5  }
0x15: {  	s28 =	sadd.s32 $0x7000, s7;
	s29 =	sadd.s32 $0x7800, s7;
	[dreg:$0x11] =	wrdreg s19  }
0x16: {  	s30 =	sadd.s32 $0x8000, s7;
	s31 =	sadd.s32 $0x8800, s7;
	[dreg:$0x13] =	wrdreg s0  }
0x17: {  	s1 =	sadd.s32 $0xA000, s7;
	s6 =	sadd.s32 $0xB800, s7;
	[dreg:$0x14] =	wrdreg s21  }
0x18: {  	s8 =	sadd.s32 $0xC000, s7;
	s11 =	sadd.s32 $0x5000, s7;
	[dreg:$0x15] =	wrdreg s22  }
0x19: {  	v2 =	vlaneseq.u32;
	s22 =	sadd.s32 s2, s26;
	s0 =	sadd.s32 s2, s23;
	s24 =	sadd.s32 $0x3D0800, s2  }
.Ltmp0:
0x1a: {  	v0 =	vshrl.u32 v2, $0x2;
	v1 =	vmul.u32 $0x20, v2;
	[dreg:$0x18] =	wrdreg s25;
	s26 =	sadd.s32 $0x6800, s7;
	(pc) =	sbr.rel .LBB2_1-.Ltmp0, $4  }
0x1b: {  	v3 =	vand.u32 $0x3, v2;
	v0 =	vmul.u32 $0x80, v0;
	s2 =	sadd.s32 $0x9000, s7;
	s19 =	sadd.s32 $0xA800, s7;
	[dreg:$0x12] =	wrdreg s11  }
0x1c: {  	v3 =	vmul.u32 $0x20, v3;
	v4 =	vor.u32 $0x200, v1;
	v5 =	vor.u32 $0x800, v1;
	s5 =	sadd.s32 $0xB000, s7;
	s25 =	simm.s32 $0xA;
	[dreg:$0x16] =	wrdreg s0  }
0x1d: {  	v6 =	vor.u32 $0xA00, v1;
	v7 =	vor.u32 $0x1000, v1;
	v8 =	vor.u32 $0x1200, v1;
	s23 =	simm.s32 $0x9;
	s9 =	simm.s32 $0x4000;
	[dreg:$0x17] =	wrdreg s24  }
0x1e: {  	v9 =	vor.u32 $0x1800, v1;
	v10 =	vor.u32 $0x1A00, v1;
	v2 =	vor.u32 $0x200, v0;
	[dreg:$0x19] =	wrdreg s26;
	s0 =	sadd.s32 $0x9800, s7;
	s24 =	sadd.s32 $0xC800, s7  }
.LBB2_13:
0x1f: {  	s10 =	sadd.s32 $0x1, s10;
	s11 =	rddreg [dreg:$0x18]  }
0x20: {  	p2 =	sne.s32 s10, s11  }
.Ltmp1:
0x21: {  	_ = 	snop;
	(pc) =	sbr.rel @!p2 .LBB2_14-.Ltmp1, $1  }
0x22: {  	_ =	sdelay $0x3  }
.LBB2_1:
0x23: {  	s12 =	simm.s32 $0x400;
	s13 =	simm.s32 $0x7A1400  }
0x24: {  	[tilespmem:s3], [sflag:$0x1] =	stream.strided.gather [hbm4b:s4+s12], $0x1000, s13, s12, $0x38;
	[tilespmem:$0x10000] =	vst v63  }
0x25: {  	s11 =	rddreg [dreg:$0x6];
	s14 =	simm.s32 $0x1000  }
0x26: {  	[tilespmem:s14], [sflag:$0x2] =	stream.strided.gather [hbm4b:s11+s12], $0x1000, s13, s12, $0x38;
	[tilespmem:$0x10000] =	vst v63  }
0x27: {  	s26 =	rddreg [dreg:$0x7];
	s15 =	simm.s32 $0x2000  }
0x28: {  	[tilespmem:s15], [sflag:$0x3] =	stream.strided.gather [hbm4b:s26+s12], $0x1000, s13, s12, $0x38;
	[tilespmem:$0x10000] =	vst v63  }
0x29: {  	s12 =	rddreg [dreg:$0x8];
	s13 =	simm.s32 $0x20000;
	s15 =	simm.s32 $0xC000  }
0x2a: {  	[tilespmem:s15], [sflag:$0xA] =	stream.strided.gather [hbm4b:s12+s14], $0x4000, s13, s14, $0x38;
	[tilespmem:$0x10000] =	vst v63  }
0x2b: {  	_ =	swait.ge [sflag:s25], $0x4000  }
0x2c: {  	[sflag:s25] =	ssyncset.done $0x0  }
0x2d: {  	[sflag:s25] =	ssyncadd.s32 $0xFFFFC000  }
0x2e: {  	[hbm4b:s7+s3] =	stream.linear.scatter [tilespmem:s15], [sflag:$0x9], $0x80, $0x38;
	[tilespmem:$0x10000] =	vst v63  }
0x2f: {  	s16 =	sadd.s32 $0x10, s7;
	s17 =	simm.s32 $0xC400  }
0x30: {  	[hbm4b:s16+s3] =	stream.linear.scatter [tilespmem:s17], [sflag:$0x9], $0x80, $0x38;
	[tilespmem:$0x10000] =	vst v63  }
0x31: {  	s18 =	sadd.s32 $0x20, s7;
	s26 =	simm.s32 $0xC800  }
0x32: {  	[hbm4b:s18+s3] =	stream.linear.scatter [tilespmem:s26], [sflag:$0x9], $0x80, $0x38;
	[tilespmem:$0x10000] =	vst v63  }
0x33: {  	s12 =	sadd.s32 $0x30, s7;
	s13 =	simm.s32 $0xCC00  }
0x34: {  	[hbm4b:s12+s3] =	stream.linear.scatter [tilespmem:s13], [sflag:$0x9], $0x80, $0x38;
	[tilespmem:$0x10000] =	vst v63  }
0x35: {  	s14 =	rddreg [dreg:$0x9];
	s15 =	simm.s32 $0xC080  }
0x36: {  	[hbm4b:s14+s3] =	stream.linear.scatter [tilespmem:s15], [sflag:$0x9], $0x80, $0x38;
	[tilespmem:$0x10000] =	vst v63  }
0x37: {  	s16 =	sadd.s32 $0x10, s14;
	s17 =	simm.s32 $0xC480  }
0x38: {  	[hbm4b:s16+s3] =	stream.linear.scatter [tilespmem:s17], [sflag:$0x9], $0x80, $0x38;
	[tilespmem:$0x10000] =	vst v63  }
0x39: {  	s18 =	sadd.s32 $0x20, s14;
	s26 =	simm.s32 $0xC880  }
0x3a: {  	[hbm4b:s18+s3] =	stream.linear.scatter [tilespmem:s26], [sflag:$0x9], $0x80, $0x38;
	[tilespmem:$0x10000] =	vst v63  }
0x3b: {  	s12 =	sadd.s32 $0x30, s14;
	s13 =	simm.s32 $0xCC80  }
0x3c: {  	[hbm4b:s12+s3] =	stream.linear.scatter [tilespmem:s13], [sflag:$0x9], $0x80, $0x38;
	[tilespmem:$0x10000] =	vst v63  }
0x3d: {  	s14 =	rddreg [dreg:$0xa];
	s15 =	simm.s32 $0xC100  }
0x3e: {  	[hbm4b:s14+s3] =	stream.linear.scatter [tilespmem:s15], [sflag:$0x9], $0x80, $0x38;
	[tilespmem:$0x10000] =	vst v63  }
0x3f: {  	s16 =	sadd.s32 $0x10, s14;
	s17 =	simm.s32 $0xC500  }
0x40: {  	[hbm4b:s16+s3] =	stream.linear.scatter [tilespmem:s17], [sflag:$0x9], $0x80, $0x38;
	[tilespmem:$0x10000] =	vst v63  }
0x41: {  	s18 =	sadd.s32 $0x20, s14;
	s26 =	simm.s32 $0xC900  }
0x42: {  	[hbm4b:s18+s3] =	stream.linear.scatter [tilespmem:s26], [sflag:$0x9], $0x80, $0x38;
	[tilespmem:$0x10000] =	vst v63  }
0x43: {  	s12 =	sadd.s32 $0x30, s14;
	s13 =	simm.s32 $0xCD00  }
0x44: {  	[hbm4b:s12+s3] =	stream.linear.scatter [tilespmem:s13], [sflag:$0x9], $0x80, $0x38;
	[tilespmem:$0x10000] =	vst v63  }
0x45: {  	s14 =	rddreg [dreg:$0xb];
	s15 =	simm.s32 $0xC180  }
0x46: {  	[hbm4b:s14+s3] =	stream.linear.scatter [tilespmem:s15], [sflag:$0x9], $0x80, $0x38;
	[tilespmem:$0x10000] =	vst v63  }
0x47: {  	s16 =	sadd.s32 $0x10, s14;
	s17 =	simm.s32 $0xC580  }
0x48: {  	[hbm4b:s16+s3] =	stream.linear.scatter [tilespmem:s17], [sflag:$0x9], $0x80, $0x38;
	[tilespmem:$0x10000] =	vst v63  }
0x49: {  	s18 =	sadd.s32 $0x20, s14;
	s26 =	simm.s32 $0xC980  }
0x4a: {  	[hbm4b:s18+s3] =	stream.linear.scatter [tilespmem:s26], [sflag:$0x9], $0x80, $0x38;
	[tilespmem:$0x10000] =	vst v63  }
0x4b: {  	s12 =	sadd.s32 $0x30, s14;
	s13 =	simm.s32 $0xCD80  }
0x4c: {  	[hbm4b:s12+s3] =	stream.linear.scatter [tilespmem:s13], [sflag:$0x9], $0x80, $0x38;
	[tilespmem:$0x10000] =	vst v63  }
0x4d: {  	s14 =	rddreg [dreg:$0xc];
	s15 =	simm.s32 $0xC200  }
0x4e: {  	[hbm4b:s14+s3] =	stream.linear.scatter [tilespmem:s15], [sflag:$0x9], $0x80, $0x38;
	[tilespmem:$0x10000] =	vst v63  }
0x4f: {  	s16 =	sadd.s32 $0x10, s14;
	s17 =	simm.s32 $0xC600  }
0x50: {  	[hbm4b:s16+s3] =	stream.linear.scatter [tilespmem:s17], [sflag:$0x9], $0x80, $0x38;
	[tilespmem:$0x10000] =	vst v63  }
0x51: {  	s18 =	sadd.s32 $0x20, s14;
	s26 =	simm.s32 $0xCA00  }
0x52: {  	[hbm4b:s18+s3] =	stream.linear.scatter [tilespmem:s26], [sflag:$0x9], $0x80, $0x38;
	[tilespmem:$0x10000] =	vst v63  }
0x53: {  	s12 =	sadd.s32 $0x30, s14;
	s13 =	simm.s32 $0xCE00  }
0x54: {  	[hbm4b:s12+s3] =	stream.linear.scatter [tilespmem:s13], [sflag:$0x9], $0x80, $0x38;
	[tilespmem:$0x10000] =	vst v63  }
0x55: {  	s14 =	rddreg [dreg:$0xd];
	s15 =	simm.s32 $0xC280  }
0x56: {  	[hbm4b:s14+s3] =	stream.linear.scatter [tilespmem:s15], [sflag:$0x9], $0x80, $0x38;
	[tilespmem:$0x10000] =	vst v63  }
0x57: {  	s16 =	sadd.s32 $0x10, s14;
	s17 =	simm.s32 $0xC680  }
0x58: {  	[hbm4b:s16+s3] =	stream.linear.scatter [tilespmem:s17], [sflag:$0x9], $0x80, $0x38;
	[tilespmem:$0x10000] =	vst v63  }
0x59: {  	s18 =	sadd.s32 $0x20, s14;
	s26 =	simm.s32 $0xCA80  }
0x5a: {  	[hbm4b:s18+s3] =	stream.linear.scatter [tilespmem:s26], [sflag:$0x9], $0x80, $0x38;
	[tilespmem:$0x10000] =	vst v63  }
0x5b: {  	s12 =	sadd.s32 $0x30, s14;
	s13 =	simm.s32 $0xCE80  }
0x5c: {  	[hbm4b:s12+s3] =	stream.linear.scatter [tilespmem:s13], [sflag:$0x9], $0x80, $0x38;
	[tilespmem:$0x10000] =	vst v63  }
0x5d: {  	s14 =	rddreg [dreg:$0xe];
	s15 =	simm.s32 $0xC300  }
0x5e: {  	[hbm4b:s14+s3] =	stream.linear.scatter [tilespmem:s15], [sflag:$0x9], $0x80, $0x38;
	[tilespmem:$0x10000] =	vst v63  }
0x5f: {  	s16 =	sadd.s32 $0x10, s14;
	s17 =	simm.s32 $0xC700  }
0x60: {  	[hbm4b:s16+s3] =	stream.linear.scatter [tilespmem:s17], [sflag:$0x9], $0x80, $0x38;
	[tilespmem:$0x10000] =	vst v63  }
0x61: {  	s18 =	sadd.s32 $0x20, s14;
	s26 =	simm.s32 $0xCB00  }
0x62: {  	[hbm4b:s18+s3] =	stream.linear.scatter [tilespmem:s26], [sflag:$0x9], $0x80, $0x38;
	[tilespmem:$0x10000] =	vst v63  }
0x63: {  	s12 =	sadd.s32 $0x30, s14;
	s13 =	simm.s32 $0xCF00  }
0x64: {  	[hbm4b:s12+s3] =	stream.linear.scatter [tilespmem:s13], [sflag:$0x9], $0x80, $0x38;
	[tilespmem:$0x10000] =	vst v63  }
0x65: {  	s14 =	rddreg [dreg:$0xf];
	s15 =	simm.s32 $0xC380  }
0x66: {  	[hbm4b:s14+s3] =	stream.linear.scatter [tilespmem:s15], [sflag:$0x9], $0x80, $0x38;
	[tilespmem:$0x10000] =	vst v63  }
0x67: {  	s16 =	sadd.s32 $0x10, s14;
	s17 =	simm.s32 $0xC780  }
0x68: {  	[hbm4b:s16+s3] =	stream.linear.scatter [tilespmem:s17], [sflag:$0x9], $0x80, $0x38;
	[tilespmem:$0x10000] =	vst v63  }
0x69: {  	s18 =	sadd.s32 $0x20, s14;
	s26 =	simm.s32 $0xCB80  }
0x6a: {  	[hbm4b:s18+s3] =	stream.linear.scatter [tilespmem:s26], [sflag:$0x9], $0x80, $0x38;
	[tilespmem:$0x10000] =	vst v63  }
0x6b: {  	s12 =	sadd.s32 $0x30, s14;
	s13 =	simm.s32 $0xCF80  }
0x6c: {  	[hbm4b:s12+s3] =	stream.linear.scatter [tilespmem:s13], [sflag:$0x9], $0x80, $0x38;
	[tilespmem:$0x10000] =	vst v63  }
0x6d: {  	s14 =	rddreg [dreg:$0x10];
	s15 =	simm.s32 $0xD000  }
0x6e: {  	[hbm4b:s14+s3] =	stream.linear.scatter [tilespmem:s15], [sflag:$0x9], $0x80, $0x38;
	[tilespmem:$0x10000] =	vst v63  }
0x6f: {  	s16 =	sadd.s32 $0x10, s14;
	s17 =	simm.s32 $0xD400  }
0x70: {  	[hbm4b:s16+s3] =	stream.linear.scatter [tilespmem:s17], [sflag:$0x9], $0x80, $0x38;
	[tilespmem:$0x10000] =	vst v63  }
0x71: {  	s18 =	sadd.s32 $0x20, s14;
	s26 =	simm.s32 $0xD800  }
0x72: {  	[hbm4b:s18+s3] =	stream.linear.scatter [tilespmem:s26], [sflag:$0x9], $0x80, $0x38;
	[tilespmem:$0x10000] =	vst v63  }
0x73: {  	s12 =	sadd.s32 $0x30, s14;
	s13 =	simm.s32 $0xDC00  }
0x74: {  	[hbm4b:s12+s3] =	stream.linear.scatter [tilespmem:s13], [sflag:$0x9], $0x80, $0x38;
	[tilespmem:$0x10000] =	vst v63  }
0x75: {  	s14 =	rddreg [dreg:$0x11];
	s15 =	simm.s32 $0xD080  }
0x76: {  	[hbm4b:s14+s3] =	stream.linear.scatter [tilespmem:s15], [sflag:$0x9], $0x80, $0x38;
	[tilespmem:$0x10000] =	vst v63  }
0x77: {  	s16 =	sadd.s32 $0x10, s14;
	s17 =	simm.s32 $0xD480  }
0x78: {  	[hbm4b:s16+s3] =	stream.linear.scatter [tilespmem:s17], [sflag:$0x9], $0x80, $0x38;
	[tilespmem:$0x10000] =	vst v63  }
0x79: {  	s18 =	sadd.s32 $0x20, s14;
	s26 =	simm.s32 $0xD880  }
0x7a: {  	[hbm4b:s18+s3] =	stream.linear.scatter [tilespmem:s26], [sflag:$0x9], $0x80, $0x38;
	[tilespmem:$0x10000] =	vst v63  }
0x7b: {  	s12 =	sadd.s32 $0x30, s14;
	s13 =	simm.s32 $0xDC80  }
0x7c: {  	[hbm4b:s12+s3] =	stream.linear.scatter [tilespmem:s13], [sflag:$0x9], $0x80, $0x38;
	[tilespmem:$0x10000] =	vst v63  }
0x7d: {  	s14 =	rddreg [dreg:$0x12];
	s15 =	simm.s32 $0xD100  }
0x7e: {  	[hbm4b:s14+s3] =	stream.linear.scatter [tilespmem:s15], [sflag:$0x9], $0x80, $0x38;
	[tilespmem:$0x10000] =	vst v63  }
0x7f: {  	s16 =	sadd.s32 $0x10, s14;
	s17 =	simm.s32 $0xD500  }
0x80: {  	[hbm4b:s16+s3] =	stream.linear.scatter [tilespmem:s17], [sflag:$0x9], $0x80, $0x38;
	[tilespmem:$0x10000] =	vst v63  }
0x81: {  	s18 =	sadd.s32 $0x20, s14;
	s26 =	simm.s32 $0xD900  }
0x82: {  	[hbm4b:s18+s3] =	stream.linear.scatter [tilespmem:s26], [sflag:$0x9], $0x80, $0x38;
	[tilespmem:$0x10000] =	vst v63  }
0x83: {  	s14 =	sadd.s32 $0x30, s14;
	s15 =	simm.s32 $0xDD00  }
0x84: {  	[hbm4b:s14+s3] =	stream.linear.scatter [tilespmem:s15], [sflag:$0x9], $0x80, $0x38;
	[tilespmem:$0x10000] =	vst v63  }
0x85: {  	s16 =	rddreg [dreg:$0x14];
	s17 =	simm.s32 $0xD180  }
0x86: {  	[hbm4b:s16+s3] =	stream.linear.scatter [tilespmem:s17], [sflag:$0x9], $0x80, $0x38;
	[tilespmem:$0x10000] =	vst v63  }
0x87: {  	s18 =	sadd.s32 $0x10, s16;
	s26 =	simm.s32 $0xD580  }
0x88: {  	[hbm4b:s18+s3] =	stream.linear.scatter [tilespmem:s26], [sflag:$0x9], $0x80, $0x38;
	[tilespmem:$0x10000] =	vst v63  }
0x89: {  	s14 =	sadd.s32 $0x20, s16;
	s15 =	simm.s32 $0xD980  }
0x8a: {  	[hbm4b:s14+s3] =	stream.linear.scatter [tilespmem:s15], [sflag:$0x9], $0x80, $0x38;
	[tilespmem:$0x10000] =	vst v63  }
0x8b: {  	s16 =	sadd.s32 $0x30, s16;
	s17 =	simm.s32 $0xDD80  }
0x8c: {  	[hbm4b:s16+s3] =	stream.linear.scatter [tilespmem:s17], [sflag:$0x9], $0x80, $0x38;
	[tilespmem:$0x10000] =	vst v63  }
0x8d: {  	s18 =	rddreg [dreg:$0x15];
	s26 =	simm.s32 $0xD200  }
0x8e: {  	[hbm4b:s18+s3] =	stream.linear.scatter [tilespmem:s26], [sflag:$0x9], $0x80, $0x38;
	[tilespmem:$0x10000] =	vst v63  }
0x8f: {  	s13 =	sadd.s32 $0x10, s18;
	s14 =	simm.s32 $0xD600  }
0x90: {  	[hbm4b:s13+s3] =	stream.linear.scatter [tilespmem:s14], [sflag:$0x9], $0x80, $0x38;
	[tilespmem:$0x10000] =	vst v63  }
0x91: {  	s15 =	sadd.s32 $0x20, s18;
	s16 =	simm.s32 $0xDA00  }
0x92: {  	[hbm4b:s15+s3] =	stream.linear.scatter [tilespmem:s16], [sflag:$0x9], $0x80, $0x38;
	[tilespmem:$0x10000] =	vst v63  }
0x93: {  	s17 =	sadd.s32 $0x30, s18;
	s18 =	simm.s32 $0xDE00  }
0x94: {  	[hbm4b:s17+s3] =	stream.linear.scatter [tilespmem:s18], [sflag:$0x9], $0x80, $0x38;
	[tilespmem:$0x10000] =	vst v63  }
0x95: {  	s26 =	rddreg [dreg:$0x19];
	s13 =	simm.s32 $0xD280  }
0x96: {  	[hbm4b:s26+s3] =	stream.linear.scatter [tilespmem:s13], [sflag:$0x9], $0x80, $0x38;
	[tilespmem:$0x10000] =	vst v63  }
0x97: {  	s14 =	sadd.s32 $0x10, s26;
	s15 =	simm.s32 $0xD680  }
0x98: {  	[hbm4b:s14+s3] =	stream.linear.scatter [tilespmem:s15], [sflag:$0x9], $0x80, $0x38;
	[tilespmem:$0x10000] =	vst v63  }
0x99: {  	s16 =	sadd.s32 $0x20, s26;
	s17 =	simm.s32 $0xDA80  }
0x9a: {  	[hbm4b:s16+s3] =	stream.linear.scatter [tilespmem:s17], [sflag:$0x9], $0x80, $0x38;
	[tilespmem:$0x10000] =	vst v63  }
0x9b: {  	s18 =	sadd.s32 $0x30, s26;
	s26 =	simm.s32 $0xDE80  }
0x9c: {  	[hbm4b:s18+s3] =	stream.linear.scatter [tilespmem:s26], [sflag:$0x9], $0x80, $0x38;
	[tilespmem:$0x10000] =	vst v63  }
0x9d: {  	s13 =	simm.s32 $0xD300  }
0x9e: {  	[hbm4b:s28+s3] =	stream.linear.scatter [tilespmem:s13], [sflag:$0x9], $0x80, $0x38;
	[tilespmem:$0x10000] =	vst v63  }
0x9f: {  	s14 =	sadd.s32 $0x10, s28;
	s15 =	simm.s32 $0xD700  }
0xa0: {  	[hbm4b:s14+s3] =	stream.linear.scatter [tilespmem:s15], [sflag:$0x9], $0x80, $0x38;
	[tilespmem:$0x10000] =	vst v63  }
0xa1: {  	s16 =	sadd.s32 $0x20, s28;
	s17 =	simm.s32 $0xDB00  }
0xa2: {  	[hbm4b:s16+s3] =	stream.linear.scatter [tilespmem:s17], [sflag:$0x9], $0x80, $0x38;
	[tilespmem:$0x10000] =	vst v63  }
0xa3: {  	s18 =	sadd.s32 $0x30, s28;
	s26 =	simm.s32 $0xDF00  }
0xa4: {  	[hbm4b:s18+s3] =	stream.linear.scatter [tilespmem:s26], [sflag:$0x9], $0x80, $0x38;
	[tilespmem:$0x10000] =	vst v63  }
0xa5: {  	s13 =	simm.s32 $0xD380  }
0xa6: {  	[hbm4b:s29+s3] =	stream.linear.scatter [tilespmem:s13], [sflag:$0x9], $0x80, $0x38;
	[tilespmem:$0x10000] =	vst v63  }
0xa7: {  	s14 =	sadd.s32 $0x10, s29;
	s15 =	simm.s32 $0xD780  }
0xa8: {  	[hbm4b:s14+s3] =	stream.linear.scatter [tilespmem:s15], [sflag:$0x9], $0x80, $0x38;
	[tilespmem:$0x10000] =	vst v63  }
0xa9: {  	s16 =	sadd.s32 $0x20, s29;
	s17 =	simm.s32 $0xDB80  }
0xaa: {  	[hbm4b:s16+s3] =	stream.linear.scatter [tilespmem:s17], [sflag:$0x9], $0x80, $0x38;
	[tilespmem:$0x10000] =	vst v63  }
0xab: {  	s18 =	sadd.s32 $0x30, s29;
	s26 =	simm.s32 $0xDF80  }
0xac: {  	[hbm4b:s18+s3] =	stream.linear.scatter [tilespmem:s26], [sflag:$0x9], $0x80, $0x38;
	[tilespmem:$0x10000] =	vst v63  }
0xad: {  	s13 =	simm.s32 $0xE000  }
0xae: {  	[hbm4b:s30+s3] =	stream.linear.scatter [tilespmem:s13], [sflag:$0x9], $0x80, $0x38;
	[tilespmem:$0x10000] =	vst v63  }
0xaf: {  	s14 =	sadd.s32 $0x10, s30;
	s15 =	simm.s32 $0xE400  }
0xb0: {  	[hbm4b:s14+s3] =	stream.linear.scatter [tilespmem:s15], [sflag:$0x9], $0x80, $0x38;
	[tilespmem:$0x10000] =	vst v63  }
0xb1: {  	s16 =	sadd.s32 $0x20, s30;
	s17 =	simm.s32 $0xE800  }
0xb2: {  	[hbm4b:s16+s3] =	stream.linear.scatter [tilespmem:s17], [sflag:$0x9], $0x80, $0x38;
	[tilespmem:$0x10000] =	vst v63  }
0xb3: {  	s18 =	sadd.s32 $0x30, s30;
	s26 =	simm.s32 $0xEC00  }
0xb4: {  	[hbm4b:s18+s3] =	stream.linear.scatter [tilespmem:s26], [sflag:$0x9], $0x80, $0x38;
	[tilespmem:$0x10000] =	vst v63  }
0xb5: {  	s13 =	simm.s32 $0xE080  }
0xb6: {  	[hbm4b:s31+s3] =	stream.linear.scatter [tilespmem:s13], [sflag:$0x9], $0x80, $0x38;
	[tilespmem:$0x10000] =	vst v63  }
0xb7: {  	s14 =	sadd.s32 $0x10, s31;
	s15 =	simm.s32 $0xE480  }
0xb8: {  	[hbm4b:s14+s3] =	stream.linear.scatter [tilespmem:s15], [sflag:$0x9], $0x80, $0x38;
	[tilespmem:$0x10000] =	vst v63  }
0xb9: {  	s16 =	sadd.s32 $0x20, s31;
	s17 =	simm.s32 $0xE880  }
0xba: {  	[hbm4b:s16+s3] =	stream.linear.scatter [tilespmem:s17], [sflag:$0x9], $0x80, $0x38;
	[tilespmem:$0x10000] =	vst v63  }
0xbb: {  	s18 =	sadd.s32 $0x30, s31;
	s26 =	simm.s32 $0xEC80  }
0xbc: {  	[hbm4b:s18+s3] =	stream.linear.scatter [tilespmem:s26], [sflag:$0x9], $0x80, $0x38;
	[tilespmem:$0x10000] =	vst v63  }
0xbd: {  	s13 =	simm.s32 $0xE100  }
0xbe: {  	[hbm4b:s2+s3] =	stream.linear.scatter [tilespmem:s13], [sflag:$0x9], $0x80, $0x38;
	[tilespmem:$0x10000] =	vst v63  }
0xbf: {  	s14 =	sadd.s32 $0x10, s2;
	s15 =	simm.s32 $0xE500  }
0xc0: {  	[hbm4b:s14+s3] =	stream.linear.scatter [tilespmem:s15], [sflag:$0x9], $0x80, $0x38;
	[tilespmem:$0x10000] =	vst v63  }
0xc1: {  	s16 =	sadd.s32 $0x20, s2;
	s17 =	simm.s32 $0xE900  }
0xc2: {  	[hbm4b:s16+s3] =	stream.linear.scatter [tilespmem:s17], [sflag:$0x9], $0x80, $0x38;
	[tilespmem:$0x10000] =	vst v63  }
0xc3: {  	s18 =	sadd.s32 $0x30, s2;
	s26 =	simm.s32 $0xED00  }
0xc4: {  	[hbm4b:s18+s3] =	stream.linear.scatter [tilespmem:s26], [sflag:$0x9], $0x80, $0x38;
	[tilespmem:$0x10000] =	vst v63  }
0xc5: {  	s13 =	simm.s32 $0xE180  }
0xc6: {  	[hbm4b:s0+s3] =	stream.linear.scatter [tilespmem:s13], [sflag:$0x9], $0x80, $0x38;
	[tilespmem:$0x10000] =	vst v63  }
0xc7: {  	s14 =	sadd.s32 $0x10, s0;
	s15 =	simm.s32 $0xE580  }
0xc8: {  	[hbm4b:s14+s3] =	stream.linear.scatter [tilespmem:s15], [sflag:$0x9], $0x80, $0x38;
	[tilespmem:$0x10000] =	vst v63  }
0xc9: {  	s16 =	sadd.s32 $0x20, s0;
	s17 =	simm.s32 $0xE980  }
0xca: {  	[hbm4b:s16+s3] =	stream.linear.scatter [tilespmem:s17], [sflag:$0x9], $0x80, $0x38;
	[tilespmem:$0x10000] =	vst v63  }
0xcb: {  	s18 =	sadd.s32 $0x30, s0;
	s26 =	simm.s32 $0xED80  }
0xcc: {  	[hbm4b:s18+s3] =	stream.linear.scatter [tilespmem:s26], [sflag:$0x9], $0x80, $0x38;
	[tilespmem:$0x10000] =	vst v63  }
0xcd: {  	s13 =	simm.s32 $0xE200  }
0xce: {  	[hbm4b:s1+s3] =	stream.linear.scatter [tilespmem:s13], [sflag:$0x9], $0x80, $0x38;
	[tilespmem:$0x10000] =	vst v63  }
0xcf: {  	s14 =	sadd.s32 $0x10, s1;
	s15 =	simm.s32 $0xE600  }
0xd0: {  	[hbm4b:s14+s3] =	stream.linear.scatter [tilespmem:s15], [sflag:$0x9], $0x80, $0x38;
	[tilespmem:$0x10000] =	vst v63  }
0xd1: {  	s16 =	sadd.s32 $0x20, s1;
	s17 =	simm.s32 $0xEA00  }
0xd2: {  	[hbm4b:s16+s3] =	stream.linear.scatter [tilespmem:s17], [sflag:$0x9], $0x80, $0x38;
	[tilespmem:$0x10000] =	vst v63  }
0xd3: {  	s18 =	sadd.s32 $0x30, s1;
	s26 =	simm.s32 $0xEE00  }
0xd4: {  	[hbm4b:s18+s3] =	stream.linear.scatter [tilespmem:s26], [sflag:$0x9], $0x80, $0x38;
	[tilespmem:$0x10000] =	vst v63  }
0xd5: {  	s13 =	simm.s32 $0xE280  }
0xd6: {  	[hbm4b:s19+s3] =	stream.linear.scatter [tilespmem:s13], [sflag:$0x9], $0x80, $0x38;
	[tilespmem:$0x10000] =	vst v63  }
0xd7: {  	s14 =	sadd.s32 $0x10, s19;
	s15 =	simm.s32 $0xE680  }
0xd8: {  	[hbm4b:s14+s3] =	stream.linear.scatter [tilespmem:s15], [sflag:$0x9], $0x80, $0x38;
	[tilespmem:$0x10000] =	vst v63  }
0xd9: {  	s16 =	sadd.s32 $0x20, s19;
	s17 =	simm.s32 $0xEA80  }
0xda: {  	[hbm4b:s16+s3] =	stream.linear.scatter [tilespmem:s17], [sflag:$0x9], $0x80, $0x38;
	[tilespmem:$0x10000] =	vst v63  }
0xdb: {  	s18 =	sadd.s32 $0x30, s19;
	s26 =	simm.s32 $0xEE80  }
0xdc: {  	[hbm4b:s18+s3] =	stream.linear.scatter [tilespmem:s26], [sflag:$0x9], $0x80, $0x38;
	[tilespmem:$0x10000] =	vst v63  }
0xdd: {  	s13 =	simm.s32 $0xE300  }
0xde: {  	[hbm4b:s5+s3] =	stream.linear.scatter [tilespmem:s13], [sflag:$0x9], $0x80, $0x38;
	[tilespmem:$0x10000] =	vst v63  }
0xdf: {  	s14 =	sadd.s32 $0x10, s5;
	s15 =	simm.s32 $0xE700  }
0xe0: {  	[hbm4b:s14+s3] =	stream.linear.scatter [tilespmem:s15], [sflag:$0x9], $0x80, $0x38;
	[tilespmem:$0x10000] =	vst v63  }
0xe1: {  	s16 =	sadd.s32 $0x20, s5;
	s17 =	simm.s32 $0xEB00  }
0xe2: {  	[hbm4b:s16+s3] =	stream.linear.scatter [tilespmem:s17], [sflag:$0x9], $0x80, $0x38;
	[tilespmem:$0x10000] =	vst v63  }
0xe3: {  	s18 =	sadd.s32 $0x30, s5;
	s26 =	simm.s32 $0xEF00  }
0xe4: {  	[hbm4b:s18+s3] =	stream.linear.scatter [tilespmem:s26], [sflag:$0x9], $0x80, $0x38;
	[tilespmem:$0x10000] =	vst v63  }
0xe5: {  	s13 =	simm.s32 $0xE380  }
0xe6: {  	[hbm4b:s6+s3] =	stream.linear.scatter [tilespmem:s13], [sflag:$0x9], $0x80, $0x38;
	[tilespmem:$0x10000] =	vst v63  }
0xe7: {  	s14 =	sadd.s32 $0x10, s6;
	s15 =	simm.s32 $0xE780  }
0xe8: {  	[hbm4b:s14+s3] =	stream.linear.scatter [tilespmem:s15], [sflag:$0x9], $0x80, $0x38;
	[tilespmem:$0x10000] =	vst v63  }
0xe9: {  	s16 =	sadd.s32 $0x20, s6;
	s17 =	simm.s32 $0xEB80  }
0xea: {  	[hbm4b:s16+s3] =	stream.linear.scatter [tilespmem:s17], [sflag:$0x9], $0x80, $0x38;
	[tilespmem:$0x10000] =	vst v63  }
0xeb: {  	s18 =	sadd.s32 $0x30, s6;
	s26 =	simm.s32 $0xEF80  }
0xec: {  	[hbm4b:s18+s3] =	stream.linear.scatter [tilespmem:s26], [sflag:$0x9], $0x80, $0x38;
	[tilespmem:$0x10000] =	vst v63  }
0xed: {  	s13 =	simm.s32 $0xF000  }
0xee: {  	[hbm4b:s8+s3] =	stream.linear.scatter [tilespmem:s13], [sflag:$0x9], $0x80, $0x38;
	[tilespmem:$0x10000] =	vst v63  }
0xef: {  	s14 =	sadd.s32 $0x10, s8;
	s15 =	simm.s32 $0xF400  }
0xf0: {  	[hbm4b:s14+s3] =	stream.linear.scatter [tilespmem:s15], [sflag:$0x9], $0x80, $0x38;
	[tilespmem:$0x10000] =	vst v63  }
0xf1: {  	s16 =	sadd.s32 $0x20, s8;
	s17 =	simm.s32 $0xF800  }
0xf2: {  	[hbm4b:s16+s3] =	stream.linear.scatter [tilespmem:s17], [sflag:$0x9], $0x80, $0x38;
	[tilespmem:$0x10000] =	vst v63  }
0xf3: {  	s18 =	sadd.s32 $0x30, s8;
	s26 =	simm.s32 $0xFC00  }
0xf4: {  	[hbm4b:s18+s3] =	stream.linear.scatter [tilespmem:s26], [sflag:$0x9], $0x80, $0x38;
	[tilespmem:$0x10000] =	vst v63  }
0xf5: {  	s13 =	simm.s32 $0xF080  }
0xf6: {  	[hbm4b:s24+s3] =	stream.linear.scatter [tilespmem:s13], [sflag:$0x9], $0x80, $0x38;
	[tilespmem:$0x10000] =	vst v63  }
0xf7: {  	s14 =	sadd.s32 $0x10, s24;
	s15 =	simm.s32 $0xF480  }
0xf8: {  	[hbm4b:s14+s3] =	stream.linear.scatter [tilespmem:s15], [sflag:$0x9], $0x80, $0x38;
	[tilespmem:$0x10000] =	vst v63  }
0xf9: {  	s16 =	sadd.s32 $0x20, s24;
	s17 =	simm.s32 $0xF880  }
0xfa: {  	[hbm4b:s16+s3] =	stream.linear.scatter [tilespmem:s17], [sflag:$0x9], $0x80, $0x38;
	[tilespmem:$0x10000] =	vst v63  }
0xfb: {  	s18 =	sadd.s32 $0x30, s24;
	s26 =	simm.s32 $0xFC80  }
0xfc: {  	[hbm4b:s18+s3] =	stream.linear.scatter [tilespmem:s26], [sflag:$0x9], $0x80, $0x38;
	[tilespmem:$0x10000] =	vst v63  }
0xfd: {  	_ =	swait.ge [sflag:s23], $0x200  }
0xfe: {  	[sflag:s23] =	ssyncset.done $0x0  }
0xff: {  	[sflag:s23] =	ssyncadd.s32 $0xFFFFFE00  }
0x100: {  	_ =	swait.ge [sflag:s23], $0x200  }
0x101: {  	[sflag:s23] =	ssyncset.done $0x0  }
0x102: {  	[sflag:s23] =	ssyncadd.s32 $0xFFFFFE00  }
0x103: {  	_ =	swait.ge [sflag:s23], $0x200  }
0x104: {  	[sflag:s23] =	ssyncset.done $0x0  }
0x105: {  	[sflag:s23] =	ssyncadd.s32 $0xFFFFFE00  }
0x106: {  	_ =	swait.ge [sflag:s23], $0x200  }
0x107: {  	[sflag:s23] =	ssyncset.done $0x0  }
0x108: {  	[sflag:s23] =	ssyncadd.s32 $0xFFFFFE00  }
0x109: {  	_ =	swait.ge [sflag:s23], $0x200  }
0x10a: {  	[sflag:s23] =	ssyncset.done $0x0  }
0x10b: {  	[sflag:s23] =	ssyncadd.s32 $0xFFFFFE00  }
0x10c: {  	_ =	swait.ge [sflag:s23], $0x200  }
0x10d: {  	[sflag:s23] =	ssyncset.done $0x0  }
0x10e: {  	[sflag:s23] =	ssyncadd.s32 $0xFFFFFE00  }
0x10f: {  	_ =	swait.ge [sflag:s23], $0x200  }
0x110: {  	[sflag:s23] =	ssyncset.done $0x0  }
0x111: {  	[sflag:s23] =	ssyncadd.s32 $0xFFFFFE00  }
0x112: {  	_ =	swait.ge [sflag:s23], $0x200  }
0x113: {  	[sflag:s23] =	ssyncset.done $0x0  }
0x114: {  	[sflag:s23] =	ssyncadd.s32 $0xFFFFFE00  }
0x115: {  	_ =	swait.ge [sflag:s23], $0x200  }
0x116: {  	[sflag:s23] =	ssyncset.done $0x0  }
0x117: {  	[sflag:s23] =	ssyncadd.s32 $0xFFFFFE00  }
0x118: {  	_ =	swait.ge [sflag:s23], $0x200  }
0x119: {  	[sflag:s23] =	ssyncset.done $0x0  }
0x11a: {  	[sflag:s23] =	ssyncadd.s32 $0xFFFFFE00  }
0x11b: {  	_ =	swait.ge [sflag:s23], $0x200  }
0x11c: {  	[sflag:s23] =	ssyncset.done $0x0  }
0x11d: {  	[sflag:s23] =	ssyncadd.s32 $0xFFFFFE00  }
0x11e: {  	_ =	swait.ge [sflag:s23], $0x200  }
0x11f: {  	[sflag:s23] =	ssyncset.done $0x0  }
0x120: {  	[sflag:s23] =	ssyncadd.s32 $0xFFFFFE00  }
0x121: {  	_ =	swait.ge [sflag:s23], $0x200  }
0x122: {  	[sflag:s23] =	ssyncset.done $0x0  }
0x123: {  	[sflag:s23] =	ssyncadd.s32 $0xFFFFFE00  }
0x124: {  	_ =	swait.ge [sflag:s23], $0x200  }
0x125: {  	[sflag:s23] =	ssyncset.done $0x0  }
0x126: {  	[sflag:s23] =	ssyncadd.s32 $0xFFFFFE00  }
0x127: {  	_ =	swait.ge [sflag:s23], $0x200  }
0x128: {  	[sflag:s23] =	ssyncset.done $0x0  }
0x129: {  	[sflag:s23] =	ssyncadd.s32 $0xFFFFFE00  }
0x12a: {  	_ =	swait.ge [sflag:s23], $0x200  }
0x12b: {  	[sflag:s23] =	ssyncset.done $0x0  }
0x12c: {  	[sflag:s23] =	ssyncadd.s32 $0xFFFFFE00  }
0x12d: {  	_ =	swait.ge [sflag:s23], $0x200  }
0x12e: {  	[sflag:s23] =	ssyncset.done $0x0  }
0x12f: {  	[sflag:s23] =	ssyncadd.s32 $0xFFFFFE00  }
0x130: {  	_ =	swait.ge [sflag:s23], $0x200  }
0x131: {  	[sflag:s23] =	ssyncset.done $0x0  }
0x132: {  	[sflag:s23] =	ssyncadd.s32 $0xFFFFFE00  }
0x133: {  	_ =	swait.ge [sflag:s23], $0x200  }
0x134: {  	[sflag:s23] =	ssyncset.done $0x0  }
0x135: {  	[sflag:s23] =	ssyncadd.s32 $0xFFFFFE00  }
0x136: {  	_ =	swait.ge [sflag:s23], $0x200  }
0x137: {  	[sflag:s23] =	ssyncset.done $0x0  }
0x138: {  	[sflag:s23] =	ssyncadd.s32 $0xFFFFFE00  }
0x139: {  	_ =	swait.ge [sflag:s23], $0x200  }
0x13a: {  	[sflag:s23] =	ssyncset.done $0x0  }
0x13b: {  	[sflag:s23] =	ssyncadd.s32 $0xFFFFFE00  }
0x13c: {  	_ =	swait.ge [sflag:s23], $0x200  }
0x13d: {  	[sflag:s23] =	ssyncset.done $0x0  }
0x13e: {  	[sflag:s23] =	ssyncadd.s32 $0xFFFFFE00  }
0x13f: {  	_ =	swait.ge [sflag:s23], $0x200  }
0x140: {  	[sflag:s23] =	ssyncset.done $0x0  }
0x141: {  	[sflag:s23] =	ssyncadd.s32 $0xFFFFFE00  }
0x142: {  	_ =	swait.ge [sflag:s23], $0x200  }
0x143: {  	[sflag:s23] =	ssyncset.done $0x0  }
0x144: {  	[sflag:s23] =	ssyncadd.s32 $0xFFFFFE00  }
0x145: {  	_ =	swait.ge [sflag:s23], $0x200  }
0x146: {  	[sflag:s23] =	ssyncset.done $0x0  }
0x147: {  	[sflag:s23] =	ssyncadd.s32 $0xFFFFFE00  }
0x148: {  	_ =	swait.ge [sflag:s23], $0x200  }
0x149: {  	s20 =	simm.s32 $0x400;
	s21 =	simm.s32 $0x7A1400;
	[sflag:s23] =	ssyncset.done $0x0  }
0x14a: {  	s11 =	simm.s32 $0x0;
	s12 =	simm.s32 $0x0;
	[sflag:s23] =	ssyncadd.s32 $0xFFFFFE00  }
.LBB2_2:
0x14b: {  	s13 =	sand.u32 $0x3, s12  }
0x14c: {  	p2 =	sgt.u32 s12, $0xF0;
	s14 =	sadd.s32 $0x1, s13  }
0x14d: {  	s15 =	sadd.s32 @!p2 $0x3, s12;
	s17 =	simm.s32 @!p2 $0x400;
	_ =	swait.ge [sflag:s14], $0x1000  }
0x14e: {  	s18 =	simm.s32 @!p2 $0x7A1400;
	p3 =	slt.u32 @!p2 s12, $0x4;
	[sflag:s14] =	ssyncset.done $0x0  }
0x14f: {  	[sflag:s14] =	ssyncadd.s32 $0xFFFFF000;
	s14 =	sand.u32 @!p2 $0x3, s15;
	s15 =	sshll.u32 @!p2 s15, $0xC  }
0x150: {  	s16 =	sshll.u32 @!p2 s14, $0xC;
	s14 =	sadd.s32 @!p2 $0x1, s14;
	s15 =	sadd.s32 @!p2 s15, s4  }
0x151: {  	[tilespmem:s16], [sflag:s14] =	stream.strided.gather @!p2 [hbm4b:s15+s17], $0x1000, s18, s17, $0x38;
	[tilespmem:$0x10000] =	vst v63  }
0x152: {  	p2 =	por p2, !p3;
	s14 =	sadd.s32 $0x5, s13;
	s18 =	sshll.u32 s13, $0x5  }
0x153: {  	s26 =	sand.u32 $0x3, s11;
	_ =	swait.ge @p2 [sflag:s14], $0x1000;
	v11 =	vmov s18  }
0x154: {  	s17 =	sshll.u32 s26, $0xC;
	s18 =	simm.s32 $0x7;
	[sflag:s14] =	ssyncset.done @p2 $0x0;
	v13 =	vshll.u32 v11, $0x8  }
0x155: {  	s26 =	simm.s32 $0x0;
	s15 =	sor.u32 $0x200, s17;
	v26 =	vor.u32 s18, v3;
	[sflag:s14] =	ssyncadd.s32 @p2 $0xFFFFF000;
	v18 =	vor.u32 v0, v13  }
0x156: {  	v19 =	vor.u32 s26, v3;
	s17 =	simm.s32 $0x1;
	v11 =	vld [tilespmem:s15+$0x180];
	v12 =	vor.u32 v18, v26  }
0x157: {  	v22 =	vor.u32 s17, v3;
	s18 =	simm.s32 $0x2;
	v14 =	vld [tilespmem:s15+$0xFFFFFE00];
	v15 =	vor.u32 v18, v19  }
0x158: {  	s26 =	simm.s32 $0x3;
	v20 =	vor.u32 s18, v3;
	v16 =	vld [tilespmem:s15+$0xFFFFFE80];
	v25 =	vor.u32 v18, v22  }
0x159: {  	v21 =	vor.u32 s26, v3;
	s17 =	simm.s32 $0x4;
	v27 =	vld [tilespmem:s15+$0xFFFFFF00];
	v28 =	vor.u32 v18, v20  }
0x15a: {  	v23 =	vor.u32 s17, v3;
	s18 =	simm.s32 $0x5;
	v29 =	vld [tilespmem:s15+$0xFFFFFF80];
	v30 =	vor.u32 v18, v21  }
0x15b: {  	v31 =	vld [tilespmem:s15+$0x0];
	v32 =	vor.u32 v18, v23;
	v24 =	vor.u32 s18, v3;
	[tilespmem:v12+s9+$0x0] =	vst.idx.msk $0xffff, v11  }
0x15c: {  	s26 =	simm.s32 $0x6;
	v17 =	vor.u32 v2, v13;
	[tilespmem:v15+s9+$0x0] =	vst.idx.msk $0xffff, v14;
	v14 =	vld [tilespmem:s15+$0x80];
	v15 =	vor.u32 v18, v24  }
0x15d: {  	v12 =	vor.u32 v17, v26;
	[tilespmem:v25+s9+$0x0] =	vst.idx.msk $0xffff, v16;
	v25 =	vor.u32 s26, v3;
	v11 =	vld [tilespmem:s15+$0x190]  }
0x15e: {  	[tilespmem:v28+s9+$0x0] =	vst.idx.msk $0xffff, v27;
	v27 =	vld [tilespmem:s15+$0x100];
	v28 =	vor.u32 v18, v25  }
0x15f: {  	[tilespmem:v30+s9+$0x0] =	vst.idx.msk $0xffff, v29;
	v30 =	vor.u32 v17, v20;
	v29 =	vld [tilespmem:s15+$0xFFFFFF10]  }
0x160: {  	v34 =	vor.u32 v17, v22;
	v16 =	vor.u32 $0x800, v13;
	[tilespmem:v32+s9+$0x0] =	vst.idx.msk $0xffff, v31;
	v33 =	vld [tilespmem:s15+$0xFFFFFE90]  }
0x161: {  	v50 =	vor.u32 v17, v21;
	v16 =	vand.u32 $0x6800, v16;
	v31 =	vld [tilespmem:s15+$0xFFFFFF90];
	[tilespmem:v15+s9+$0x0] =	vst.idx.msk $0xffff, v14  }
0x162: {  	v35 =	vor.u32 v17, v23;
	v16 =	vor.u32 v0, v16;
	v14 =	vld [tilespmem:s15+$0x10];
	[tilespmem:v12+s9+$0x0] =	vst.idx.msk $0xffff, v11  }
0x163: {  	v12 =	vor.u32 v16, v26;
	[tilespmem:v28+s9+$0x0] =	vst.idx.msk $0xffff, v27;
	v11 =	vld [tilespmem:s15+$0x1A0]  }
0x164: {  	[tilespmem:v30+s9+$0x0] =	vst.idx.msk $0xffff, v29;
	v30 =	vor.u32 v17, v25;
	v29 =	vld [tilespmem:s15+$0x110]  }
0x165: {  	v52 =	vor.u32 v17, v19;
	v51 =	vld [tilespmem:s15+$0xFFFFFE10];
	[tilespmem:v34+s9+$0x0] =	vst.idx.msk $0xffff, v33  }
0x166: {  	v27 =	vld [tilespmem:s15+$0x90];
	v28 =	vor.u32 v17, v24;
	[tilespmem:v50+s9+$0x0] =	vst.idx.msk $0xffff, v31  }
0x167: {  	v53 =	vor.u32 v16, v22;
	v15 =	vor.u32 $0xC00, v13;
	v31 =	vld [tilespmem:s15+$0xFFFFFEA0];
	[tilespmem:v35+s9+$0x0] =	vst.idx.msk $0xffff, v14  }
0x168: {  	v36 =	vor.u32 v16, v20;
	v15 =	vand.u32 $0x6800, v15;
	v54 =	vld [tilespmem:s15+$0xFFFFFF20];
	[tilespmem:v12+s9+$0x0] =	vst.idx.msk $0xffff, v11  }
0x169: {  	v15 =	vor.u32 v2, v15;
	[tilespmem:v30+s9+$0x0] =	vst.idx.msk $0xffff, v29;
	v29 =	vld [tilespmem:s15+$0x20];
	v30 =	vor.u32 v16, v23  }
0x16a: {  	[tilespmem:v52+s9+$0x0] =	vst.idx.msk $0xffff, v51;
	v12 =	vor.u32 v15, v26;
	v11 =	vld [tilespmem:s15+$0x1B0]  }
0x16b: {  	v37 =	vor.u32 v16, v19;
	v59 =	vld [tilespmem:s15+$0xFFFFFE20];
	[tilespmem:v28+s9+$0x0] =	vst.idx.msk $0xffff, v27  }
0x16c: {  	v27 =	vld [tilespmem:s15+$0xFFFFFFA0];
	v28 =	vor.u32 v16, v21;
	[tilespmem:v53+s9+$0x0] =	vst.idx.msk $0xffff, v31  }
0x16d: {  	v55 =	vor.u32 v16, v24;
	v14 =	vor.u32 $0x1000, v13;
	v31 =	vld [tilespmem:s15+$0xA0];
	[tilespmem:v36+s9+$0x0] =	vst.idx.msk $0xffff, v54  }
0x16e: {  	v57 =	vor.u32 v16, v25;
	v14 =	vand.u32 $0x7000, v14;
	v56 =	vld [tilespmem:s15+$0x120];
	[tilespmem:v30+s9+$0x0] =	vst.idx.msk $0xffff, v29  }
0x16f: {  	v14 =	vor.u32 v0, v14;
	v29 =	vld [tilespmem:s15+$0xFFFFFF30];
	v30 =	vor.u32 v15, v20;
	[tilespmem:v12+s9+$0x0] =	vst.idx.msk $0xffff, v11  }
0x170: {  	[tilespmem:v37+s9+$0x0] =	vst.idx.msk $0xffff, v59;
	v58 =	vor.u32 v14, v26;
	v12 =	vld [tilespmem:s15+$0x1C0]  }
0x171: {  	v38 =	vor.u32 v15, v19;
	v37 =	vld [tilespmem:s15+$0xFFFFFE30];
	[tilespmem:v28+s9+$0x0] =	vst.idx.msk $0xffff, v27  }
0x172: {  	v27 =	vld [tilespmem:s15+$0xFFFFFEB0];
	v28 =	vor.u32 v15, v22;
	[tilespmem:v55+s9+$0x0] =	vst.idx.msk $0xffff, v31  }
0x173: {  	v60 =	vor.u32 v15, v21;
	v31 =	vld [tilespmem:s15+$0xFFFFFFB0];
	v11 =	vor.u32 $0x1400, v13;
	[tilespmem:v57+s9+$0x0] =	vst.idx.msk $0xffff, v56  }
0x174: {  	v62 =	vor.u32 v15, v23;
	v61 =	vld [tilespmem:s15+$0x30];
	v11 =	vand.u32 $0x7000, v11;
	[tilespmem:v30+s9+$0x0] =	vst.idx.msk $0xffff, v29  }
0x175: {  	v11 =	vor.u32 v2, v11;
	v29 =	vld [tilespmem:s15+$0x130];
	v30 =	vor.u32 v15, v25;
	[tilespmem:v58+s9+$0x0] =	vst.idx.msk $0xffff, v12  }
0x176: {  	[tilespmem:v38+s9+$0x0] =	vst.idx.msk $0xffff, v37;
	v63 =	vor.u32 v11, v26;
	v35 =	vld [tilespmem:s15+$0x1D0]  }
0x177: {  	[tilespmem:v28+s9+$0x0] =	vst.idx.msk $0xffff, v27;
	v27 =	vld [tilespmem:s15+$0xB0];
	v28 =	vor.u32 v15, v24  }
0x178: {  	v48 =	vor.u32 v14, v19;
	v37 =	vld [tilespmem:s15+$0xFFFFFE40];
	[tilespmem:v60+s9+$0x0] =	vst.idx.msk $0xffff, v31  }
0x179: {  	v40 =	vor.u32 v14, v22;
	v31 =	vld [tilespmem:s15+$0xFFFFFEC0];
	[tilespmem:v62+s9+$0x0] =	vst.idx.msk $0xffff, v61;
	v12 =	vor.u32 $0x1800, v13  }
0x17a: {  	v42 =	vor.u32 v14, v20;
	v41 =	vld [tilespmem:s15+$0xFFFFFF40];
	v12 =	vand.u32 $0x7800, v12;
	[tilespmem:v30+s9+$0x0] =	vst.idx.msk $0xffff, v29  }
0x17b: {  	v12 =	vor.u32 v0, v12;
	v29 =	vld [tilespmem:s15+$0x40];
	v30 =	vor.u32 v14, v23;
	[tilespmem:v63+s9+$0x0] =	vst.idx.msk $0xffff, v35  }
0x17c: {  	[tilespmem:v28+s9+$0x0] =	vst.idx.msk $0xffff, v27;
	v28 =	vor.u32 v12, v26;
	v27 =	vld [tilespmem:s15+$0x1E0]  }
0x17d: {  	v44 =	vor.u32 v14, v21;
	v43 =	vld [tilespmem:s15+$0xFFFFFFC0];
	[tilespmem:v48+s9+$0x0] =	vst.idx.msk $0xffff, v37  }
0x17e: {  	v45 =	vor.u32 v14, v24;
	[tilespmem:v40+s9+$0x0] =	vst.idx.msk $0xffff, v31;
	v31 =	vld [tilespmem:s15+$0xC0]  }
0x17f: {  	v47 =	vor.u32 v14, v25;
	v13 =	vor.u32 $0x1C00, v13;
	[tilespmem:v42+s9+$0x0] =	vst.idx.msk $0xffff, v41;
	v46 =	vld [tilespmem:s15+$0x140]  }
0x180: {  	v13 =	vand.u32 $0x7800, v13;
	[tilespmem:v30+s9+$0x0] =	vst.idx.msk $0xffff, v29;
	v29 =	vld [tilespmem:s15+$0xFFFFFF50];
	v30 =	vor.u32 v11, v20  }
0x181: {  	v49 =	vor.u32 v11, v22;
	v13 =	vor.u32 v2, v13;
	[tilespmem:v28+s9+$0x0] =	vst.idx.msk $0xffff, v27;
	v28 =	vld [tilespmem:s15+$0xFFFFFED0]  }
0x182: {  	v26 =	vor.u32 v13, v26;
	[tilespmem:v44+s9+$0x0] =	vst.idx.msk $0xffff, v43;
	v27 =	vld [tilespmem:s15+$0x1F0]  }
0x183: {  	v50 =	vor.u32 v11, v21;
	[tilespmem:v45+s9+$0x0] =	vst.idx.msk $0xffff, v31;
	v31 =	vld [tilespmem:s15+$0xFFFFFFD0]  }
0x184: {  	v52 =	vor.u32 v11, v23;
	[tilespmem:v47+s9+$0x0] =	vst.idx.msk $0xffff, v46;
	v51 =	vld [tilespmem:s15+$0x50]  }
0x185: {  	v54 =	vor.u32 v11, v24;
	v53 =	vld [tilespmem:s15+$0xD0];
	[tilespmem:v30+s9+$0x0] =	vst.idx.msk $0xffff, v29  }
0x186: {  	v55 =	vor.u32 v11, v19;
	[tilespmem:v49+s9+$0x0] =	vst.idx.msk $0xffff, v28;
	v28 =	vld [tilespmem:s15+$0xFFFFFE50]  }
0x187: {  	[tilespmem:v26+s9+$0x0] =	vst.idx.msk $0xffff, v27;
	v26 =	vld [tilespmem:s15+$0x150];
	v27 =	vor.u32 v11, v25  }
0x188: {  	v56 =	vor.u32 v12, v20;
	[tilespmem:v50+s9+$0x0] =	vst.idx.msk $0xffff, v31;
	v31 =	vld [tilespmem:s15+$0xFFFFFF60]  }
0x189: {  	v30 =	vor.u32 v12, v22;
	[tilespmem:v52+s9+$0x0] =	vst.idx.msk $0xffff, v51;
	v29 =	vld [tilespmem:s15+$0xFFFFFEE0]  }
0x18a: {  	v58 =	vor.u32 v12, v21;
	v57 =	vld [tilespmem:s15+$0xFFFFFFE0];
	[tilespmem:v54+s9+$0x0] =	vst.idx.msk $0xffff, v53  }
0x18b: {  	v60 =	vor.u32 v12, v23;
	v59 =	vld [tilespmem:s15+$0x60];
	[tilespmem:v55+s9+$0x0] =	vst.idx.msk $0xffff, v28  }
0x18c: {  	[tilespmem:v27+s9+$0x0] =	vst.idx.msk $0xffff, v26;
	v26 =	vld [tilespmem:s15+$0xE0];
	v27 =	vor.u32 v12, v24  }
0x18d: {  	v40 =	vor.u32 v12, v19;
	[tilespmem:v56+s9+$0x0] =	vst.idx.msk $0xffff, v31;
	v39 =	vld [tilespmem:s15+$0xFFFFFE60]  }
0x18e: {  	v62 =	vor.u32 v12, v25;
	[tilespmem:v30+s9+$0x0] =	vst.idx.msk $0xffff, v29;
	v61 =	vld [tilespmem:s15+$0x160]  }
0x18f: {  	v63 =	vor.u32 v13, v22;
	[tilespmem:v58+s9+$0x0] =	vst.idx.msk $0xffff, v57;
	v31 =	vld [tilespmem:s15+$0xFFFFFEF0]  }
0x190: {  	[tilespmem:v60+s9+$0x0] =	vst.idx.msk $0xffff, v59;
	v29 =	vld [tilespmem:s15+$0xFFFFFF70];
	v30 =	vor.u32 v13, v20  }
0x191: {  	v28 =	vld [tilespmem:s15+$0xFFFFFFF0];
	v20 =	vor.u32 v13, v21;
	[tilespmem:v27+s9+$0x0] =	vst.idx.msk $0xffff, v26  }
0x192: {  	v21 =	vor.u32 v13, v23;
	v27 =	vld [tilespmem:s15+$0x70];
	[tilespmem:v40+s9+$0x0] =	vst.idx.msk $0xffff, v39  }
0x193: {  	v24 =	vor.u32 v13, v24;
	[tilespmem:v62+s9+$0x0] =	vst.idx.msk $0xffff, v61;
	v22 =	vld [tilespmem:s15+$0xF0]  }
0x194: {  	s16 =	simm.s32 $0x8;
	s17 =	simm.s32 $0x10;
	s18 =	simm.s32 $0xF;
	v25 =	vor.u32 v13, v25;
	[tilespmem:v63+s9+$0x0] =	vst.idx.msk $0xffff, v31;
	v23 =	vld [tilespmem:s15+$0x170]  }
.LBB2_3:
0x195: {  	p2 =	slt.u32 s17, $0x18;
	v26 =	vor.u32 s18, v3;
	v31 =	vld [tilespmem:s15+$0xFFFFFE70];
	v32 =	vor.u32 v13, v19;
	[tilespmem:v30+s9+$0x0] =	vst.idx.msk $0xffff, v29;
	s15 =	sadd.s32 $0x400, s15  }
0x196: {  	v19 =	vor.u32 s16, v3;
	s18 =	sadd.s32 $0x1, s16;
	v29 =	vld [tilespmem:s15+$0x180];
	v30 =	vor.u32 v18, v26;
	[tilespmem:v20+s9+$0x0] =	vst.idx.msk $0xffff, v28  }
0x197: {  	v33 =	vor.u32 v18, v19;
	v20 =	vor.u32 s18, v3;
	s18 =	sadd.s32 $0x2, s16;
	v28 =	vld [tilespmem:s15+$0xFFFFFE00];
	[tilespmem:v21+s9+$0x0] =	vst.idx.msk $0xffff, v27  }
0x198: {  	v34 =	vor.u32 v18, v20;
	v21 =	vor.u32 s18, v3;
	s18 =	sadd.s32 $0x3, s16;
	v27 =	vld [tilespmem:s15+$0xFFFFFE80];
	[tilespmem:v24+s9+$0x0] =	vst.idx.msk $0xffff, v22  }
0x199: {  	v36 =	vor.u32 v18, v21;
	v22 =	vor.u32 s18, v3;
	s18 =	sadd.s32 $0x4, s16;
	v35 =	vld [tilespmem:s15+$0xFFFFFF00];
	[tilespmem:v25+s9+$0x0] =	vst.idx.msk $0xffff, v23  }
0x19a: {  	v38 =	vor.u32 v18, v22;
	v23 =	vor.u32 s18, v3;
	v37 =	vld [tilespmem:s15+$0xFFFFFF80];
	[tilespmem:v32+s9+$0x0] =	vst.idx.msk $0xffff, v31  }
0x19b: {  	s18 =	sadd.s32 $0x5, s16;
	v32 =	vor.u32 v18, v23;
	v31 =	vld [tilespmem:s15+$0x0];
	[tilespmem:v30+s9+$0x0] =	vst.idx.msk $0xffff, v29  }
0x19c: {  	v24 =	vor.u32 s18, v3;
	s18 =	sadd.s32 $0x6, s16;
	s16 =	smov.u32 s17;
	v29 =	vor.u32 v17, v26;
	[tilespmem:v33+s9+$0x0] =	vst.idx.msk $0xffff, v28;
	v28 =	vld [tilespmem:s15+$0x190]  }
0x19d: {  	v30 =	vor.u32 v18, v24;
	v25 =	vor.u32 s18, v3;
	[tilespmem:v34+s9+$0x0] =	vst.idx.msk $0xffff, v27;
	v27 =	vld [tilespmem:s15+$0x80]  }
0x19e: {  	v34 =	vor.u32 v18, v25;
	[tilespmem:v36+s9+$0x0] =	vst.idx.msk $0xffff, v35;
	v33 =	vld [tilespmem:s15+$0x100]  }
0x19f: {  	v36 =	vor.u32 v17, v20;
	v35 =	vld [tilespmem:s15+$0xFFFFFE90];
	[tilespmem:v38+s9+$0x0] =	vst.idx.msk $0xffff, v37  }
0x1a0: {  	v38 =	vor.u32 v17, v21;
	v37 =	vld [tilespmem:s15+$0xFFFFFF10];
	[tilespmem:v32+s9+$0x0] =	vst.idx.msk $0xffff, v31  }
0x1a1: {  	v32 =	vor.u32 v17, v22;
	v31 =	vld [tilespmem:s15+$0xFFFFFF90];
	[tilespmem:v29+s9+$0x0] =	vst.idx.msk $0xffff, v28  }
0x1a2: {  	v28 =	vor.u32 v16, v26;
	[tilespmem:v30+s9+$0x0] =	vst.idx.msk $0xffff, v27;
	v27 =	vld [tilespmem:s15+$0x1A0]  }
0x1a3: {  	v30 =	vor.u32 v17, v23;
	v29 =	vld [tilespmem:s15+$0x10];
	[tilespmem:v34+s9+$0x0] =	vst.idx.msk $0xffff, v33  }
0x1a4: {  	v34 =	vor.u32 v17, v24;
	[tilespmem:v36+s9+$0x0] =	vst.idx.msk $0xffff, v35;
	v33 =	vld [tilespmem:s15+$0x90]  }
0x1a5: {  	v36 =	vor.u32 v17, v25;
	[tilespmem:v38+s9+$0x0] =	vst.idx.msk $0xffff, v37;
	v35 =	vld [tilespmem:s15+$0x110]  }
0x1a6: {  	v38 =	vor.u32 v17, v19;
	v37 =	vld [tilespmem:s15+$0xFFFFFE10];
	[tilespmem:v32+s9+$0x0] =	vst.idx.msk $0xffff, v31  }
0x1a7: {  	v32 =	vor.u32 v16, v20;
	v31 =	vld [tilespmem:s15+$0xFFFFFEA0];
	[tilespmem:v28+s9+$0x0] =	vst.idx.msk $0xffff, v27  }
0x1a8: {  	v28 =	vor.u32 v15, v26;
	[tilespmem:v30+s9+$0x0] =	vst.idx.msk $0xffff, v29;
	v27 =	vld [tilespmem:s15+$0x1B0]  }
0x1a9: {  	v30 =	vor.u32 v16, v21;
	v29 =	vld [tilespmem:s15+$0xFFFFFF20];
	[tilespmem:v34+s9+$0x0] =	vst.idx.msk $0xffff, v33  }
0x1aa: {  	v34 =	vor.u32 v16, v22;
	v33 =	vld [tilespmem:s15+$0xFFFFFFA0];
	[tilespmem:v36+s9+$0x0] =	vst.idx.msk $0xffff, v35  }
0x1ab: {  	v36 =	vor.u32 v16, v23;
	[tilespmem:v38+s9+$0x0] =	vst.idx.msk $0xffff, v37;
	v35 =	vld [tilespmem:s15+$0x20]  }
0x1ac: {  	[tilespmem:v32+s9+$0x0] =	vst.idx.msk $0xffff, v31;
	v31 =	vld [tilespmem:s15+$0xA0];
	v32 =	vor.u32 v16, v24  }
0x1ad: {  	v38 =	vor.u32 v16, v25;
	v37 =	vld [tilespmem:s15+$0x120];
	[tilespmem:v28+s9+$0x0] =	vst.idx.msk $0xffff, v27  }
0x1ae: {  	v28 =	vor.u32 v14, v26;
	[tilespmem:v30+s9+$0x0] =	vst.idx.msk $0xffff, v29;
	v27 =	vld [tilespmem:s15+$0x1C0]  }
0x1af: {  	v30 =	vor.u32 v16, v19;
	v29 =	vld [tilespmem:s15+$0xFFFFFE20];
	[tilespmem:v34+s9+$0x0] =	vst.idx.msk $0xffff, v33  }
0x1b0: {  	v34 =	vor.u32 v15, v20;
	v33 =	vld [tilespmem:s15+$0xFFFFFEB0];
	[tilespmem:v36+s9+$0x0] =	vst.idx.msk $0xffff, v35  }
0x1b1: {  	v36 =	vor.u32 v15, v21;
	v35 =	vld [tilespmem:s15+$0xFFFFFF30];
	[tilespmem:v32+s9+$0x0] =	vst.idx.msk $0xffff, v31  }
0x1b2: {  	v32 =	vor.u32 v15, v22;
	v31 =	vld [tilespmem:s15+$0xFFFFFFB0];
	[tilespmem:v38+s9+$0x0] =	vst.idx.msk $0xffff, v37  }
0x1b3: {  	v38 =	vor.u32 v15, v23;
	v37 =	vld [tilespmem:s15+$0x30];
	[tilespmem:v28+s9+$0x0] =	vst.idx.msk $0xffff, v27  }
0x1b4: {  	v28 =	vor.u32 v11, v26;
	[tilespmem:v30+s9+$0x0] =	vst.idx.msk $0xffff, v29;
	v27 =	vld [tilespmem:s15+$0x1D0]  }
0x1b5: {  	v30 =	vor.u32 v15, v24;
	[tilespmem:v34+s9+$0x0] =	vst.idx.msk $0xffff, v33;
	v29 =	vld [tilespmem:s15+$0xB0]  }
0x1b6: {  	v34 =	vor.u32 v15, v25;
	[tilespmem:v36+s9+$0x0] =	vst.idx.msk $0xffff, v35;
	v33 =	vld [tilespmem:s15+$0x130]  }
0x1b7: {  	v36 =	vor.u32 v15, v19;
	v35 =	vld [tilespmem:s15+$0xFFFFFE30];
	[tilespmem:v32+s9+$0x0] =	vst.idx.msk $0xffff, v31  }
0x1b8: {  	v32 =	vor.u32 v14, v20;
	v31 =	vld [tilespmem:s15+$0xFFFFFEC0];
	[tilespmem:v38+s9+$0x0] =	vst.idx.msk $0xffff, v37  }
0x1b9: {  	v38 =	vor.u32 v14, v21;
	v37 =	vld [tilespmem:s15+$0xFFFFFF40];
	[tilespmem:v28+s9+$0x0] =	vst.idx.msk $0xffff, v27  }
0x1ba: {  	v28 =	vor.u32 v12, v26;
	[tilespmem:v30+s9+$0x0] =	vst.idx.msk $0xffff, v29;
	v27 =	vld [tilespmem:s15+$0x1E0]  }
0x1bb: {  	v30 =	vor.u32 v14, v22;
	v29 =	vld [tilespmem:s15+$0xFFFFFFC0];
	[tilespmem:v34+s9+$0x0] =	vst.idx.msk $0xffff, v33  }
0x1bc: {  	v34 =	vor.u32 v14, v23;
	[tilespmem:v36+s9+$0x0] =	vst.idx.msk $0xffff, v35;
	v33 =	vld [tilespmem:s15+$0x40]  }
0x1bd: {  	[tilespmem:v32+s9+$0x0] =	vst.idx.msk $0xffff, v31;
	v31 =	vld [tilespmem:s15+$0xC0];
	v32 =	vor.u32 v14, v24  }
0x1be: {  	v36 =	vor.u32 v14, v25;
	[tilespmem:v38+s9+$0x0] =	vst.idx.msk $0xffff, v37;
	v35 =	vld [tilespmem:s15+$0x140]  }
0x1bf: {  	v38 =	vor.u32 v14, v19;
	v37 =	vld [tilespmem:s15+$0xFFFFFE40];
	[tilespmem:v28+s9+$0x0] =	vst.idx.msk $0xffff, v27  }
0x1c0: {  	v26 =	vor.u32 v13, v26;
	[tilespmem:v30+s9+$0x0] =	vst.idx.msk $0xffff, v29;
	v27 =	vld [tilespmem:s15+$0x1F0]  }
0x1c1: {  	v29 =	vor.u32 v11, v20;
	v28 =	vld [tilespmem:s15+$0xFFFFFED0];
	[tilespmem:v34+s9+$0x0] =	vst.idx.msk $0xffff, v33  }
0x1c2: {  	v33 =	vor.u32 v11, v21;
	v30 =	vld [tilespmem:s15+$0xFFFFFF50];
	[tilespmem:v32+s9+$0x0] =	vst.idx.msk $0xffff, v31  }
0x1c3: {  	v32 =	vor.u32 v11, v22;
	v31 =	vld [tilespmem:s15+$0xFFFFFFD0];
	[tilespmem:v36+s9+$0x0] =	vst.idx.msk $0xffff, v35  }
0x1c4: {  	v35 =	vor.u32 v11, v23;
	[tilespmem:v38+s9+$0x0] =	vst.idx.msk $0xffff, v37;
	v34 =	vld [tilespmem:s15+$0x50]  }
0x1c5: {  	v37 =	vor.u32 v11, v24;
	v36 =	vld [tilespmem:s15+$0xD0];
	[tilespmem:v26+s9+$0x0] =	vst.idx.msk $0xffff, v27  }
0x1c6: {  	v27 =	vor.u32 v11, v25;
	[tilespmem:v29+s9+$0x0] =	vst.idx.msk $0xffff, v28;
	v26 =	vld [tilespmem:s15+$0x150]  }
0x1c7: {  	v29 =	vor.u32 v11, v19;
	v28 =	vld [tilespmem:s15+$0xFFFFFE50];
	[tilespmem:v33+s9+$0x0] =	vst.idx.msk $0xffff, v30  }
0x1c8: {  	v33 =	vor.u32 v12, v20;
	v30 =	vld [tilespmem:s15+$0xFFFFFEE0];
	[tilespmem:v32+s9+$0x0] =	vst.idx.msk $0xffff, v31  }
0x1c9: {  	v32 =	vor.u32 v12, v21;
	v31 =	vld [tilespmem:s15+$0xFFFFFF60];
	[tilespmem:v35+s9+$0x0] =	vst.idx.msk $0xffff, v34  }
0x1ca: {  	v35 =	vor.u32 v12, v22;
	v34 =	vld [tilespmem:s15+$0xFFFFFFE0];
	[tilespmem:v37+s9+$0x0] =	vst.idx.msk $0xffff, v36  }
0x1cb: {  	v37 =	vor.u32 v12, v23;
	v36 =	vld [tilespmem:s15+$0x60];
	[tilespmem:v27+s9+$0x0] =	vst.idx.msk $0xffff, v26  }
0x1cc: {  	v27 =	vor.u32 v12, v24;
	[tilespmem:v29+s9+$0x0] =	vst.idx.msk $0xffff, v28;
	v26 =	vld [tilespmem:s15+$0xE0]  }
0x1cd: {  	v38 =	vor.u32 v12, v25;
	[tilespmem:v33+s9+$0x0] =	vst.idx.msk $0xffff, v30;
	v33 =	vld [tilespmem:s15+$0x160]  }
0x1ce: {  	v40 =	vor.u32 v12, v19;
	v39 =	vld [tilespmem:s15+$0xFFFFFE60];
	[tilespmem:v32+s9+$0x0] =	vst.idx.msk $0xffff, v31  }
0x1cf: {  	v32 =	vor.u32 v13, v20;
	v31 =	vld [tilespmem:s15+$0xFFFFFEF0];
	[tilespmem:v35+s9+$0x0] =	vst.idx.msk $0xffff, v34  }
.Ltmp2:
0x1d0: {  	v30 =	vor.u32 v13, v21;
	v29 =	vld [tilespmem:s15+$0xFFFFFF70];
	[tilespmem:v37+s9+$0x0] =	vst.idx.msk $0xffff, v36;
	(pc) =	sbr.rel @p2 .LBB2_3-.Ltmp2, $4  }
0x1d1: {  	v20 =	vor.u32 v13, v22;
	v28 =	vld [tilespmem:s15+$0xFFFFFFF0];
	[tilespmem:v27+s9+$0x0] =	vst.idx.msk $0xffff, v26  }
0x1d2: {  	v21 =	vor.u32 v13, v23;
	v27 =	vld [tilespmem:s15+$0x70];
	[tilespmem:v38+s9+$0x0] =	vst.idx.msk $0xffff, v33  }
0x1d3: {  	v24 =	vor.u32 v13, v24;
	[tilespmem:v40+s9+$0x0] =	vst.idx.msk $0xffff, v39;
	v22 =	vld [tilespmem:s15+$0xF0]  }
0x1d4: {  	s17 =	sadd.s32 $0x8, s17;
	s18 =	sadd.s32 $0x7, s16;
	v25 =	vor.u32 v13, v25;
	[tilespmem:v32+s9+$0x0] =	vst.idx.msk $0xffff, v31;
	v23 =	vld [tilespmem:s15+$0x170]  }
0x1d5: {  	_ =	sdelay $0x3  }
0x1d6: {  	v26 =	vor.u32 s18, v3;
	v31 =	vld [tilespmem:s15+$0xFFFFFE70];
	v32 =	vor.u32 v13, v19;
	[tilespmem:v30+s9+$0x0] =	vst.idx.msk $0xffff, v29;
	s15 =	sadd.s32 $0x400, s15  }
0x1d7: {  	v19 =	vor.u32 s16, v3;
	s17 =	sadd.s32 $0x1, s16;
	v40 =	vld [tilespmem:s15+$0x180];
	v41 =	vor.u32 v18, v26;
	[tilespmem:v20+s9+$0x0] =	vst.idx.msk $0xffff, v28  }
0x1d8: {  	s26 =	sadd.s32 $0x2, s16;
	v42 =	vld [tilespmem:s15+$0xFFFFFE00];
	v33 =	vor.u32 v18, v19;
	v20 =	vor.u32 s17, v3;
	[tilespmem:v21+s9+$0x0] =	vst.idx.msk $0xffff, v27  }
0x1d9: {  	s18 =	sadd.s32 $0x3, s16;
	v43 =	vld [tilespmem:s15+$0xFFFFFE80];
	v34 =	vor.u32 v18, v20;
	v21 =	vor.u32 s26, v3;
	[tilespmem:v24+s9+$0x0] =	vst.idx.msk $0xffff, v22  }
0x1da: {  	v35 =	vld [tilespmem:s15+$0xFFFFFF00];
	s26 =	sadd.s32 $0x4, s16;
	v36 =	vor.u32 v18, v21;
	v22 =	vor.u32 s18, v3;
	[tilespmem:v25+s9+$0x0] =	vst.idx.msk $0xffff, v23  }
0x1db: {  	v37 =	vld [tilespmem:s15+$0xFFFFFF80];
	s18 =	sadd.s32 $0x5, s16;
	v38 =	vor.u32 v18, v22;
	v23 =	vor.u32 s26, v3;
	[tilespmem:v32+s9+$0x0] =	vst.idx.msk $0xffff, v31  }
0x1dc: {  	v44 =	vld [tilespmem:s15+$0x0];
	v24 =	vor.u32 s18, v3;
	s26 =	sadd.s32 $0x6, s16;
	v45 =	vor.u32 v18, v23;
	[tilespmem:v41+s9+$0x0] =	vst.idx.msk $0xffff, v40  }
0x1dd: {  	v48 =	vld [tilespmem:s15+$0x80];
	v49 =	vor.u32 v18, v24;
	v25 =	vor.u32 s26, v3;
	[tilespmem:v33+s9+$0x0] =	vst.idx.msk $0xffff, v42  }
0x1de: {  	v50 =	vld [tilespmem:s15+$0x100];
	v51 =	vor.u32 v18, v25;
	[tilespmem:v34+s9+$0x0] =	vst.idx.msk $0xffff, v43  }
0x1df: {  	v47 =	vor.u32 v17, v26;
	v46 =	vld [tilespmem:s15+$0x190];
	[tilespmem:v36+s9+$0x0] =	vst.idx.msk $0xffff, v35  }
0x1e0: {  	v41 =	vor.u32 v17, v19;
	v40 =	vld [tilespmem:s15+$0xFFFFFE10];
	[tilespmem:v38+s9+$0x0] =	vst.idx.msk $0xffff, v37  }
0x1e1: {  	v52 =	vor.u32 v17, v20;
	v34 =	vld [tilespmem:s15+$0xFFFFFE90];
	[tilespmem:v45+s9+$0x0] =	vst.idx.msk $0xffff, v44  }
0x1e2: {  	v53 =	vor.u32 v17, v21;
	v36 =	vld [tilespmem:s15+$0xFFFFFF10];
	[tilespmem:v49+s9+$0x0] =	vst.idx.msk $0xffff, v48  }
0x1e3: {  	v55 =	vor.u32 v17, v22;
	v54 =	vld [tilespmem:s15+$0xFFFFFF90];
	[tilespmem:v51+s9+$0x0] =	vst.idx.msk $0xffff, v50  }
0x1e4: {  	v59 =	vor.u32 v17, v23;
	v58 =	vld [tilespmem:s15+$0x10];
	[tilespmem:v47+s9+$0x0] =	vst.idx.msk $0xffff, v46  }
0x1e5: {  	v61 =	vor.u32 v17, v24;
	v60 =	vld [tilespmem:s15+$0x90];
	[tilespmem:v41+s9+$0x0] =	vst.idx.msk $0xffff, v40  }
0x1e6: {  	v63 =	vor.u32 v17, v25;
	v62 =	vld [tilespmem:s15+$0x110];
	[tilespmem:v52+s9+$0x0] =	vst.idx.msk $0xffff, v34  }
0x1e7: {  	v57 =	vor.u32 v16, v26;
	v56 =	vld [tilespmem:s15+$0x1A0];
	[tilespmem:v53+s9+$0x0] =	vst.idx.msk $0xffff, v36  }
0x1e8: {  	v43 =	vor.u32 v16, v20;
	v42 =	vld [tilespmem:s15+$0xFFFFFEA0];
	[tilespmem:v55+s9+$0x0] =	vst.idx.msk $0xffff, v54  }
0x1e9: {  	v46 =	vor.u32 v16, v21;
	v45 =	vld [tilespmem:s15+$0xFFFFFF20];
	[tilespmem:v59+s9+$0x0] =	vst.idx.msk $0xffff, v58  }
0x1ea: {  	v48 =	vor.u32 v16, v22;
	[tilespmem:v61+s9+$0x0] =	vst.idx.msk $0xffff, v60;
	v47 =	vld [tilespmem:s15+$0xFFFFFFA0]  }
0x1eb: {  	v50 =	vor.u32 v16, v23;
	[tilespmem:v63+s9+$0x0] =	vst.idx.msk $0xffff, v62;
	v49 =	vld [tilespmem:s15+$0x20]  }
0x1ec: {  	v52 =	vor.u32 v16, v24;
	v51 =	vld [tilespmem:s15+$0xA0];
	[tilespmem:v57+s9+$0x0] =	vst.idx.msk $0xffff, v56  }
0x1ed: {  	v53 =	vor.u32 v16, v25;
	v35 =	vld [tilespmem:s15+$0x120];
	[tilespmem:v43+s9+$0x0] =	vst.idx.msk $0xffff, v42  }
0x1ee: {  	v55 =	vld [tilespmem:s15+$0xFFFFFE20];
	v56 =	vor.u32 v16, v19;
	[tilespmem:v46+s9+$0x0] =	vst.idx.msk $0xffff, v45  }
0x1ef: {  	v44 =	vor.u32 v15, v26;
	v27 =	vld [tilespmem:s15+$0x1B0];
	[tilespmem:v48+s9+$0x0] =	vst.idx.msk $0xffff, v47  }
0x1f0: {  	v58 =	vor.u32 v15, v20;
	v57 =	vld [tilespmem:s15+$0xFFFFFEB0];
	[tilespmem:v50+s9+$0x0] =	vst.idx.msk $0xffff, v49  }
0x1f1: {  	v60 =	vor.u32 v15, v21;
	v59 =	vld [tilespmem:s15+$0xFFFFFF30];
	[tilespmem:v52+s9+$0x0] =	vst.idx.msk $0xffff, v51  }
0x1f2: {  	v62 =	vor.u32 v15, v22;
	v61 =	vld [tilespmem:s15+$0xFFFFFFB0];
	[tilespmem:v53+s9+$0x0] =	vst.idx.msk $0xffff, v35  }
0x1f3: {  	v63 =	vor.u32 v15, v23;
	v34 =	vld [tilespmem:s15+$0x30];
	[tilespmem:v56+s9+$0x0] =	vst.idx.msk $0xffff, v55  }
0x1f4: {  	v39 =	vor.u32 v15, v24;
	v38 =	vld [tilespmem:s15+$0xB0];
	[tilespmem:v44+s9+$0x0] =	vst.idx.msk $0xffff, v27  }
0x1f5: {  	v41 =	vor.u32 v15, v25;
	v40 =	vld [tilespmem:s15+$0x130];
	[tilespmem:v58+s9+$0x0] =	vst.idx.msk $0xffff, v57  }
0x1f6: {  	v43 =	vor.u32 v15, v19;
	v42 =	vld [tilespmem:s15+$0xFFFFFE30];
	[tilespmem:v60+s9+$0x0] =	vst.idx.msk $0xffff, v59  }
0x1f7: {  	v54 =	vor.u32 v14, v26;
	v27 =	vld [tilespmem:s15+$0x1C0];
	[tilespmem:v62+s9+$0x0] =	vst.idx.msk $0xffff, v61  }
0x1f8: {  	v45 =	vor.u32 v14, v20;
	v44 =	vld [tilespmem:s15+$0xFFFFFEC0];
	[tilespmem:v63+s9+$0x0] =	vst.idx.msk $0xffff, v34  }
0x1f9: {  	v46 =	vor.u32 v14, v21;
	v33 =	vld [tilespmem:s15+$0xFFFFFF40];
	[tilespmem:v39+s9+$0x0] =	vst.idx.msk $0xffff, v38  }
0x1fa: {  	v49 =	vor.u32 v14, v22;
	v48 =	vld [tilespmem:s15+$0xFFFFFFC0];
	[tilespmem:v41+s9+$0x0] =	vst.idx.msk $0xffff, v40  }
0x1fb: {  	v51 =	vor.u32 v14, v23;
	[tilespmem:v43+s9+$0x0] =	vst.idx.msk $0xffff, v42;
	v50 =	vld [tilespmem:s15+$0x40]  }
0x1fc: {  	v53 =	vor.u32 v14, v24;
	v52 =	vld [tilespmem:s15+$0xC0];
	[tilespmem:v54+s9+$0x0] =	vst.idx.msk $0xffff, v27  }
0x1fd: {  	v55 =	vor.u32 v14, v25;
	v54 =	vld [tilespmem:s15+$0x140];
	[tilespmem:v45+s9+$0x0] =	vst.idx.msk $0xffff, v44  }
0x1fe: {  	v57 =	vor.u32 v14, v19;
	v56 =	vld [tilespmem:s15+$0xFFFFFE40];
	[tilespmem:v46+s9+$0x0] =	vst.idx.msk $0xffff, v33  }
0x1ff: {  	v37 =	vor.u32 v11, v26;
	v36 =	vld [tilespmem:s15+$0x1D0];
	[tilespmem:v49+s9+$0x0] =	vst.idx.msk $0xffff, v48  }
0x200: {  	v60 =	vor.u32 v11, v20;
	v59 =	vld [tilespmem:s15+$0xFFFFFED0];
	[tilespmem:v51+s9+$0x0] =	vst.idx.msk $0xffff, v50  }
0x201: {  	v62 =	vor.u32 v11, v21;
	v61 =	vld [tilespmem:s15+$0xFFFFFF50];
	[tilespmem:v53+s9+$0x0] =	vst.idx.msk $0xffff, v52  }
0x202: {  	v63 =	vor.u32 v11, v22;
	v28 =	vld [tilespmem:s15+$0xFFFFFFD0];
	[tilespmem:v55+s9+$0x0] =	vst.idx.msk $0xffff, v54  }
0x203: {  	v39 =	vor.u32 v11, v24;
	[tilespmem:v57+s9+$0x0] =	vst.idx.msk $0xffff, v56;
	v38 =	vld [tilespmem:s15+$0xD0]  }
0x204: {  	[tilespmem:v37+s9+$0x0] =	vst.idx.msk $0xffff, v36;
	v36 =	vld [tilespmem:s15+$0x50];
	v37 =	vor.u32 v11, v23  }
0x205: {  	v41 =	vor.u32 v11, v25;
	v42 =	vld [tilespmem:s15+$0xFFFFFE50];
	v11 =	vor.u32 v11, v19;
	[tilespmem:v60+s9+$0x0] =	vst.idx.msk $0xffff, v59  }
0x206: {  	v47 =	vor.u32 v12, v26;
	v16 =	vld [tilespmem:s15+$0x1E0];
	[tilespmem:v62+s9+$0x0] =	vst.idx.msk $0xffff, v61  }
0x207: {  	v40 =	vld [tilespmem:s15+$0x150];
	[tilespmem:v63+s9+$0x0] =	vst.idx.msk $0xffff, v28  }
0x208: {  	v44 =	vor.u32 v12, v20;
	v43 =	vld [tilespmem:s15+$0xFFFFFEE0];
	[tilespmem:v39+s9+$0x0] =	vst.idx.msk $0xffff, v38  }
0x209: {  	v46 =	vor.u32 v12, v21;
	v45 =	vld [tilespmem:s15+$0xFFFFFF60];
	[tilespmem:v37+s9+$0x0] =	vst.idx.msk $0xffff, v36  }
0x20a: {  	v50 =	vor.u32 v12, v24;
	[tilespmem:v11+s9+$0x0] =	vst.idx.msk $0xffff, v42;
	v11 =	vld [tilespmem:s15+$0xE0]  }
0x20b: {  	v48 =	vor.u32 v12, v22;
	[tilespmem:v47+s9+$0x0] =	vst.idx.msk $0xffff, v16;
	v47 =	vld [tilespmem:s15+$0xFFFFFFE0]  }
0x20c: {  	v49 =	vor.u32 v12, v23;
	[tilespmem:v41+s9+$0x0] =	vst.idx.msk $0xffff, v40;
	v30 =	vld [tilespmem:s15+$0x60]  }
0x20d: {  	v52 =	vor.u32 v12, v25;
	v51 =	vld [tilespmem:s15+$0x160];
	[tilespmem:v44+s9+$0x0] =	vst.idx.msk $0xffff, v43  }
0x20e: {  	v54 =	vor.u32 v12, v19;
	v53 =	vld [tilespmem:s15+$0xFFFFFE60];
	[tilespmem:v46+s9+$0x0] =	vst.idx.msk $0xffff, v45  }
0x20f: {  	v58 =	vor.u32 v13, v26;
	v16 =	vld [tilespmem:s15+$0x1F0];
	[tilespmem:v50+s9+$0x0] =	vst.idx.msk $0xffff, v11  }
0x210: {  	v20 =	vor.u32 v13, v20;
	v55 =	vld [tilespmem:s15+$0xFFFFFEF0];
	[tilespmem:v48+s9+$0x0] =	vst.idx.msk $0xffff, v47  }
0x211: {  	v21 =	vor.u32 v13, v21;
	v56 =	vld [tilespmem:s15+$0xFFFFFF70];
	[tilespmem:v49+s9+$0x0] =	vst.idx.msk $0xffff, v30  }
0x212: {  	v60 =	vor.u32 v13, v24;
	[tilespmem:v52+s9+$0x0] =	vst.idx.msk $0xffff, v51;
	v59 =	vld [tilespmem:s15+$0xF0]  }
0x213: {  	v22 =	vor.u32 v13, v22;
	[tilespmem:v54+s9+$0x0] =	vst.idx.msk $0xffff, v53;
	v57 =	vld [tilespmem:s15+$0xFFFFFFF0]  }
0x214: {  	[tilespmem:v58+s9+$0x0] =	vst.idx.msk $0xffff, v16;
	v11 =	vld [tilespmem:s15+$0x70];
	v58 =	vor.u32 v13, v23  }
0x215: {  	v61 =	vor.u32 v13, v25;
	v17 =	vld [tilespmem:s15+$0x170];
	[tilespmem:v20+s9+$0x0] =	vst.idx.msk $0xffff, v55  }
0x216: {  	v63 =	vor.u32 v13, v19;
	v62 =	vld [tilespmem:s15+$0xFFFFFE70];
	[tilespmem:v21+s9+$0x0] =	vst.idx.msk $0xffff, v56  }
0x217: {  	[tilespmem:v60+s9+$0x0] =	vst.idx.msk $0xffff, v59  }
0x218: {  	[tilespmem:v22+s9+$0x0] =	vst.idx.msk $0xffff, v57  }
0x219: {  	[tilespmem:v58+s9+$0x0] =	vst.idx.msk $0xffff, v11  }
0x21a: {  	s13 =	sshll.u32 s13, $0xD;
	s16 =	sshll.u32 s12, $0xE;
	[tilespmem:v61+s9+$0x0] =	vst.idx.msk $0xffff, v17  }
0x21b: {  	s17 =	sadd.s32 $0x4000, s13;
	s12 =	sadd.s32 $0x1, s12;
	s15 =	sadd.s32 s16, s22;
	[tilespmem:v63+s9+$0x0] =	vst.idx.msk $0xffff, v62  }
0x21c: {  	[hbm4b:s15+s3] =	stream.linear.scatter [tilespmem:s17], [sflag:s14], $0x400, $0x38;
	[tilespmem:$0x10000] =	vst v63  }
0x21d: {  	s18 =	sadd.s32 $0x4800, s13;
	p2 =	sne.s32 s12, $0xF4;
	s26 =	sadd.s32 $0x80, s15  }
0x21e: {  	[hbm4b:s26+s3] =	stream.linear.scatter [tilespmem:s18], [sflag:s14], $0x400, $0x38;
	[tilespmem:$0x10000] =	vst v63  }
.Ltmp3:
0x21f: {  	_ = 	snop;
	(pc) =	sbr.rel @p2 .LBB2_2-.Ltmp3, $4  }
0x220: {  	s18 =	sadd.s32 $0x5000, s13;
	s26 =	sadd.s32 $0x100, s15  }
0x221: {  	[hbm4b:s26+s3] =	stream.linear.scatter [tilespmem:s18], [sflag:s14], $0x400, $0x38;
	[tilespmem:$0x10000] =	vst v63  }
0x222: {  	s11 =	sadd.s32 $0x1, s11;
	s13 =	sadd.s32 $0x5800, s13;
	s15 =	sadd.s32 $0x180, s15  }
0x223: {  	[hbm4b:s15+s3] =	stream.linear.scatter [tilespmem:s13], [sflag:s14], $0x400, $0x38;
	[tilespmem:$0x10000] =	vst v63  }
0x224: {  	s11 =	simm.s32 $0x5  }
0x225: {  	_ =	swait.ge [sflag:s11], $0x1000  }
0x226: {  	[sflag:s11] =	ssyncset.done $0x0  }
0x227: {  	s17 =	simm.s32 $0x6;
	[sflag:s11] =	ssyncadd.s32 $0xFFFFF000  }
0x228: {  	_ =	swait.ge [sflag:s17], $0x1000  }
0x229: {  	[sflag:s17] =	ssyncset.done $0x0  }
0x22a: {  	s18 =	simm.s32 $0x7;
	[sflag:s17] =	ssyncadd.s32 $0xFFFFF000  }
0x22b: {  	_ =	swait.ge [sflag:s18], $0x1000  }
.Ltmp4:
0x22c: {  	[sflag:s18] =	ssyncset.done $0x0;
	(pc) =	sbr.rel @p1 .LBB2_9-.Ltmp4, $4  }
0x22d: {  	s26 =	simm.s32 $0x8;
	[sflag:s18] =	ssyncadd.s32 $0xFFFFF000  }
0x22e: {  	_ =	swait.ge [sflag:s26], $0x1000  }
0x22f: {  	[sflag:s26] =	ssyncset.done $0x0  }
0x230: {  	[sflag:s26] =	ssyncadd.s32 $0xFFFFF000  }
0x231: {  	s12 =	simm.s32 $0x0;
	s11 =	rddreg [dreg:$0x13]  }
0x232: {  	[tilespmem:s12], [sflag:$0xA] =	stream.strided.gather [hbm4b:s11+s20], $0x1000, s21, s20, $0x38;
	[tilespmem:$0x10000] =	vst v63  }
0x233: {  	_ =	swait.ge [sflag:s25], $0x1000  }
0x234: {  	[sflag:s25] =	ssyncset.done $0x0  }
0x235: {  	s15 =	simm.s32 $0x200;
	s21 =	simm.s32 $0x7;
	[sflag:s25] =	ssyncadd.s32 $0xFFFFF000  }
0x236: {  	s14 =	simm.s32 $0x1;
	v12 =	vor.u32 s21, v1;
	v11 =	vld [tilespmem:s15+$0x180]  }
0x237: {  	s17 =	simm.s32 $0x2;
	v14 =	vor.u32 s14, v1;
	v13 =	vld [tilespmem:s15+$0xFFFFFE80]  }
0x238: {  	s26 =	simm.s32 $0x3;
	v16 =	vor.u32 s17, v1;
	v15 =	vld [tilespmem:s15+$0xFFFFFF00]  }
0x239: {  	s13 =	simm.s32 $0x4;
	v18 =	vor.u32 s26, v1;
	v17 =	vld [tilespmem:s15+$0xFFFFFF80]  }
0x23a: {  	s16 =	simm.s32 $0x5;
	v20 =	vor.u32 s13, v1;
	v19 =	vld [tilespmem:s15+$0x0]  }
0x23b: {  	s18 =	simm.s32 $0x6;
	v22 =	vor.u32 s16, v1;
	v21 =	vld [tilespmem:s15+$0x80];
	[tilespmem:v12+s9+$0x0] =	vst.idx.msk $0xffff, v11  }
0x23c: {  	[tilespmem:v14+s9+$0x0] =	vst.idx.msk $0xffff, v13;
	v13 =	vld [tilespmem:s15+$0x100];
	v14 =	vor.u32 s18, v1  }
0x23d: {  	[tilespmem:v16+s9+$0x0] =	vst.idx.msk $0xffff, v15;
	v15 =	vld [tilespmem:s15+$0xFFFFFE00];
	v16 =	vor.u32 s12, v1  }
0x23e: {  	v12 =	vor.u32 s21, v4;
	[tilespmem:v18+s9+$0x0] =	vst.idx.msk $0xffff, v17;
	v11 =	vld [tilespmem:s15+$0x190]  }
0x23f: {  	v18 =	vor.u32 s14, v4;
	[tilespmem:v20+s9+$0x0] =	vst.idx.msk $0xffff, v19;
	v17 =	vld [tilespmem:s15+$0xFFFFFE90]  }
0x240: {  	v20 =	vor.u32 s17, v4;
	[tilespmem:v22+s9+$0x0] =	vst.idx.msk $0xffff, v21;
	v19 =	vld [tilespmem:s15+$0xFFFFFF10]  }
0x241: {  	v22 =	vor.u32 s26, v4;
	v21 =	vld [tilespmem:s15+$0xFFFFFF90];
	[tilespmem:v14+s9+$0x0] =	vst.idx.msk $0xffff, v13  }
0x242: {  	[tilespmem:v16+s9+$0x0] =	vst.idx.msk $0xffff, v15;
	v13 =	vld [tilespmem:s15+$0x10];
	v14 =	vor.u32 s13, v4  }
0x243: {  	v15 =	vld [tilespmem:s15+$0x90];
	v16 =	vor.u32 s16, v4;
	[tilespmem:v12+s9+$0x0] =	vst.idx.msk $0xffff, v11  }
0x244: {  	[tilespmem:v18+s9+$0x0] =	vst.idx.msk $0xffff, v17;
	v17 =	vld [tilespmem:s15+$0x110];
	v18 =	vor.u32 s18, v4  }
0x245: {  	v12 =	vor.u32 s21, v5;
	[tilespmem:v20+s9+$0x0] =	vst.idx.msk $0xffff, v19;
	v11 =	vld [tilespmem:s15+$0x1A0]  }
0x246: {  	v19 =	vld [tilespmem:s15+$0xFFFFFE10];
	v20 =	vor.u32 s12, v4;
	[tilespmem:v22+s9+$0x0] =	vst.idx.msk $0xffff, v21  }
0x247: {  	v22 =	vor.u32 s14, v5;
	v21 =	vld [tilespmem:s15+$0xFFFFFEA0];
	[tilespmem:v14+s9+$0x0] =	vst.idx.msk $0xffff, v13  }
0x248: {  	v13 =	vld [tilespmem:s15+$0xFFFFFF20];
	v14 =	vor.u32 s17, v5;
	[tilespmem:v16+s9+$0x0] =	vst.idx.msk $0xffff, v15  }
0x249: {  	v15 =	vld [tilespmem:s15+$0xFFFFFFA0];
	v16 =	vor.u32 s26, v5;
	[tilespmem:v18+s9+$0x0] =	vst.idx.msk $0xffff, v17  }
0x24a: {  	v17 =	vld [tilespmem:s15+$0x20];
	v18 =	vor.u32 s13, v5;
	[tilespmem:v12+s9+$0x0] =	vst.idx.msk $0xffff, v11  }
0x24b: {  	[tilespmem:v20+s9+$0x0] =	vst.idx.msk $0xffff, v19;
	v12 =	vor.u32 s21, v6;
	v11 =	vld [tilespmem:s15+$0x1B0]  }
0x24c: {  	v19 =	vld [tilespmem:s15+$0xA0];
	v20 =	vor.u32 s16, v5;
	[tilespmem:v22+s9+$0x0] =	vst.idx.msk $0xffff, v21  }
0x24d: {  	v21 =	vld [tilespmem:s15+$0x120];
	v22 =	vor.u32 s18, v5;
	[tilespmem:v14+s9+$0x0] =	vst.idx.msk $0xffff, v13  }
0x24e: {  	v13 =	vld [tilespmem:s15+$0xFFFFFE20];
	v14 =	vor.u32 s12, v5;
	[tilespmem:v16+s9+$0x0] =	vst.idx.msk $0xffff, v15  }
0x24f: {  	v15 =	vld [tilespmem:s15+$0xFFFFFEB0];
	v16 =	vor.u32 s14, v6;
	[tilespmem:v18+s9+$0x0] =	vst.idx.msk $0xffff, v17  }
0x250: {  	v17 =	vld [tilespmem:s15+$0xFFFFFF30];
	v18 =	vor.u32 s17, v6;
	[tilespmem:v12+s9+$0x0] =	vst.idx.msk $0xffff, v11  }
0x251: {  	[tilespmem:v20+s9+$0x0] =	vst.idx.msk $0xffff, v19;
	v12 =	vor.u32 s21, v7;
	v11 =	vld [tilespmem:s15+$0x1C0]  }
0x252: {  	v19 =	vld [tilespmem:s15+$0xFFFFFFB0];
	v20 =	vor.u32 s26, v6;
	[tilespmem:v22+s9+$0x0] =	vst.idx.msk $0xffff, v21  }
0x253: {  	v21 =	vld [tilespmem:s15+$0x30];
	v22 =	vor.u32 s13, v6;
	[tilespmem:v14+s9+$0x0] =	vst.idx.msk $0xffff, v13  }
0x254: {  	[tilespmem:v16+s9+$0x0] =	vst.idx.msk $0xffff, v15;
	v13 =	vld [tilespmem:s15+$0xB0];
	v14 =	vor.u32 s16, v6  }
0x255: {  	v15 =	vld [tilespmem:s15+$0x130];
	v16 =	vor.u32 s18, v6;
	[tilespmem:v18+s9+$0x0] =	vst.idx.msk $0xffff, v17  }
0x256: {  	v17 =	vld [tilespmem:s15+$0xFFFFFE30];
	v18 =	vor.u32 s12, v6;
	[tilespmem:v12+s9+$0x0] =	vst.idx.msk $0xffff, v11  }
0x257: {  	[tilespmem:v20+s9+$0x0] =	vst.idx.msk $0xffff, v19;
	v12 =	vor.u32 s21, v8;
	v11 =	vld [tilespmem:s15+$0x1D0]  }
0x258: {  	v19 =	vld [tilespmem:s15+$0xFFFFFEC0];
	v20 =	vor.u32 s14, v7;
	[tilespmem:v22+s9+$0x0] =	vst.idx.msk $0xffff, v21  }
0x259: {  	v21 =	vld [tilespmem:s15+$0xFFFFFF40];
	v22 =	vor.u32 s17, v7;
	[tilespmem:v14+s9+$0x0] =	vst.idx.msk $0xffff, v13  }
0x25a: {  	v13 =	vld [tilespmem:s15+$0xFFFFFFC0];
	v14 =	vor.u32 s26, v7;
	[tilespmem:v16+s9+$0x0] =	vst.idx.msk $0xffff, v15  }
0x25b: {  	v15 =	vld [tilespmem:s15+$0x40];
	v16 =	vor.u32 s13, v7;
	[tilespmem:v18+s9+$0x0] =	vst.idx.msk $0xffff, v17  }
0x25c: {  	v17 =	vld [tilespmem:s15+$0xC0];
	v18 =	vor.u32 s16, v7;
	[tilespmem:v12+s9+$0x0] =	vst.idx.msk $0xffff, v11  }
0x25d: {  	[tilespmem:v20+s9+$0x0] =	vst.idx.msk $0xffff, v19;
	v12 =	vor.u32 s21, v9;
	v11 =	vld [tilespmem:s15+$0x1E0]  }
0x25e: {  	v19 =	vld [tilespmem:s15+$0x140];
	v20 =	vor.u32 s18, v7;
	[tilespmem:v22+s9+$0x0] =	vst.idx.msk $0xffff, v21  }
0x25f: {  	v21 =	vld [tilespmem:s15+$0xFFFFFE40];
	v22 =	vor.u32 s12, v7;
	[tilespmem:v14+s9+$0x0] =	vst.idx.msk $0xffff, v13  }
0x260: {  	v13 =	vld [tilespmem:s15+$0xFFFFFED0];
	v14 =	vor.u32 s14, v8;
	[tilespmem:v16+s9+$0x0] =	vst.idx.msk $0xffff, v15  }
0x261: {  	v15 =	vld [tilespmem:s15+$0xFFFFFF50];
	v16 =	vor.u32 s17, v8;
	[tilespmem:v18+s9+$0x0] =	vst.idx.msk $0xffff, v17  }
0x262: {  	v17 =	vld [tilespmem:s15+$0xFFFFFFD0];
	v18 =	vor.u32 s26, v8;
	[tilespmem:v12+s9+$0x0] =	vst.idx.msk $0xffff, v11  }
0x263: {  	[tilespmem:v20+s9+$0x0] =	vst.idx.msk $0xffff, v19;
	v12 =	vor.u32 s21, v10;
	v11 =	vld [tilespmem:s15+$0x1F0]  }
0x264: {  	v19 =	vld [tilespmem:s15+$0x50];
	v20 =	vor.u32 s13, v8;
	[tilespmem:v22+s9+$0x0] =	vst.idx.msk $0xffff, v21  }
0x265: {  	v21 =	vld [tilespmem:s15+$0xD0];
	v22 =	vor.u32 s16, v8;
	[tilespmem:v14+s9+$0x0] =	vst.idx.msk $0xffff, v13  }
0x266: {  	v13 =	vld [tilespmem:s15+$0xFFFFFE50];
	v14 =	vor.u32 s12, v8;
	[tilespmem:v16+s9+$0x0] =	vst.idx.msk $0xffff, v15  }
0x267: {  	v16 =	vor.u32 s14, v9;
	v15 =	vld [tilespmem:s15+$0xFFFFFEE0];
	[tilespmem:v18+s9+$0x0] =	vst.idx.msk $0xffff, v17  }
0x268: {  	[tilespmem:v12+s9+$0x0] =	vst.idx.msk $0xffff, v11;
	v11 =	vld [tilespmem:s15+$0x150];
	v12 =	vor.u32 s18, v8  }
0x269: {  	v17 =	vld [tilespmem:s15+$0xFFFFFF60];
	v18 =	vor.u32 s17, v9;
	[tilespmem:v20+s9+$0x0] =	vst.idx.msk $0xffff, v19  }
0x26a: {  	v20 =	vor.u32 s26, v9;
	v19 =	vld [tilespmem:s15+$0xFFFFFFE0];
	[tilespmem:v22+s9+$0x0] =	vst.idx.msk $0xffff, v21  }
0x26b: {  	v21 =	vld [tilespmem:s15+$0x60];
	v22 =	vor.u32 s13, v9;
	[tilespmem:v14+s9+$0x0] =	vst.idx.msk $0xffff, v13  }
0x26c: {  	v23 =	vor.u32 s12, v9;
	[tilespmem:v16+s9+$0x0] =	vst.idx.msk $0xffff, v15;
	v16 =	vld [tilespmem:s15+$0xFFFFFE60]  }
0x26d: {  	[tilespmem:v12+s9+$0x0] =	vst.idx.msk $0xffff, v11;
	v11 =	vld [tilespmem:s15+$0xE0];
	v12 =	vor.u32 s16, v9  }
0x26e: {  	v15 =	vor.u32 s18, v9;
	[tilespmem:v18+s9+$0x0] =	vst.idx.msk $0xffff, v17;
	v13 =	vld [tilespmem:s15+$0x160]  }
0x26f: {  	v25 =	vor.u32 s14, v10;
	v24 =	vld [tilespmem:s15+$0xFFFFFEF0];
	[tilespmem:v20+s9+$0x0] =	vst.idx.msk $0xffff, v19  }
0x270: {  	v27 =	vor.u32 s17, v10;
	v26 =	vld [tilespmem:s15+$0xFFFFFF70];
	[tilespmem:v22+s9+$0x0] =	vst.idx.msk $0xffff, v21  }
0x271: {  	v20 =	vor.u32 s26, v10;
	v18 =	vld [tilespmem:s15+$0xFFFFFFF0];
	[tilespmem:v23+s9+$0x0] =	vst.idx.msk $0xffff, v16  }
0x272: {  	v19 =	vor.u32 s13, v10;
	v14 =	vld [tilespmem:s15+$0x70];
	[tilespmem:v12+s9+$0x0] =	vst.idx.msk $0xffff, v11  }
0x273: {  	v17 =	vor.u32 s16, v10;
	[tilespmem:v15+s9+$0x0] =	vst.idx.msk $0xffff, v13;
	v11 =	vld [tilespmem:s15+$0xF0]  }
0x274: {  	s11 =	simm.s32 $0x8;
	[tilespmem:v25+s9+$0x0] =	vst.idx.msk $0xffff, v24;
	v15 =	vor.u32 s18, v10;
	v12 =	vld [tilespmem:s15+$0x170]  }
0x275: {  	s14 =	simm.s32 $0x10;
	s13 =	simm.s32 $0xF;
	v16 =	vor.u32 s12, v10;
	s12 =	simm.s32 $0x600;
	[tilespmem:v27+s9+$0x0] =	vst.idx.msk $0xffff, v26;
	v13 =	vld [tilespmem:s15+$0xFFFFFE70]  }
.LBB2_7:
0x276: {  	p2 =	slt.u32 s14, $0x18;
	s16 =	sadd.s32 $0x1, s11;
	v21 =	vld [tilespmem:s12+$0x180];
	v22 =	vor.u32 s13, v1;
	[tilespmem:v20+s9+$0x0] =	vst.idx.msk $0xffff, v18;
	s15 =	smov.u32 s11  }
0x277: {  	s11 =	smov.u32 s14;
	v18 =	vld [tilespmem:s12+$0xFFFFFE80];
	v20 =	vor.u32 s16, v1;
	s17 =	sadd.s32 $0x2, s15;
	[tilespmem:v19+s9+$0x0] =	vst.idx.msk $0xffff, v14  }
0x278: {  	s18 =	sadd.s32 $0x3, s15;
	v14 =	vld [tilespmem:s12+$0xFFFFFF00];
	v19 =	vor.u32 s17, v1;
	[tilespmem:v17+s9+$0x0] =	vst.idx.msk $0xffff, v11  }
0x279: {  	s20 =	sadd.s32 $0x4, s15;
	v17 =	vor.u32 s18, v1;
	v11 =	vld [tilespmem:s12+$0xFFFFFF80];
	[tilespmem:v15+s9+$0x0] =	vst.idx.msk $0xffff, v12  }
0x27a: {  	s21 =	sadd.s32 $0x5, s15;
	v15 =	vor.u32 s20, v1;
	v12 =	vld [tilespmem:s12+$0x0];
	[tilespmem:v16+s9+$0x0] =	vst.idx.msk $0xffff, v13  }
0x27b: {  	v16 =	vor.u32 s21, v1;
	v13 =	vld [tilespmem:s12+$0x80];
	[tilespmem:v22+s9+$0x0] =	vst.idx.msk $0xffff, v21  }
0x27c: {  	s26 =	sadd.s32 $0x6, s15;
	[tilespmem:v20+s9+$0x0] =	vst.idx.msk $0xffff, v18;
	v18 =	vld [tilespmem:s12+$0x190];
	v20 =	vor.u32 s13, v4  }
0x27d: {  	[tilespmem:v19+s9+$0x0] =	vst.idx.msk $0xffff, v14;
	v14 =	vld [tilespmem:s12+$0x100];
	v19 =	vor.u32 s26, v1  }
0x27e: {  	v22 =	vor.u32 s15, v1;
	v21 =	vld [tilespmem:s12+$0xFFFFFE00];
	[tilespmem:v17+s9+$0x0] =	vst.idx.msk $0xffff, v11  }
0x27f: {  	v17 =	vor.u32 s16, v4;
	v11 =	vld [tilespmem:s12+$0xFFFFFE90];
	[tilespmem:v15+s9+$0x0] =	vst.idx.msk $0xffff, v12  }
0x280: {  	v15 =	vor.u32 s17, v4;
	v12 =	vld [tilespmem:s12+$0xFFFFFF10];
	[tilespmem:v16+s9+$0x0] =	vst.idx.msk $0xffff, v13  }
0x281: {  	v16 =	vor.u32 s18, v4;
	v13 =	vld [tilespmem:s12+$0xFFFFFF90];
	[tilespmem:v20+s9+$0x0] =	vst.idx.msk $0xffff, v18  }
0x282: {  	v18 =	vor.u32 s13, v5;
	[tilespmem:v19+s9+$0x0] =	vst.idx.msk $0xffff, v14;
	v14 =	vld [tilespmem:s12+$0x1A0]  }
0x283: {  	v20 =	vor.u32 s20, v4;
	[tilespmem:v22+s9+$0x0] =	vst.idx.msk $0xffff, v21;
	v19 =	vld [tilespmem:s12+$0x10]  }
0x284: {  	[tilespmem:v17+s9+$0x0] =	vst.idx.msk $0xffff, v11;
	v11 =	vld [tilespmem:s12+$0x90];
	v17 =	vor.u32 s21, v4  }
0x285: {  	[tilespmem:v15+s9+$0x0] =	vst.idx.msk $0xffff, v12;
	v12 =	vld [tilespmem:s12+$0x110];
	v15 =	vor.u32 s26, v4  }
0x286: {  	v22 =	vor.u32 s15, v4;
	v21 =	vld [tilespmem:s12+$0xFFFFFE10];
	[tilespmem:v16+s9+$0x0] =	vst.idx.msk $0xffff, v13  }
0x287: {  	v16 =	vor.u32 s16, v5;
	v13 =	vld [tilespmem:s12+$0xFFFFFEA0];
	[tilespmem:v18+s9+$0x0] =	vst.idx.msk $0xffff, v14  }
0x288: {  	v18 =	vor.u32 s13, v6;
	[tilespmem:v20+s9+$0x0] =	vst.idx.msk $0xffff, v19;
	v14 =	vld [tilespmem:s12+$0x1B0]  }
0x289: {  	v20 =	vor.u32 s17, v5;
	v19 =	vld [tilespmem:s12+$0xFFFFFF20];
	[tilespmem:v17+s9+$0x0] =	vst.idx.msk $0xffff, v11  }
0x28a: {  	v17 =	vor.u32 s18, v5;
	v11 =	vld [tilespmem:s12+$0xFFFFFFA0];
	[tilespmem:v15+s9+$0x0] =	vst.idx.msk $0xffff, v12  }
0x28b: {  	v15 =	vor.u32 s20, v5;
	[tilespmem:v22+s9+$0x0] =	vst.idx.msk $0xffff, v21;
	v12 =	vld [tilespmem:s12+$0x20]  }
0x28c: {  	[tilespmem:v16+s9+$0x0] =	vst.idx.msk $0xffff, v13;
	v13 =	vld [tilespmem:s12+$0xA0];
	v16 =	vor.u32 s21, v5  }
0x28d: {  	v22 =	vor.u32 s26, v5;
	v21 =	vld [tilespmem:s12+$0x120];
	[tilespmem:v18+s9+$0x0] =	vst.idx.msk $0xffff, v14  }
0x28e: {  	v18 =	vor.u32 s13, v7;
	[tilespmem:v20+s9+$0x0] =	vst.idx.msk $0xffff, v19;
	v14 =	vld [tilespmem:s12+$0x1C0]  }
0x28f: {  	v20 =	vor.u32 s15, v5;
	v19 =	vld [tilespmem:s12+$0xFFFFFE20];
	[tilespmem:v17+s9+$0x0] =	vst.idx.msk $0xffff, v11  }
0x290: {  	v17 =	vor.u32 s16, v6;
	v11 =	vld [tilespmem:s12+$0xFFFFFEB0];
	[tilespmem:v15+s9+$0x0] =	vst.idx.msk $0xffff, v12  }
0x291: {  	v15 =	vor.u32 s17, v6;
	v12 =	vld [tilespmem:s12+$0xFFFFFF30];
	[tilespmem:v16+s9+$0x0] =	vst.idx.msk $0xffff, v13  }
0x292: {  	v16 =	vor.u32 s18, v6;
	v13 =	vld [tilespmem:s12+$0xFFFFFFB0];
	[tilespmem:v22+s9+$0x0] =	vst.idx.msk $0xffff, v21  }
0x293: {  	v22 =	vor.u32 s20, v6;
	v21 =	vld [tilespmem:s12+$0x30];
	[tilespmem:v18+s9+$0x0] =	vst.idx.msk $0xffff, v14  }
0x294: {  	v18 =	vor.u32 s13, v8;
	[tilespmem:v20+s9+$0x0] =	vst.idx.msk $0xffff, v19;
	v14 =	vld [tilespmem:s12+$0x1D0]  }
0x295: {  	[tilespmem:v17+s9+$0x0] =	vst.idx.msk $0xffff, v11;
	v11 =	vld [tilespmem:s12+$0xB0];
	v17 =	vor.u32 s21, v6  }
0x296: {  	[tilespmem:v15+s9+$0x0] =	vst.idx.msk $0xffff, v12;
	v12 =	vld [tilespmem:s12+$0x130];
	v15 =	vor.u32 s26, v6  }
0x297: {  	v20 =	vor.u32 s15, v6;
	v19 =	vld [tilespmem:s12+$0xFFFFFE30];
	[tilespmem:v16+s9+$0x0] =	vst.idx.msk $0xffff, v13  }
0x298: {  	v16 =	vor.u32 s16, v7;
	v13 =	vld [tilespmem:s12+$0xFFFFFEC0];
	[tilespmem:v22+s9+$0x0] =	vst.idx.msk $0xffff, v21  }
0x299: {  	v22 =	vor.u32 s17, v7;
	v21 =	vld [tilespmem:s12+$0xFFFFFF40];
	[tilespmem:v18+s9+$0x0] =	vst.idx.msk $0xffff, v14  }
0x29a: {  	v14 =	vor.u32 s13, v9;
	[tilespmem:v17+s9+$0x0] =	vst.idx.msk $0xffff, v11;
	v11 =	vld [tilespmem:s12+$0x1E0]  }
0x29b: {  	v18 =	vor.u32 s18, v7;
	v17 =	vld [tilespmem:s12+$0xFFFFFFC0];
	[tilespmem:v15+s9+$0x0] =	vst.idx.msk $0xffff, v12  }
0x29c: {  	v15 =	vor.u32 s20, v7;
	[tilespmem:v20+s9+$0x0] =	vst.idx.msk $0xffff, v19;
	v12 =	vld [tilespmem:s12+$0x40]  }
0x29d: {  	[tilespmem:v16+s9+$0x0] =	vst.idx.msk $0xffff, v13;
	v13 =	vld [tilespmem:s12+$0xC0];
	v16 =	vor.u32 s21, v7  }
0x29e: {  	v20 =	vor.u32 s26, v7;
	[tilespmem:v22+s9+$0x0] =	vst.idx.msk $0xffff, v21;
	v19 =	vld [tilespmem:s12+$0x140]  }
0x29f: {  	v22 =	vor.u32 s15, v7;
	v21 =	vld [tilespmem:s12+$0xFFFFFE40];
	[tilespmem:v14+s9+$0x0] =	vst.idx.msk $0xffff, v11  }
0x2a0: {  	v14 =	vor.u32 s13, v10;
	[tilespmem:v18+s9+$0x0] =	vst.idx.msk $0xffff, v17;
	v11 =	vld [tilespmem:s12+$0x1F0]  }
0x2a1: {  	v18 =	vor.u32 s16, v8;
	v17 =	vld [tilespmem:s12+$0xFFFFFED0];
	[tilespmem:v15+s9+$0x0] =	vst.idx.msk $0xffff, v12  }
0x2a2: {  	v15 =	vor.u32 s17, v8;
	v12 =	vld [tilespmem:s12+$0xFFFFFF50];
	[tilespmem:v16+s9+$0x0] =	vst.idx.msk $0xffff, v13  }
0x2a3: {  	v16 =	vor.u32 s18, v8;
	v13 =	vld [tilespmem:s12+$0xFFFFFFD0];
	[tilespmem:v20+s9+$0x0] =	vst.idx.msk $0xffff, v19  }
0x2a4: {  	v20 =	vor.u32 s20, v8;
	[tilespmem:v22+s9+$0x0] =	vst.idx.msk $0xffff, v21;
	v19 =	vld [tilespmem:s12+$0x50]  }
0x2a5: {  	v22 =	vor.u32 s21, v8;
	v21 =	vld [tilespmem:s12+$0xD0];
	[tilespmem:v14+s9+$0x0] =	vst.idx.msk $0xffff, v11  }
0x2a6: {  	v14 =	vor.u32 s26, v8;
	[tilespmem:v18+s9+$0x0] =	vst.idx.msk $0xffff, v17;
	v11 =	vld [tilespmem:s12+$0x150]  }
0x2a7: {  	v18 =	vor.u32 s15, v8;
	v17 =	vld [tilespmem:s12+$0xFFFFFE50];
	[tilespmem:v15+s9+$0x0] =	vst.idx.msk $0xffff, v12  }
0x2a8: {  	v15 =	vor.u32 s16, v9;
	v12 =	vld [tilespmem:s12+$0xFFFFFEE0];
	[tilespmem:v16+s9+$0x0] =	vst.idx.msk $0xffff, v13  }
0x2a9: {  	v16 =	vor.u32 s17, v9;
	v13 =	vld [tilespmem:s12+$0xFFFFFF60];
	[tilespmem:v20+s9+$0x0] =	vst.idx.msk $0xffff, v19  }
0x2aa: {  	v20 =	vor.u32 s18, v9;
	v19 =	vld [tilespmem:s12+$0xFFFFFFE0];
	[tilespmem:v22+s9+$0x0] =	vst.idx.msk $0xffff, v21  }
0x2ab: {  	v22 =	vor.u32 s20, v9;
	v21 =	vld [tilespmem:s12+$0x60];
	[tilespmem:v14+s9+$0x0] =	vst.idx.msk $0xffff, v11  }
0x2ac: {  	v14 =	vor.u32 s21, v9;
	[tilespmem:v18+s9+$0x0] =	vst.idx.msk $0xffff, v17;
	v11 =	vld [tilespmem:s12+$0xE0]  }
0x2ad: {  	[tilespmem:v15+s9+$0x0] =	vst.idx.msk $0xffff, v12;
	v12 =	vld [tilespmem:s12+$0x160];
	v15 =	vor.u32 s26, v9  }
0x2ae: {  	v23 =	vor.u32 s15, v9;
	v17 =	vld [tilespmem:s12+$0xFFFFFE60];
	[tilespmem:v16+s9+$0x0] =	vst.idx.msk $0xffff, v13  }
0x2af: {  	v16 =	vor.u32 s16, v10;
	v13 =	vld [tilespmem:s12+$0xFFFFFEF0];
	[tilespmem:v20+s9+$0x0] =	vst.idx.msk $0xffff, v19  }
0x2b0: {  	v25 =	vor.u32 s17, v10;
	v24 =	vld [tilespmem:s12+$0xFFFFFF70];
	[tilespmem:v22+s9+$0x0] =	vst.idx.msk $0xffff, v21  }
.Ltmp5:
0x2b1: {  	v20 =	vor.u32 s18, v10;
	v18 =	vld [tilespmem:s12+$0xFFFFFFF0];
	[tilespmem:v14+s9+$0x0] =	vst.idx.msk $0xffff, v11;
	(pc) =	sbr.rel @p2 .LBB2_7-.Ltmp5, $4  }
0x2b2: {  	v19 =	vor.u32 s20, v10;
	v14 =	vld [tilespmem:s12+$0x70];
	[tilespmem:v15+s9+$0x0] =	vst.idx.msk $0xffff, v12  }
0x2b3: {  	[tilespmem:v23+s9+$0x0] =	vst.idx.msk $0xffff, v17;
	v11 =	vld [tilespmem:s12+$0xF0];
	v17 =	vor.u32 s21, v10  }
0x2b4: {  	v15 =	vor.u32 s26, v10;
	[tilespmem:v16+s9+$0x0] =	vst.idx.msk $0xffff, v13;
	v12 =	vld [tilespmem:s12+$0x170]  }
0x2b5: {  	s14 =	sadd.s32 $0x8, s14;
	s13 =	sadd.s32 $0x7, s11;
	v16 =	vor.u32 s15, v10;
	v13 =	vld [tilespmem:s12+$0xFFFFFE70];
	[tilespmem:v25+s9+$0x0] =	vst.idx.msk $0xffff, v24;
	s12 =	sadd.s32 $0x400, s12  }
0x2b6: {  	_ =	sdelay $0x3  }
0x2b7: {  	v21 =	vld [tilespmem:s12+$0x180];
	v22 =	vor.u32 s13, v1;
	[tilespmem:v20+s9+$0x0] =	vst.idx.msk $0xffff, v18  }
0x2b8: {  	s14 =	sadd.s32 $0x1, s11;
	v49 =	vld [tilespmem:s12+$0xFFFFFE00];
	v50 =	vor.u32 s11, v1;
	[tilespmem:v19+s9+$0x0] =	vst.idx.msk $0xffff, v14  }
0x2b9: {  	v36 =	vld [tilespmem:s12+$0xFFFFFE80];
	s15 =	sadd.s32 $0x2, s11;
	v37 =	vor.u32 s14, v1;
	[tilespmem:v17+s9+$0x0] =	vst.idx.msk $0xffff, v11  }
0x2ba: {  	v38 =	vld [tilespmem:s12+$0xFFFFFF00];
	s17 =	sadd.s32 $0x4, s11;
	v39 =	vor.u32 s15, v1;
	[tilespmem:v15+s9+$0x0] =	vst.idx.msk $0xffff, v12  }
0x2bb: {  	s16 =	sadd.s32 $0x3, s11;
	v41 =	vld [tilespmem:s12+$0x0];
	v42 =	vor.u32 s17, v1;
	[tilespmem:v16+s9+$0x0] =	vst.idx.msk $0xffff, v13  }
0x2bc: {  	s18 =	sadd.s32 $0x5, s11;
	v40 =	vor.u32 s16, v1;
	v11 =	vld [tilespmem:s12+$0xFFFFFF80];
	[tilespmem:v22+s9+$0x0] =	vst.idx.msk $0xffff, v21  }
0x2bd: {  	v43 =	vld [tilespmem:s12+$0x80];
	s20 =	sadd.s32 $0x6, s11;
	v44 =	vor.u32 s18, v1;
	[tilespmem:v50+s9+$0x0] =	vst.idx.msk $0xffff, v49  }
0x2be: {  	v47 =	vld [tilespmem:s12+$0x100];
	v48 =	vor.u32 s20, v1;
	[tilespmem:v37+s9+$0x0] =	vst.idx.msk $0xffff, v36  }
0x2bf: {  	v46 =	vor.u32 s13, v4;
	v45 =	vld [tilespmem:s12+$0x190];
	[tilespmem:v39+s9+$0x0] =	vst.idx.msk $0xffff, v38  }
0x2c0: {  	v63 =	vor.u32 s11, v4;
	[tilespmem:v42+s9+$0x0] =	vst.idx.msk $0xffff, v41;
	v21 =	vld [tilespmem:s12+$0xFFFFFE10]  }
0x2c1: {  	v51 =	vor.u32 s14, v4;
	[tilespmem:v40+s9+$0x0] =	vst.idx.msk $0xffff, v11;
	v11 =	vld [tilespmem:s12+$0xFFFFFE90]  }
0x2c2: {  	v53 =	vor.u32 s15, v4;
	[tilespmem:v44+s9+$0x0] =	vst.idx.msk $0xffff, v43;
	v52 =	vld [tilespmem:s12+$0xFFFFFF10]  }
0x2c3: {  	v59 =	vor.u32 s17, v4;
	[tilespmem:v48+s9+$0x0] =	vst.idx.msk $0xffff, v47;
	v58 =	vld [tilespmem:s12+$0x10]  }
0x2c4: {  	v62 =	vor.u32 s20, v4;
	v61 =	vld [tilespmem:s12+$0x110];
	[tilespmem:v46+s9+$0x0] =	vst.idx.msk $0xffff, v45  }
0x2c5: {  	v55 =	vor.u32 s16, v4;
	v54 =	vld [tilespmem:s12+$0xFFFFFF90];
	[tilespmem:v63+s9+$0x0] =	vst.idx.msk $0xffff, v21  }
0x2c6: {  	v57 =	vor.u32 s13, v5;
	v56 =	vld [tilespmem:s12+$0x1A0];
	[tilespmem:v51+s9+$0x0] =	vst.idx.msk $0xffff, v11  }
0x2c7: {  	v60 =	vor.u32 s18, v4;
	v11 =	vld [tilespmem:s12+$0x90];
	[tilespmem:v53+s9+$0x0] =	vst.idx.msk $0xffff, v52  }
0x2c8: {  	v38 =	vor.u32 s11, v5;
	[tilespmem:v59+s9+$0x0] =	vst.idx.msk $0xffff, v58;
	v37 =	vld [tilespmem:s12+$0xFFFFFE20]  }
0x2c9: {  	v25 =	vor.u32 s14, v5;
	[tilespmem:v62+s9+$0x0] =	vst.idx.msk $0xffff, v61;
	v24 =	vld [tilespmem:s12+$0xFFFFFEA0]  }
0x2ca: {  	v28 =	vor.u32 s15, v5;
	[tilespmem:v55+s9+$0x0] =	vst.idx.msk $0xffff, v54;
	v27 =	vld [tilespmem:s12+$0xFFFFFF20]  }
0x2cb: {  	v31 =	vor.u32 s17, v5;
	v30 =	vld [tilespmem:s12+$0x20];
	[tilespmem:v57+s9+$0x0] =	vst.idx.msk $0xffff, v56  }
0x2cc: {  	v35 =	vor.u32 s20, v5;
	v34 =	vld [tilespmem:s12+$0x120];
	[tilespmem:v60+s9+$0x0] =	vst.idx.msk $0xffff, v11  }
0x2cd: {  	v26 =	vor.u32 s13, v6;
	[tilespmem:v38+s9+$0x0] =	vst.idx.msk $0xffff, v37;
	v14 =	vld [tilespmem:s12+$0x1B0]  }
0x2ce: {  	v29 =	vor.u32 s16, v5;
	v11 =	vld [tilespmem:s12+$0xFFFFFFA0];
	[tilespmem:v25+s9+$0x0] =	vst.idx.msk $0xffff, v24  }
0x2cf: {  	v33 =	vor.u32 s18, v5;
	v32 =	vld [tilespmem:s12+$0xA0];
	[tilespmem:v28+s9+$0x0] =	vst.idx.msk $0xffff, v27  }
0x2d0: {  	v50 =	vor.u32 s11, v6;
	[tilespmem:v31+s9+$0x0] =	vst.idx.msk $0xffff, v30;
	v19 =	vld [tilespmem:s12+$0xFFFFFE30]  }
0x2d1: {  	v41 =	vor.u32 s15, v6;
	[tilespmem:v35+s9+$0x0] =	vst.idx.msk $0xffff, v34;
	v40 =	vld [tilespmem:s12+$0xFFFFFF30]  }
0x2d2: {  	v45 =	vor.u32 s17, v6;
	v44 =	vld [tilespmem:s12+$0x30];
	[tilespmem:v26+s9+$0x0] =	vst.idx.msk $0xffff, v14  }
0x2d3: {  	v36 =	vor.u32 s13, v7;
	[tilespmem:v29+s9+$0x0] =	vst.idx.msk $0xffff, v11;
	v14 =	vld [tilespmem:s12+$0x1C0]  }
0x2d4: {  	v49 =	vor.u32 s20, v6;
	v48 =	vld [tilespmem:s12+$0x130];
	[tilespmem:v33+s9+$0x0] =	vst.idx.msk $0xffff, v32  }
0x2d5: {  	v39 =	vor.u32 s14, v6;
	v11 =	vld [tilespmem:s12+$0xFFFFFEB0];
	[tilespmem:v50+s9+$0x0] =	vst.idx.msk $0xffff, v19  }
0x2d6: {  	v43 =	vor.u32 s16, v6;
	v42 =	vld [tilespmem:s12+$0xFFFFFFB0];
	[tilespmem:v41+s9+$0x0] =	vst.idx.msk $0xffff, v40  }
0x2d7: {  	v25 =	vor.u32 s11, v7;
	[tilespmem:v45+s9+$0x0] =	vst.idx.msk $0xffff, v44;
	v24 =	vld [tilespmem:s12+$0xFFFFFE40]  }
0x2d8: {  	v54 =	vor.u32 s15, v7;
	v53 =	vld [tilespmem:s12+$0xFFFFFF40];
	[tilespmem:v36+s9+$0x0] =	vst.idx.msk $0xffff, v14  }
0x2d9: {  	v46 =	vor.u32 s13, v8;
	[tilespmem:v49+s9+$0x0] =	vst.idx.msk $0xffff, v48;
	v14 =	vld [tilespmem:s12+$0x1D0]  }
0x2da: {  	v47 =	vor.u32 s18, v6;
	[tilespmem:v39+s9+$0x0] =	vst.idx.msk $0xffff, v11;
	v11 =	vld [tilespmem:s12+$0xB0]  }
0x2db: {  	v59 =	vor.u32 s17, v7;
	v58 =	vld [tilespmem:s12+$0x40];
	[tilespmem:v43+s9+$0x0] =	vst.idx.msk $0xffff, v42  }
0x2dc: {  	v63 =	vor.u32 s20, v7;
	v62 =	vld [tilespmem:s12+$0x140];
	[tilespmem:v25+s9+$0x0] =	vst.idx.msk $0xffff, v24  }
0x2dd: {  	v52 =	vor.u32 s14, v7;
	v51 =	vld [tilespmem:s12+$0xFFFFFEC0];
	[tilespmem:v54+s9+$0x0] =	vst.idx.msk $0xffff, v53  }
0x2de: {  	v57 =	vor.u32 s16, v7;
	v56 =	vld [tilespmem:s12+$0xFFFFFFC0];
	[tilespmem:v46+s9+$0x0] =	vst.idx.msk $0xffff, v14  }
0x2df: {  	v55 =	vor.u32 s13, v9;
	[tilespmem:v47+s9+$0x0] =	vst.idx.msk $0xffff, v11;
	v11 =	vld [tilespmem:s12+$0x1E0]  }
0x2e0: {  	v39 =	vor.u32 s11, v8;
	[tilespmem:v59+s9+$0x0] =	vst.idx.msk $0xffff, v58;
	v38 =	vld [tilespmem:s12+$0xFFFFFE50]  }
0x2e1: {  	v30 =	vor.u32 s15, v8;
	[tilespmem:v63+s9+$0x0] =	vst.idx.msk $0xffff, v62;
	v29 =	vld [tilespmem:s12+$0xFFFFFF50]  }
0x2e2: {  	v34 =	vor.u32 s17, v8;
	v33 =	vld [tilespmem:s12+$0x50];
	[tilespmem:v52+s9+$0x0] =	vst.idx.msk $0xffff, v51  }
0x2e3: {  	v61 =	vor.u32 s18, v7;
	v60 =	vld [tilespmem:s12+$0xC0];
	[tilespmem:v57+s9+$0x0] =	vst.idx.msk $0xffff, v56  }
0x2e4: {  	v28 =	vor.u32 s14, v8;
	v27 =	vld [tilespmem:s12+$0xFFFFFED0];
	[tilespmem:v55+s9+$0x0] =	vst.idx.msk $0xffff, v11  }
0x2e5: {  	v26 =	vor.u32 s13, v10;
	[tilespmem:v39+s9+$0x0] =	vst.idx.msk $0xffff, v38;
	v11 =	vld [tilespmem:s12+$0x1F0]  }
0x2e6: {  	v32 =	vor.u32 s16, v8;
	v31 =	vld [tilespmem:s12+$0xFFFFFFD0];
	[tilespmem:v30+s9+$0x0] =	vst.idx.msk $0xffff, v29  }
0x2e7: {  	v51 =	vor.u32 s11, v9;
	[tilespmem:v34+s9+$0x0] =	vst.idx.msk $0xffff, v33;
	v17 =	vld [tilespmem:s12+$0xFFFFFE60]  }
0x2e8: {  	v43 =	vor.u32 s15, v9;
	v42 =	vld [tilespmem:s12+$0xFFFFFF60];
	[tilespmem:v61+s9+$0x0] =	vst.idx.msk $0xffff, v60  }
0x2e9: {  	v36 =	vor.u32 s18, v8;
	v35 =	vld [tilespmem:s12+$0xD0];
	[tilespmem:v28+s9+$0x0] =	vst.idx.msk $0xffff, v27  }
0x2ea: {  	v37 =	vor.u32 s20, v8;
	[tilespmem:v26+s9+$0x0] =	vst.idx.msk $0xffff, v11;
	v11 =	vld [tilespmem:s12+$0x150]  }
0x2eb: {  	v47 =	vor.u32 s17, v9;
	v46 =	vld [tilespmem:s12+$0x60];
	[tilespmem:v32+s9+$0x0] =	vst.idx.msk $0xffff, v31  }
0x2ec: {  	v41 =	vor.u32 s14, v9;
	v40 =	vld [tilespmem:s12+$0xFFFFFEE0];
	[tilespmem:v51+s9+$0x0] =	vst.idx.msk $0xffff, v17  }
0x2ed: {  	v45 =	vor.u32 s16, v9;
	v44 =	vld [tilespmem:s12+$0xFFFFFFE0];
	[tilespmem:v43+s9+$0x0] =	vst.idx.msk $0xffff, v42  }
0x2ee: {  	v63 =	vor.u32 s11, v10;
	v17 =	vld [tilespmem:s12+$0xFFFFFE70];
	[tilespmem:v36+s9+$0x0] =	vst.idx.msk $0xffff, v35  }
0x2ef: {  	v48 =	vor.u32 s18, v9;
	[tilespmem:v37+s9+$0x0] =	vst.idx.msk $0xffff, v11;
	v11 =	vld [tilespmem:s12+$0xE0]  }
0x2f0: {  	v50 =	vor.u32 s20, v9;
	[tilespmem:v47+s9+$0x0] =	vst.idx.msk $0xffff, v46;
	v49 =	vld [tilespmem:s12+$0x160]  }
0x2f1: {  	v55 =	vor.u32 s15, v10;
	v54 =	vld [tilespmem:s12+$0xFFFFFF70];
	[tilespmem:v41+s9+$0x0] =	vst.idx.msk $0xffff, v40  }
0x2f2: {  	v53 =	vor.u32 s14, v10;
	v52 =	vld [tilespmem:s12+$0xFFFFFEF0];
	[tilespmem:v45+s9+$0x0] =	vst.idx.msk $0xffff, v44  }
0x2f3: {  	v57 =	vor.u32 s16, v10;
	v56 =	vld [tilespmem:s12+$0xFFFFFFF0];
	[tilespmem:v63+s9+$0x0] =	vst.idx.msk $0xffff, v17  }
0x2f4: {  	v58 =	vor.u32 s17, v10;
	[tilespmem:v48+s9+$0x0] =	vst.idx.msk $0xffff, v11;
	v11 =	vld [tilespmem:s12+$0x70]  }
0x2f5: {  	v60 =	vor.u32 s18, v10;
	[tilespmem:v50+s9+$0x0] =	vst.idx.msk $0xffff, v49;
	v59 =	vld [tilespmem:s12+$0xF0]  }
0x2f6: {  	v62 =	vor.u32 s20, v10;
	[tilespmem:v55+s9+$0x0] =	vst.idx.msk $0xffff, v54;
	v61 =	vld [tilespmem:s12+$0x170]  }
0x2f7: {  	[tilespmem:v53+s9+$0x0] =	vst.idx.msk $0xffff, v52  }
0x2f8: {  	[tilespmem:v57+s9+$0x0] =	vst.idx.msk $0xffff, v56  }
0x2f9: {  	[tilespmem:v58+s9+$0x0] =	vst.idx.msk $0xffff, v11  }
0x2fa: {  	[tilespmem:v60+s9+$0x0] =	vst.idx.msk $0xffff, v59  }
0x2fb: {  	[tilespmem:v62+s9+$0x0] =	vst.idx.msk $0xffff, v61  }
0x2fc: {  	s15 =	rddreg [dreg:$0x16]  }
0x2fd: {  	[hbm4b:s15+s3] =	stream.linear.scatter [tilespmem:s9], [sflag:$0xA], $0x400, $0x38;
	[tilespmem:$0x10000] =	vst v63  }
0x2fe: {  	s17 =	simm.s32 $0x4800;
	s16 =	sadd.s32 $0x80, s15  }
0x2ff: {  	[hbm4b:s16+s3] =	stream.linear.scatter [tilespmem:s17], [sflag:$0xA], $0x400, $0x38;
	[tilespmem:$0x10000] =	vst v63  }
0x300: {  	s20 =	simm.s32 $0x5000;
	s18 =	sadd.s32 $0x100, s15  }
0x301: {  	[hbm4b:s18+s3] =	stream.linear.scatter [tilespmem:s20], [sflag:$0xA], $0x400, $0x38;
	[tilespmem:$0x10000] =	vst v63  }
0x302: {  	s26 =	simm.s32 $0x5800;
	s21 =	sadd.s32 $0x180, s15  }
0x303: {  	[hbm4b:s21+s3] =	stream.linear.scatter [tilespmem:s26], [sflag:$0xA], $0x400, $0x38;
	[tilespmem:$0x10000] =	vst v63  }
0x304: {  	_ =	swait.ge [sflag:s25], $0x1000  }
0x305: {  	[sflag:s25] =	ssyncset.done $0x0  }
0x306: {  	[sflag:s25] =	ssyncadd.s32 $0xFFFFF000  }
.LBB2_9:
.Ltmp6:
0x307: {  	(pc) =	sbr.rel @p0 .LBB2_13-.Ltmp6, $1  }
0x308: {  	_ =	sdelay $0x3  }
0x309: {  	s12 =	simm.s32 $0x0;
	s11 =	rddreg [dreg:$0x2]  }
0x30a: {  	[tilespmem:s12], [sflag:$0xA] =	stream.linear.gather [hbm4b:s11+s12], $0x1000, $0x38;
	[tilespmem:$0x10000] =	vst v63  }
0x30b: {  	_ =	swait.ge [sflag:s25], $0x1000  }
0x30c: {  	[sflag:s25] =	ssyncset.done $0x0  }
0x30d: {  	s15 =	simm.s32 $0x200;
	s20 =	simm.s32 $0x7;
	[sflag:s25] =	ssyncadd.s32 $0xFFFFF000  }
0x30e: {  	s14 =	simm.s32 $0x1;
	v12 =	vor.u32 s20, v1;
	v11 =	vld [tilespmem:s15+$0x180]  }
0x30f: {  	s17 =	simm.s32 $0x2;
	v14 =	vor.u32 s14, v1;
	v13 =	vld [tilespmem:s15+$0xFFFFFE80]  }
0x310: {  	s26 =	simm.s32 $0x3;
	v16 =	vor.u32 s17, v1;
	v15 =	vld [tilespmem:s15+$0xFFFFFF00]  }
0x311: {  	s13 =	simm.s32 $0x4;
	v18 =	vor.u32 s26, v1;
	v17 =	vld [tilespmem:s15+$0xFFFFFF80]  }
0x312: {  	s16 =	simm.s32 $0x5;
	v20 =	vor.u32 s13, v1;
	v19 =	vld [tilespmem:s15+$0x0]  }
0x313: {  	s18 =	simm.s32 $0x6;
	v22 =	vor.u32 s16, v1;
	v21 =	vld [tilespmem:s15+$0x80];
	[tilespmem:v12+s9+$0x0] =	vst.idx.msk $0xffff, v11  }
0x314: {  	[tilespmem:v14+s9+$0x0] =	vst.idx.msk $0xffff, v13;
	v13 =	vld [tilespmem:s15+$0x100];
	v14 =	vor.u32 s18, v1  }
0x315: {  	[tilespmem:v16+s9+$0x0] =	vst.idx.msk $0xffff, v15;
	v15 =	vld [tilespmem:s15+$0xFFFFFE00];
	v16 =	vor.u32 s12, v1  }
0x316: {  	v12 =	vor.u32 s20, v4;
	[tilespmem:v18+s9+$0x0] =	vst.idx.msk $0xffff, v17;
	v11 =	vld [tilespmem:s15+$0x190]  }
0x317: {  	v18 =	vor.u32 s14, v4;
	[tilespmem:v20+s9+$0x0] =	vst.idx.msk $0xffff, v19;
	v17 =	vld [tilespmem:s15+$0xFFFFFE90]  }
0x318: {  	v20 =	vor.u32 s17, v4;
	[tilespmem:v22+s9+$0x0] =	vst.idx.msk $0xffff, v21;
	v19 =	vld [tilespmem:s15+$0xFFFFFF10]  }
0x319: {  	v22 =	vor.u32 s26, v4;
	v21 =	vld [tilespmem:s15+$0xFFFFFF90];
	[tilespmem:v14+s9+$0x0] =	vst.idx.msk $0xffff, v13  }
0x31a: {  	[tilespmem:v16+s9+$0x0] =	vst.idx.msk $0xffff, v15;
	v13 =	vld [tilespmem:s15+$0x10];
	v14 =	vor.u32 s13, v4  }
0x31b: {  	v15 =	vld [tilespmem:s15+$0x90];
	v16 =	vor.u32 s16, v4;
	[tilespmem:v12+s9+$0x0] =	vst.idx.msk $0xffff, v11  }
0x31c: {  	[tilespmem:v18+s9+$0x0] =	vst.idx.msk $0xffff, v17;
	v17 =	vld [tilespmem:s15+$0x110];
	v18 =	vor.u32 s18, v4  }
0x31d: {  	v12 =	vor.u32 s20, v5;
	[tilespmem:v20+s9+$0x0] =	vst.idx.msk $0xffff, v19;
	v11 =	vld [tilespmem:s15+$0x1A0]  }
0x31e: {  	v19 =	vld [tilespmem:s15+$0xFFFFFE10];
	v20 =	vor.u32 s12, v4;
	[tilespmem:v22+s9+$0x0] =	vst.idx.msk $0xffff, v21  }
0x31f: {  	v22 =	vor.u32 s14, v5;
	v21 =	vld [tilespmem:s15+$0xFFFFFEA0];
	[tilespmem:v14+s9+$0x0] =	vst.idx.msk $0xffff, v13  }
0x320: {  	v13 =	vld [tilespmem:s15+$0xFFFFFF20];
	v14 =	vor.u32 s17, v5;
	[tilespmem:v16+s9+$0x0] =	vst.idx.msk $0xffff, v15  }
0x321: {  	v15 =	vld [tilespmem:s15+$0xFFFFFFA0];
	v16 =	vor.u32 s26, v5;
	[tilespmem:v18+s9+$0x0] =	vst.idx.msk $0xffff, v17  }
0x322: {  	v17 =	vld [tilespmem:s15+$0x20];
	v18 =	vor.u32 s13, v5;
	[tilespmem:v12+s9+$0x0] =	vst.idx.msk $0xffff, v11  }
0x323: {  	[tilespmem:v20+s9+$0x0] =	vst.idx.msk $0xffff, v19;
	v12 =	vor.u32 s20, v6;
	v11 =	vld [tilespmem:s15+$0x1B0]  }
0x324: {  	v19 =	vld [tilespmem:s15+$0xA0];
	v20 =	vor.u32 s16, v5;
	[tilespmem:v22+s9+$0x0] =	vst.idx.msk $0xffff, v21  }
0x325: {  	v21 =	vld [tilespmem:s15+$0x120];
	v22 =	vor.u32 s18, v5;
	[tilespmem:v14+s9+$0x0] =	vst.idx.msk $0xffff, v13  }
0x326: {  	v13 =	vld [tilespmem:s15+$0xFFFFFE20];
	v14 =	vor.u32 s12, v5;
	[tilespmem:v16+s9+$0x0] =	vst.idx.msk $0xffff, v15  }
0x327: {  	v15 =	vld [tilespmem:s15+$0xFFFFFEB0];
	v16 =	vor.u32 s14, v6;
	[tilespmem:v18+s9+$0x0] =	vst.idx.msk $0xffff, v17  }
0x328: {  	v17 =	vld [tilespmem:s15+$0xFFFFFF30];
	v18 =	vor.u32 s17, v6;
	[tilespmem:v12+s9+$0x0] =	vst.idx.msk $0xffff, v11  }
0x329: {  	[tilespmem:v20+s9+$0x0] =	vst.idx.msk $0xffff, v19;
	v12 =	vor.u32 s20, v7;
	v11 =	vld [tilespmem:s15+$0x1C0]  }
0x32a: {  	v19 =	vld [tilespmem:s15+$0xFFFFFFB0];
	v20 =	vor.u32 s26, v6;
	[tilespmem:v22+s9+$0x0] =	vst.idx.msk $0xffff, v21  }
0x32b: {  	v21 =	vld [tilespmem:s15+$0x30];
	v22 =	vor.u32 s13, v6;
	[tilespmem:v14+s9+$0x0] =	vst.idx.msk $0xffff, v13  }
0x32c: {  	[tilespmem:v16+s9+$0x0] =	vst.idx.msk $0xffff, v15;
	v13 =	vld [tilespmem:s15+$0xB0];
	v14 =	vor.u32 s16, v6  }
0x32d: {  	v15 =	vld [tilespmem:s15+$0x130];
	v16 =	vor.u32 s18, v6;
	[tilespmem:v18+s9+$0x0] =	vst.idx.msk $0xffff, v17  }
0x32e: {  	v17 =	vld [tilespmem:s15+$0xFFFFFE30];
	v18 =	vor.u32 s12, v6;
	[tilespmem:v12+s9+$0x0] =	vst.idx.msk $0xffff, v11  }
0x32f: {  	[tilespmem:v20+s9+$0x0] =	vst.idx.msk $0xffff, v19;
	v12 =	vor.u32 s20, v8;
	v11 =	vld [tilespmem:s15+$0x1D0]  }
0x330: {  	v19 =	vld [tilespmem:s15+$0xFFFFFEC0];
	v20 =	vor.u32 s14, v7;
	[tilespmem:v22+s9+$0x0] =	vst.idx.msk $0xffff, v21  }
0x331: {  	v21 =	vld [tilespmem:s15+$0xFFFFFF40];
	v22 =	vor.u32 s17, v7;
	[tilespmem:v14+s9+$0x0] =	vst.idx.msk $0xffff, v13  }
0x332: {  	v13 =	vld [tilespmem:s15+$0xFFFFFFC0];
	v14 =	vor.u32 s26, v7;
	[tilespmem:v16+s9+$0x0] =	vst.idx.msk $0xffff, v15  }
0x333: {  	v15 =	vld [tilespmem:s15+$0x40];
	v16 =	vor.u32 s13, v7;
	[tilespmem:v18+s9+$0x0] =	vst.idx.msk $0xffff, v17  }
0x334: {  	v17 =	vld [tilespmem:s15+$0xC0];
	v18 =	vor.u32 s16, v7;
	[tilespmem:v12+s9+$0x0] =	vst.idx.msk $0xffff, v11  }
0x335: {  	[tilespmem:v20+s9+$0x0] =	vst.idx.msk $0xffff, v19;
	v12 =	vor.u32 s20, v9;
	v11 =	vld [tilespmem:s15+$0x1E0]  }
0x336: {  	v19 =	vld [tilespmem:s15+$0x140];
	v20 =	vor.u32 s18, v7;
	[tilespmem:v22+s9+$0x0] =	vst.idx.msk $0xffff, v21  }
0x337: {  	v21 =	vld [tilespmem:s15+$0xFFFFFE40];
	v22 =	vor.u32 s12, v7;
	[tilespmem:v14+s9+$0x0] =	vst.idx.msk $0xffff, v13  }
0x338: {  	v13 =	vld [tilespmem:s15+$0xFFFFFED0];
	v14 =	vor.u32 s14, v8;
	[tilespmem:v16+s9+$0x0] =	vst.idx.msk $0xffff, v15  }
0x339: {  	v15 =	vld [tilespmem:s15+$0xFFFFFF50];
	v16 =	vor.u32 s17, v8;
	[tilespmem:v18+s9+$0x0] =	vst.idx.msk $0xffff, v17  }
0x33a: {  	v17 =	vld [tilespmem:s15+$0xFFFFFFD0];
	v18 =	vor.u32 s26, v8;
	[tilespmem:v12+s9+$0x0] =	vst.idx.msk $0xffff, v11  }
0x33b: {  	[tilespmem:v20+s9+$0x0] =	vst.idx.msk $0xffff, v19;
	v12 =	vor.u32 s20, v10;
	v11 =	vld [tilespmem:s15+$0x1F0]  }
0x33c: {  	v19 =	vld [tilespmem:s15+$0x50];
	v20 =	vor.u32 s13, v8;
	[tilespmem:v22+s9+$0x0] =	vst.idx.msk $0xffff, v21  }
0x33d: {  	v21 =	vld [tilespmem:s15+$0xD0];
	v22 =	vor.u32 s16, v8;
	[tilespmem:v14+s9+$0x0] =	vst.idx.msk $0xffff, v13  }
0x33e: {  	v13 =	vld [tilespmem:s15+$0xFFFFFE50];
	v14 =	vor.u32 s12, v8;
	[tilespmem:v16+s9+$0x0] =	vst.idx.msk $0xffff, v15  }
0x33f: {  	v16 =	vor.u32 s14, v9;
	v15 =	vld [tilespmem:s15+$0xFFFFFEE0];
	[tilespmem:v18+s9+$0x0] =	vst.idx.msk $0xffff, v17  }
0x340: {  	[tilespmem:v12+s9+$0x0] =	vst.idx.msk $0xffff, v11;
	v11 =	vld [tilespmem:s15+$0x150];
	v12 =	vor.u32 s18, v8  }
0x341: {  	v17 =	vld [tilespmem:s15+$0xFFFFFF60];
	v18 =	vor.u32 s17, v9;
	[tilespmem:v20+s9+$0x0] =	vst.idx.msk $0xffff, v19  }
0x342: {  	v20 =	vor.u32 s26, v9;
	v19 =	vld [tilespmem:s15+$0xFFFFFFE0];
	[tilespmem:v22+s9+$0x0] =	vst.idx.msk $0xffff, v21  }
0x343: {  	v21 =	vld [tilespmem:s15+$0x60];
	v22 =	vor.u32 s13, v9;
	[tilespmem:v14+s9+$0x0] =	vst.idx.msk $0xffff, v13  }
0x344: {  	v23 =	vor.u32 s12, v9;
	[tilespmem:v16+s9+$0x0] =	vst.idx.msk $0xffff, v15;
	v16 =	vld [tilespmem:s15+$0xFFFFFE60]  }
0x345: {  	[tilespmem:v12+s9+$0x0] =	vst.idx.msk $0xffff, v11;
	v11 =	vld [tilespmem:s15+$0xE0];
	v12 =	vor.u32 s16, v9  }
0x346: {  	v15 =	vor.u32 s18, v9;
	[tilespmem:v18+s9+$0x0] =	vst.idx.msk $0xffff, v17;
	v13 =	vld [tilespmem:s15+$0x160]  }
0x347: {  	v25 =	vor.u32 s14, v10;
	v24 =	vld [tilespmem:s15+$0xFFFFFEF0];
	[tilespmem:v20+s9+$0x0] =	vst.idx.msk $0xffff, v19  }
0x348: {  	v27 =	vor.u32 s17, v10;
	v26 =	vld [tilespmem:s15+$0xFFFFFF70];
	[tilespmem:v22+s9+$0x0] =	vst.idx.msk $0xffff, v21  }
0x349: {  	v20 =	vor.u32 s26, v10;
	v18 =	vld [tilespmem:s15+$0xFFFFFFF0];
	[tilespmem:v23+s9+$0x0] =	vst.idx.msk $0xffff, v16  }
0x34a: {  	v19 =	vor.u32 s13, v10;
	v14 =	vld [tilespmem:s15+$0x70];
	[tilespmem:v12+s9+$0x0] =	vst.idx.msk $0xffff, v11  }
0x34b: {  	v17 =	vor.u32 s16, v10;
	[tilespmem:v15+s9+$0x0] =	vst.idx.msk $0xffff, v13;
	v11 =	vld [tilespmem:s15+$0xF0]  }
0x34c: {  	s11 =	simm.s32 $0x8;
	[tilespmem:v25+s9+$0x0] =	vst.idx.msk $0xffff, v24;
	v15 =	vor.u32 s18, v10;
	v12 =	vld [tilespmem:s15+$0x170]  }
0x34d: {  	s14 =	simm.s32 $0x10;
	s13 =	simm.s32 $0xF;
	v16 =	vor.u32 s12, v10;
	s12 =	simm.s32 $0x600;
	[tilespmem:v27+s9+$0x0] =	vst.idx.msk $0xffff, v26;
	v13 =	vld [tilespmem:s15+$0xFFFFFE70]  }
.LBB2_11:
0x34e: {  	p2 =	slt.u32 s14, $0x18;
	s16 =	sadd.s32 $0x1, s11;
	v21 =	vld [tilespmem:s12+$0x180];
	v22 =	vor.u32 s13, v1;
	[tilespmem:v20+s9+$0x0] =	vst.idx.msk $0xffff, v18;
	s15 =	smov.u32 s11  }
0x34f: {  	s11 =	smov.u32 s14;
	v18 =	vld [tilespmem:s12+$0xFFFFFE80];
	v20 =	vor.u32 s16, v1;
	s17 =	sadd.s32 $0x2, s15;
	[tilespmem:v19+s9+$0x0] =	vst.idx.msk $0xffff, v14  }
0x350: {  	s18 =	sadd.s32 $0x3, s15;
	v14 =	vld [tilespmem:s12+$0xFFFFFF00];
	v19 =	vor.u32 s17, v1;
	[tilespmem:v17+s9+$0x0] =	vst.idx.msk $0xffff, v11  }
0x351: {  	s20 =	sadd.s32 $0x4, s15;
	v17 =	vor.u32 s18, v1;
	v11 =	vld [tilespmem:s12+$0xFFFFFF80];
	[tilespmem:v15+s9+$0x0] =	vst.idx.msk $0xffff, v12  }
0x352: {  	s21 =	sadd.s32 $0x5, s15;
	v15 =	vor.u32 s20, v1;
	v12 =	vld [tilespmem:s12+$0x0];
	[tilespmem:v16+s9+$0x0] =	vst.idx.msk $0xffff, v13  }
0x353: {  	v16 =	vor.u32 s21, v1;
	v13 =	vld [tilespmem:s12+$0x80];
	[tilespmem:v22+s9+$0x0] =	vst.idx.msk $0xffff, v21  }
0x354: {  	s26 =	sadd.s32 $0x6, s15;
	[tilespmem:v20+s9+$0x0] =	vst.idx.msk $0xffff, v18;
	v18 =	vld [tilespmem:s12+$0x190];
	v20 =	vor.u32 s13, v4  }
0x355: {  	[tilespmem:v19+s9+$0x0] =	vst.idx.msk $0xffff, v14;
	v14 =	vld [tilespmem:s12+$0x100];
	v19 =	vor.u32 s26, v1  }
0x356: {  	v22 =	vor.u32 s15, v1;
	v21 =	vld [tilespmem:s12+$0xFFFFFE00];
	[tilespmem:v17+s9+$0x0] =	vst.idx.msk $0xffff, v11  }
0x357: {  	v17 =	vor.u32 s16, v4;
	v11 =	vld [tilespmem:s12+$0xFFFFFE90];
	[tilespmem:v15+s9+$0x0] =	vst.idx.msk $0xffff, v12  }
0x358: {  	v15 =	vor.u32 s17, v4;
	v12 =	vld [tilespmem:s12+$0xFFFFFF10];
	[tilespmem:v16+s9+$0x0] =	vst.idx.msk $0xffff, v13  }
0x359: {  	v16 =	vor.u32 s18, v4;
	v13 =	vld [tilespmem:s12+$0xFFFFFF90];
	[tilespmem:v20+s9+$0x0] =	vst.idx.msk $0xffff, v18  }
0x35a: {  	v18 =	vor.u32 s13, v5;
	[tilespmem:v19+s9+$0x0] =	vst.idx.msk $0xffff, v14;
	v14 =	vld [tilespmem:s12+$0x1A0]  }
0x35b: {  	v20 =	vor.u32 s20, v4;
	[tilespmem:v22+s9+$0x0] =	vst.idx.msk $0xffff, v21;
	v19 =	vld [tilespmem:s12+$0x10]  }
0x35c: {  	[tilespmem:v17+s9+$0x0] =	vst.idx.msk $0xffff, v11;
	v11 =	vld [tilespmem:s12+$0x90];
	v17 =	vor.u32 s21, v4  }
0x35d: {  	[tilespmem:v15+s9+$0x0] =	vst.idx.msk $0xffff, v12;
	v12 =	vld [tilespmem:s12+$0x110];
	v15 =	vor.u32 s26, v4  }
0x35e: {  	v22 =	vor.u32 s15, v4;
	v21 =	vld [tilespmem:s12+$0xFFFFFE10];
	[tilespmem:v16+s9+$0x0] =	vst.idx.msk $0xffff, v13  }
0x35f: {  	v16 =	vor.u32 s16, v5;
	v13 =	vld [tilespmem:s12+$0xFFFFFEA0];
	[tilespmem:v18+s9+$0x0] =	vst.idx.msk $0xffff, v14  }
0x360: {  	v18 =	vor.u32 s13, v6;
	[tilespmem:v20+s9+$0x0] =	vst.idx.msk $0xffff, v19;
	v14 =	vld [tilespmem:s12+$0x1B0]  }
0x361: {  	v20 =	vor.u32 s17, v5;
	v19 =	vld [tilespmem:s12+$0xFFFFFF20];
	[tilespmem:v17+s9+$0x0] =	vst.idx.msk $0xffff, v11  }
0x362: {  	v17 =	vor.u32 s18, v5;
	v11 =	vld [tilespmem:s12+$0xFFFFFFA0];
	[tilespmem:v15+s9+$0x0] =	vst.idx.msk $0xffff, v12  }
0x363: {  	v15 =	vor.u32 s20, v5;
	[tilespmem:v22+s9+$0x0] =	vst.idx.msk $0xffff, v21;
	v12 =	vld [tilespmem:s12+$0x20]  }
0x364: {  	[tilespmem:v16+s9+$0x0] =	vst.idx.msk $0xffff, v13;
	v13 =	vld [tilespmem:s12+$0xA0];
	v16 =	vor.u32 s21, v5  }
0x365: {  	v22 =	vor.u32 s26, v5;
	v21 =	vld [tilespmem:s12+$0x120];
	[tilespmem:v18+s9+$0x0] =	vst.idx.msk $0xffff, v14  }
0x366: {  	v18 =	vor.u32 s13, v7;
	[tilespmem:v20+s9+$0x0] =	vst.idx.msk $0xffff, v19;
	v14 =	vld [tilespmem:s12+$0x1C0]  }
0x367: {  	v20 =	vor.u32 s15, v5;
	v19 =	vld [tilespmem:s12+$0xFFFFFE20];
	[tilespmem:v17+s9+$0x0] =	vst.idx.msk $0xffff, v11  }
0x368: {  	v17 =	vor.u32 s16, v6;
	v11 =	vld [tilespmem:s12+$0xFFFFFEB0];
	[tilespmem:v15+s9+$0x0] =	vst.idx.msk $0xffff, v12  }
0x369: {  	v15 =	vor.u32 s17, v6;
	v12 =	vld [tilespmem:s12+$0xFFFFFF30];
	[tilespmem:v16+s9+$0x0] =	vst.idx.msk $0xffff, v13  }
0x36a: {  	v16 =	vor.u32 s18, v6;
	v13 =	vld [tilespmem:s12+$0xFFFFFFB0];
	[tilespmem:v22+s9+$0x0] =	vst.idx.msk $0xffff, v21  }
0x36b: {  	v22 =	vor.u32 s20, v6;
	v21 =	vld [tilespmem:s12+$0x30];
	[tilespmem:v18+s9+$0x0] =	vst.idx.msk $0xffff, v14  }
0x36c: {  	v18 =	vor.u32 s13, v8;
	[tilespmem:v20+s9+$0x0] =	vst.idx.msk $0xffff, v19;
	v14 =	vld [tilespmem:s12+$0x1D0]  }
0x36d: {  	[tilespmem:v17+s9+$0x0] =	vst.idx.msk $0xffff, v11;
	v11 =	vld [tilespmem:s12+$0xB0];
	v17 =	vor.u32 s21, v6  }
0x36e: {  	[tilespmem:v15+s9+$0x0] =	vst.idx.msk $0xffff, v12;
	v12 =	vld [tilespmem:s12+$0x130];
	v15 =	vor.u32 s26, v6  }
0x36f: {  	v20 =	vor.u32 s15, v6;
	v19 =	vld [tilespmem:s12+$0xFFFFFE30];
	[tilespmem:v16+s9+$0x0] =	vst.idx.msk $0xffff, v13  }
0x370: {  	v16 =	vor.u32 s16, v7;
	v13 =	vld [tilespmem:s12+$0xFFFFFEC0];
	[tilespmem:v22+s9+$0x0] =	vst.idx.msk $0xffff, v21  }
0x371: {  	v22 =	vor.u32 s17, v7;
	v21 =	vld [tilespmem:s12+$0xFFFFFF40];
	[tilespmem:v18+s9+$0x0] =	vst.idx.msk $0xffff, v14  }
0x372: {  	v14 =	vor.u32 s13, v9;
	[tilespmem:v17+s9+$0x0] =	vst.idx.msk $0xffff, v11;
	v11 =	vld [tilespmem:s12+$0x1E0]  }
0x373: {  	v18 =	vor.u32 s18, v7;
	v17 =	vld [tilespmem:s12+$0xFFFFFFC0];
	[tilespmem:v15+s9+$0x0] =	vst.idx.msk $0xffff, v12  }
0x374: {  	v15 =	vor.u32 s20, v7;
	[tilespmem:v20+s9+$0x0] =	vst.idx.msk $0xffff, v19;
	v12 =	vld [tilespmem:s12+$0x40]  }
0x375: {  	[tilespmem:v16+s9+$0x0] =	vst.idx.msk $0xffff, v13;
	v13 =	vld [tilespmem:s12+$0xC0];
	v16 =	vor.u32 s21, v7  }
0x376: {  	v20 =	vor.u32 s26, v7;
	[tilespmem:v22+s9+$0x0] =	vst.idx.msk $0xffff, v21;
	v19 =	vld [tilespmem:s12+$0x140]  }
0x377: {  	v22 =	vor.u32 s15, v7;
	v21 =	vld [tilespmem:s12+$0xFFFFFE40];
	[tilespmem:v14+s9+$0x0] =	vst.idx.msk $0xffff, v11  }
0x378: {  	v14 =	vor.u32 s13, v10;
	[tilespmem:v18+s9+$0x0] =	vst.idx.msk $0xffff, v17;
	v11 =	vld [tilespmem:s12+$0x1F0]  }
0x379: {  	v18 =	vor.u32 s16, v8;
	v17 =	vld [tilespmem:s12+$0xFFFFFED0];
	[tilespmem:v15+s9+$0x0] =	vst.idx.msk $0xffff, v12  }
0x37a: {  	v15 =	vor.u32 s17, v8;
	v12 =	vld [tilespmem:s12+$0xFFFFFF50];
	[tilespmem:v16+s9+$0x0] =	vst.idx.msk $0xffff, v13  }
0x37b: {  	v16 =	vor.u32 s18, v8;
	v13 =	vld [tilespmem:s12+$0xFFFFFFD0];
	[tilespmem:v20+s9+$0x0] =	vst.idx.msk $0xffff, v19  }
0x37c: {  	v20 =	vor.u32 s20, v8;
	[tilespmem:v22+s9+$0x0] =	vst.idx.msk $0xffff, v21;
	v19 =	vld [tilespmem:s12+$0x50]  }
0x37d: {  	v22 =	vor.u32 s21, v8;
	v21 =	vld [tilespmem:s12+$0xD0];
	[tilespmem:v14+s9+$0x0] =	vst.idx.msk $0xffff, v11  }
0x37e: {  	v14 =	vor.u32 s26, v8;
	[tilespmem:v18+s9+$0x0] =	vst.idx.msk $0xffff, v17;
	v11 =	vld [tilespmem:s12+$0x150]  }
0x37f: {  	v18 =	vor.u32 s15, v8;
	v17 =	vld [tilespmem:s12+$0xFFFFFE50];
	[tilespmem:v15+s9+$0x0] =	vst.idx.msk $0xffff, v12  }
0x380: {  	v15 =	vor.u32 s16, v9;
	v12 =	vld [tilespmem:s12+$0xFFFFFEE0];
	[tilespmem:v16+s9+$0x0] =	vst.idx.msk $0xffff, v13  }
0x381: {  	v16 =	vor.u32 s17, v9;
	v13 =	vld [tilespmem:s12+$0xFFFFFF60];
	[tilespmem:v20+s9+$0x0] =	vst.idx.msk $0xffff, v19  }
0x382: {  	v20 =	vor.u32 s18, v9;
	v19 =	vld [tilespmem:s12+$0xFFFFFFE0];
	[tilespmem:v22+s9+$0x0] =	vst.idx.msk $0xffff, v21  }
0x383: {  	v22 =	vor.u32 s20, v9;
	v21 =	vld [tilespmem:s12+$0x60];
	[tilespmem:v14+s9+$0x0] =	vst.idx.msk $0xffff, v11  }
0x384: {  	v14 =	vor.u32 s21, v9;
	[tilespmem:v18+s9+$0x0] =	vst.idx.msk $0xffff, v17;
	v11 =	vld [tilespmem:s12+$0xE0]  }
0x385: {  	[tilespmem:v15+s9+$0x0] =	vst.idx.msk $0xffff, v12;
	v12 =	vld [tilespmem:s12+$0x160];
	v15 =	vor.u32 s26, v9  }
0x386: {  	v23 =	vor.u32 s15, v9;
	v17 =	vld [tilespmem:s12+$0xFFFFFE60];
	[tilespmem:v16+s9+$0x0] =	vst.idx.msk $0xffff, v13  }
0x387: {  	v16 =	vor.u32 s16, v10;
	v13 =	vld [tilespmem:s12+$0xFFFFFEF0];
	[tilespmem:v20+s9+$0x0] =	vst.idx.msk $0xffff, v19  }
0x388: {  	v25 =	vor.u32 s17, v10;
	v24 =	vld [tilespmem:s12+$0xFFFFFF70];
	[tilespmem:v22+s9+$0x0] =	vst.idx.msk $0xffff, v21  }
.Ltmp7:
0x389: {  	v20 =	vor.u32 s18, v10;
	v18 =	vld [tilespmem:s12+$0xFFFFFFF0];
	[tilespmem:v14+s9+$0x0] =	vst.idx.msk $0xffff, v11;
	(pc) =	sbr.rel @p2 .LBB2_11-.Ltmp7, $4  }
0x38a: {  	v19 =	vor.u32 s20, v10;
	v14 =	vld [tilespmem:s12+$0x70];
	[tilespmem:v15+s9+$0x0] =	vst.idx.msk $0xffff, v12  }
0x38b: {  	[tilespmem:v23+s9+$0x0] =	vst.idx.msk $0xffff, v17;
	v11 =	vld [tilespmem:s12+$0xF0];
	v17 =	vor.u32 s21, v10  }
0x38c: {  	v15 =	vor.u32 s26, v10;
	[tilespmem:v16+s9+$0x0] =	vst.idx.msk $0xffff, v13;
	v12 =	vld [tilespmem:s12+$0x170]  }
0x38d: {  	s14 =	sadd.s32 $0x8, s14;
	s13 =	sadd.s32 $0x7, s11;
	v16 =	vor.u32 s15, v10;
	v13 =	vld [tilespmem:s12+$0xFFFFFE70];
	[tilespmem:v25+s9+$0x0] =	vst.idx.msk $0xffff, v24;
	s12 =	sadd.s32 $0x400, s12  }
0x38e: {  	_ =	sdelay $0x3  }
0x38f: {  	v21 =	vld [tilespmem:s12+$0x180];
	v22 =	vor.u32 s13, v1;
	[tilespmem:v20+s9+$0x0] =	vst.idx.msk $0xffff, v18  }
0x390: {  	s14 =	sadd.s32 $0x1, s11;
	v49 =	vld [tilespmem:s12+$0xFFFFFE00];
	v50 =	vor.u32 s11, v1;
	[tilespmem:v19+s9+$0x0] =	vst.idx.msk $0xffff, v14  }
0x391: {  	v36 =	vld [tilespmem:s12+$0xFFFFFE80];
	s15 =	sadd.s32 $0x2, s11;
	v37 =	vor.u32 s14, v1;
	[tilespmem:v17+s9+$0x0] =	vst.idx.msk $0xffff, v11  }
0x392: {  	v38 =	vld [tilespmem:s12+$0xFFFFFF00];
	s17 =	sadd.s32 $0x4, s11;
	v39 =	vor.u32 s15, v1;
	[tilespmem:v15+s9+$0x0] =	vst.idx.msk $0xffff, v12  }
0x393: {  	s16 =	sadd.s32 $0x3, s11;
	v41 =	vld [tilespmem:s12+$0x0];
	v42 =	vor.u32 s17, v1;
	[tilespmem:v16+s9+$0x0] =	vst.idx.msk $0xffff, v13  }
0x394: {  	s18 =	sadd.s32 $0x5, s11;
	v40 =	vor.u32 s16, v1;
	v11 =	vld [tilespmem:s12+$0xFFFFFF80];
	[tilespmem:v22+s9+$0x0] =	vst.idx.msk $0xffff, v21  }
0x395: {  	v43 =	vld [tilespmem:s12+$0x80];
	s20 =	sadd.s32 $0x6, s11;
	v44 =	vor.u32 s18, v1;
	[tilespmem:v50+s9+$0x0] =	vst.idx.msk $0xffff, v49  }
0x396: {  	v47 =	vld [tilespmem:s12+$0x100];
	v48 =	vor.u32 s20, v1;
	[tilespmem:v37+s9+$0x0] =	vst.idx.msk $0xffff, v36  }
0x397: {  	v46 =	vor.u32 s13, v4;
	v45 =	vld [tilespmem:s12+$0x190];
	[tilespmem:v39+s9+$0x0] =	vst.idx.msk $0xffff, v38  }
0x398: {  	v63 =	vor.u32 s11, v4;
	[tilespmem:v42+s9+$0x0] =	vst.idx.msk $0xffff, v41;
	v21 =	vld [tilespmem:s12+$0xFFFFFE10]  }
0x399: {  	v51 =	vor.u32 s14, v4;
	[tilespmem:v40+s9+$0x0] =	vst.idx.msk $0xffff, v11;
	v11 =	vld [tilespmem:s12+$0xFFFFFE90]  }
0x39a: {  	v53 =	vor.u32 s15, v4;
	[tilespmem:v44+s9+$0x0] =	vst.idx.msk $0xffff, v43;
	v52 =	vld [tilespmem:s12+$0xFFFFFF10]  }
0x39b: {  	v59 =	vor.u32 s17, v4;
	[tilespmem:v48+s9+$0x0] =	vst.idx.msk $0xffff, v47;
	v58 =	vld [tilespmem:s12+$0x10]  }
0x39c: {  	v62 =	vor.u32 s20, v4;
	v61 =	vld [tilespmem:s12+$0x110];
	[tilespmem:v46+s9+$0x0] =	vst.idx.msk $0xffff, v45  }
0x39d: {  	v55 =	vor.u32 s16, v4;
	v54 =	vld [tilespmem:s12+$0xFFFFFF90];
	[tilespmem:v63+s9+$0x0] =	vst.idx.msk $0xffff, v21  }
0x39e: {  	v57 =	vor.u32 s13, v5;
	v56 =	vld [tilespmem:s12+$0x1A0];
	[tilespmem:v51+s9+$0x0] =	vst.idx.msk $0xffff, v11  }
0x39f: {  	v60 =	vor.u32 s18, v4;
	v11 =	vld [tilespmem:s12+$0x90];
	[tilespmem:v53+s9+$0x0] =	vst.idx.msk $0xffff, v52  }
0x3a0: {  	v38 =	vor.u32 s11, v5;
	[tilespmem:v59+s9+$0x0] =	vst.idx.msk $0xffff, v58;
	v37 =	vld [tilespmem:s12+$0xFFFFFE20]  }
0x3a1: {  	v25 =	vor.u32 s14, v5;
	[tilespmem:v62+s9+$0x0] =	vst.idx.msk $0xffff, v61;
	v24 =	vld [tilespmem:s12+$0xFFFFFEA0]  }
0x3a2: {  	v28 =	vor.u32 s15, v5;
	[tilespmem:v55+s9+$0x0] =	vst.idx.msk $0xffff, v54;
	v27 =	vld [tilespmem:s12+$0xFFFFFF20]  }
0x3a3: {  	v31 =	vor.u32 s17, v5;
	v30 =	vld [tilespmem:s12+$0x20];
	[tilespmem:v57+s9+$0x0] =	vst.idx.msk $0xffff, v56  }
0x3a4: {  	v35 =	vor.u32 s20, v5;
	v34 =	vld [tilespmem:s12+$0x120];
	[tilespmem:v60+s9+$0x0] =	vst.idx.msk $0xffff, v11  }
0x3a5: {  	v26 =	vor.u32 s13, v6;
	[tilespmem:v38+s9+$0x0] =	vst.idx.msk $0xffff, v37;
	v14 =	vld [tilespmem:s12+$0x1B0]  }
0x3a6: {  	v29 =	vor.u32 s16, v5;
	v11 =	vld [tilespmem:s12+$0xFFFFFFA0];
	[tilespmem:v25+s9+$0x0] =	vst.idx.msk $0xffff, v24  }
0x3a7: {  	v33 =	vor.u32 s18, v5;
	v32 =	vld [tilespmem:s12+$0xA0];
	[tilespmem:v28+s9+$0x0] =	vst.idx.msk $0xffff, v27  }
0x3a8: {  	v50 =	vor.u32 s11, v6;
	[tilespmem:v31+s9+$0x0] =	vst.idx.msk $0xffff, v30;
	v19 =	vld [tilespmem:s12+$0xFFFFFE30]  }
0x3a9: {  	v41 =	vor.u32 s15, v6;
	[tilespmem:v35+s9+$0x0] =	vst.idx.msk $0xffff, v34;
	v40 =	vld [tilespmem:s12+$0xFFFFFF30]  }
0x3aa: {  	v45 =	vor.u32 s17, v6;
	v44 =	vld [tilespmem:s12+$0x30];
	[tilespmem:v26+s9+$0x0] =	vst.idx.msk $0xffff, v14  }
0x3ab: {  	v36 =	vor.u32 s13, v7;
	[tilespmem:v29+s9+$0x0] =	vst.idx.msk $0xffff, v11;
	v14 =	vld [tilespmem:s12+$0x1C0]  }
0x3ac: {  	v49 =	vor.u32 s20, v6;
	v48 =	vld [tilespmem:s12+$0x130];
	[tilespmem:v33+s9+$0x0] =	vst.idx.msk $0xffff, v32  }
0x3ad: {  	v39 =	vor.u32 s14, v6;
	v11 =	vld [tilespmem:s12+$0xFFFFFEB0];
	[tilespmem:v50+s9+$0x0] =	vst.idx.msk $0xffff, v19  }
0x3ae: {  	v43 =	vor.u32 s16, v6;
	v42 =	vld [tilespmem:s12+$0xFFFFFFB0];
	[tilespmem:v41+s9+$0x0] =	vst.idx.msk $0xffff, v40  }
0x3af: {  	v25 =	vor.u32 s11, v7;
	[tilespmem:v45+s9+$0x0] =	vst.idx.msk $0xffff, v44;
	v24 =	vld [tilespmem:s12+$0xFFFFFE40]  }
0x3b0: {  	v54 =	vor.u32 s15, v7;
	v53 =	vld [tilespmem:s12+$0xFFFFFF40];
	[tilespmem:v36+s9+$0x0] =	vst.idx.msk $0xffff, v14  }
0x3b1: {  	v46 =	vor.u32 s13, v8;
	[tilespmem:v49+s9+$0x0] =	vst.idx.msk $0xffff, v48;
	v14 =	vld [tilespmem:s12+$0x1D0]  }
0x3b2: {  	v47 =	vor.u32 s18, v6;
	[tilespmem:v39+s9+$0x0] =	vst.idx.msk $0xffff, v11;
	v11 =	vld [tilespmem:s12+$0xB0]  }
0x3b3: {  	v59 =	vor.u32 s17, v7;
	v58 =	vld [tilespmem:s12+$0x40];
	[tilespmem:v43+s9+$0x0] =	vst.idx.msk $0xffff, v42  }
0x3b4: {  	v63 =	vor.u32 s20, v7;
	v62 =	vld [tilespmem:s12+$0x140];
	[tilespmem:v25+s9+$0x0] =	vst.idx.msk $0xffff, v24  }
0x3b5: {  	v52 =	vor.u32 s14, v7;
	v51 =	vld [tilespmem:s12+$0xFFFFFEC0];
	[tilespmem:v54+s9+$0x0] =	vst.idx.msk $0xffff, v53  }
0x3b6: {  	v57 =	vor.u32 s16, v7;
	v56 =	vld [tilespmem:s12+$0xFFFFFFC0];
	[tilespmem:v46+s9+$0x0] =	vst.idx.msk $0xffff, v14  }
0x3b7: {  	v55 =	vor.u32 s13, v9;
	[tilespmem:v47+s9+$0x0] =	vst.idx.msk $0xffff, v11;
	v11 =	vld [tilespmem:s12+$0x1E0]  }
0x3b8: {  	v39 =	vor.u32 s11, v8;
	[tilespmem:v59+s9+$0x0] =	vst.idx.msk $0xffff, v58;
	v38 =	vld [tilespmem:s12+$0xFFFFFE50]  }
0x3b9: {  	v30 =	vor.u32 s15, v8;
	[tilespmem:v63+s9+$0x0] =	vst.idx.msk $0xffff, v62;
	v29 =	vld [tilespmem:s12+$0xFFFFFF50]  }
0x3ba: {  	v34 =	vor.u32 s17, v8;
	v33 =	vld [tilespmem:s12+$0x50];
	[tilespmem:v52+s9+$0x0] =	vst.idx.msk $0xffff, v51  }
0x3bb: {  	v61 =	vor.u32 s18, v7;
	v60 =	vld [tilespmem:s12+$0xC0];
	[tilespmem:v57+s9+$0x0] =	vst.idx.msk $0xffff, v56  }
0x3bc: {  	v28 =	vor.u32 s14, v8;
	v27 =	vld [tilespmem:s12+$0xFFFFFED0];
	[tilespmem:v55+s9+$0x0] =	vst.idx.msk $0xffff, v11  }
0x3bd: {  	v26 =	vor.u32 s13, v10;
	[tilespmem:v39+s9+$0x0] =	vst.idx.msk $0xffff, v38;
	v11 =	vld [tilespmem:s12+$0x1F0]  }
0x3be: {  	v32 =	vor.u32 s16, v8;
	v31 =	vld [tilespmem:s12+$0xFFFFFFD0];
	[tilespmem:v30+s9+$0x0] =	vst.idx.msk $0xffff, v29  }
0x3bf: {  	v51 =	vor.u32 s11, v9;
	[tilespmem:v34+s9+$0x0] =	vst.idx.msk $0xffff, v33;
	v17 =	vld [tilespmem:s12+$0xFFFFFE60]  }
0x3c0: {  	v43 =	vor.u32 s15, v9;
	v42 =	vld [tilespmem:s12+$0xFFFFFF60];
	[tilespmem:v61+s9+$0x0] =	vst.idx.msk $0xffff, v60  }
0x3c1: {  	v36 =	vor.u32 s18, v8;
	v35 =	vld [tilespmem:s12+$0xD0];
	[tilespmem:v28+s9+$0x0] =	vst.idx.msk $0xffff, v27  }
0x3c2: {  	v37 =	vor.u32 s20, v8;
	[tilespmem:v26+s9+$0x0] =	vst.idx.msk $0xffff, v11;
	v11 =	vld [tilespmem:s12+$0x150]  }
0x3c3: {  	v47 =	vor.u32 s17, v9;
	v46 =	vld [tilespmem:s12+$0x60];
	[tilespmem:v32+s9+$0x0] =	vst.idx.msk $0xffff, v31  }
0x3c4: {  	v41 =	vor.u32 s14, v9;
	v40 =	vld [tilespmem:s12+$0xFFFFFEE0];
	[tilespmem:v51+s9+$0x0] =	vst.idx.msk $0xffff, v17  }
0x3c5: {  	v45 =	vor.u32 s16, v9;
	v44 =	vld [tilespmem:s12+$0xFFFFFFE0];
	[tilespmem:v43+s9+$0x0] =	vst.idx.msk $0xffff, v42  }
0x3c6: {  	v63 =	vor.u32 s11, v10;
	v17 =	vld [tilespmem:s12+$0xFFFFFE70];
	[tilespmem:v36+s9+$0x0] =	vst.idx.msk $0xffff, v35  }
0x3c7: {  	v48 =	vor.u32 s18, v9;
	[tilespmem:v37+s9+$0x0] =	vst.idx.msk $0xffff, v11;
	v11 =	vld [tilespmem:s12+$0xE0]  }
0x3c8: {  	v50 =	vor.u32 s20, v9;
	[tilespmem:v47+s9+$0x0] =	vst.idx.msk $0xffff, v46;
	v49 =	vld [tilespmem:s12+$0x160]  }
0x3c9: {  	v55 =	vor.u32 s15, v10;
	v54 =	vld [tilespmem:s12+$0xFFFFFF70];
	[tilespmem:v41+s9+$0x0] =	vst.idx.msk $0xffff, v40  }
0x3ca: {  	v53 =	vor.u32 s14, v10;
	v52 =	vld [tilespmem:s12+$0xFFFFFEF0];
	[tilespmem:v45+s9+$0x0] =	vst.idx.msk $0xffff, v44  }
0x3cb: {  	v57 =	vor.u32 s16, v10;
	v56 =	vld [tilespmem:s12+$0xFFFFFFF0];
	[tilespmem:v63+s9+$0x0] =	vst.idx.msk $0xffff, v17  }
0x3cc: {  	v58 =	vor.u32 s17, v10;
	[tilespmem:v48+s9+$0x0] =	vst.idx.msk $0xffff, v11;
	v11 =	vld [tilespmem:s12+$0x70]  }
0x3cd: {  	v60 =	vor.u32 s18, v10;
	[tilespmem:v50+s9+$0x0] =	vst.idx.msk $0xffff, v49;
	v59 =	vld [tilespmem:s12+$0xF0]  }
0x3ce: {  	v62 =	vor.u32 s20, v10;
	[tilespmem:v55+s9+$0x0] =	vst.idx.msk $0xffff, v54;
	v61 =	vld [tilespmem:s12+$0x170]  }
0x3cf: {  	[tilespmem:v53+s9+$0x0] =	vst.idx.msk $0xffff, v52  }
0x3d0: {  	[tilespmem:v57+s9+$0x0] =	vst.idx.msk $0xffff, v56  }
0x3d1: {  	[tilespmem:v58+s9+$0x0] =	vst.idx.msk $0xffff, v11  }
0x3d2: {  	[tilespmem:v60+s9+$0x0] =	vst.idx.msk $0xffff, v59  }
0x3d3: {  	[tilespmem:v62+s9+$0x0] =	vst.idx.msk $0xffff, v61  }
0x3d4: {  	s21 =	simm.s32 $0x5000;
	s20 =	rddreg [dreg:$0x17]  }
0x3d5: {  	[hbm4b:s20+s3] =	stream.linear.scatter [tilespmem:s21], [sflag:$0xA], $0x400, $0x38;
	[tilespmem:$0x10000] =	vst v63  }
.Ltmp8:
0x3d6: {  	s26 =	simm.s32 $0x5800;
	s11 =	sadd.s32 $0x80, s20;
	(pc) =	sbr.rel .LBB2_13-.Ltmp8, $4  }
0x3d7: {  	[hbm4b:s11+s3] =	stream.linear.scatter [tilespmem:s26], [sflag:$0xA], $0x400, $0x38;
	[tilespmem:$0x10000] =	vst v63  }
0x3d8: {  	_ =	swait.ge [sflag:s25], $0x800  }
0x3d9: {  	[sflag:s25] =	ssyncset.done $0x0  }
0x3da: {  	[sflag:s25] =	ssyncadd.s32 $0xFFFFF800  }
.LBB2_14:
0x3db: {  	_ =	sfence.sel $0x180000  }
0x3dc: {  	[bflag:$0x0] =	sbarrier.arrive $0xFFFF  }
0x3dd: {  	_ =	strace $0x90000047  }
0x3de: {  	s0 =	stileid.u32;
	[bflag:$0x2] =	sbarrier.arrive $0xFFFF  }
0x3df: {  	p0 =	sne.s32 s0, $0x0;
	s0 =	rddreg [dreg:$0x5]  }
0x3e0: {  	s0 =	sadd.s32 @!p0 $0x100000, s0  }
0x3e1: {  	[sflag:s0] =	ssyncadd.tile.s32 @!p0 $0x1;
	_ =	shalt  }
.Lfunc_end2:
_tile_overlayer_lowered:
.L_overlay_start_2:
0x3e2: {  	(tag) =	ssettag $0x2  }
0x3e3: {  	s0 =	rddreg [dreg:$0x0];
	s2 =	stileid.u32  }
0x3e4: {  	s1 =	rddreg [dreg:$0x1];
	p0 =	sne.s32 s2, $0x0  }
0x3e5: {  	s3 =	rddreg [dreg:$0x2];
	[bflag:$0x3] =	sbarrier.arrive $0xFFFF;
	s2 =	simm.s32 @!p0 $0x1C0A  }
0x3e6: {  	[timem:s3], [sflag:s2] =	dma.local @!p0 [hbm:s0], s1  }
0x3e7: {  	s0 =	simm.s32 @!p0 $0xA  }
0x3e8: {  	_ =	swait.ge @!p0 [sflag:s0], s1  }
0x3e9: {  	s1 =	ssub.s32 @!p0 $0x0, s1;
	[sflag:s0] =	ssyncset.done @!p0 $0x0  }
0x3ea: {  	[sflag:s0] =	ssyncadd.s32 @!p0 s1  }
0x3eb: {  	[bflag:$0x3] =	sbarrier.arrive $0xFFFF  }
0x3ec: {  	_ =	shalt  }

</sc_bundles>
